<compile_context>
chip_gen: v7x
topology: tpu7x:2x2x1
jax: 0.10.2.dev20260603
libtpu: 0.0.44.dev20260713+nightly
codegen_flags: <defaults>
</compile_context>

<pallas_src>
import functools

import jax
import jax.numpy as jnp
from jax import lax
from jax.experimental import pallas as pl
from jax.experimental.pallas import tpu as pltpu
from jax.experimental.pallas import tpu_sc as plsc

_NC = 2
_NS = 16
_NW = _NC * _NS


def _sc_gather(V, lin_table, idx, chunk):
    BM = idx.shape[0]
    K = V.shape[1]
    per_w = BM // _NW
    n_chunks = per_w // chunk
    assert per_w % chunk == 0 and BM % _NW == 0 and chunk % 8 == 0

    mesh = plsc.VectorSubcoreMesh(
        core_axis_name="c", subcore_axis_name="s",
        num_cores=_NC, num_subcores=_NS,
    )

    @functools.partial(
        pl.kernel,
        mesh=mesh,
        compiler_params=pltpu.CompilerParams(use_tc_tiling_on_sc=False),
        out_type=(
            jax.ShapeDtypeStruct((BM, K), jnp.float32),
            jax.ShapeDtypeStruct((BM, 1), jnp.float32),
        ),
        scratch_types=[
            pltpu.VMEM((2, chunk), jnp.int32),
            pltpu.VMEM((2, chunk, K), jnp.float32),
            pltpu.VMEM((2, chunk, 1), jnp.float32),
            pltpu.SemaphoreType.DMA,
            pltpu.SemaphoreType.DMA,
        ],
    )
    def gather_kernel(v_hbm, lin_hbm, idx_hbm, emb_out, lin_out,
                      idx_v, rows_v, linrow_v, sem_v, sem_l):
        wid = lax.axis_index("s") * _NC + lax.axis_index("c")
        base = wid * per_w

        def fire(slot, g):
            off = base + g * chunk
            pltpu.sync_copy(idx_hbm.at[pl.ds(off, chunk)], idx_v.at[slot])
            pltpu.async_copy(v_hbm.at[idx_v.at[slot]], rows_v.at[slot], sem_v)
            pltpu.async_copy(lin_hbm.at[idx_v.at[slot]], linrow_v.at[slot],
                             sem_l)

        def drain(slot, g):
            off = base + g * chunk
            pltpu.make_async_copy(v_hbm.at[idx_v.at[slot]], rows_v.at[slot],
                                  sem_v).wait()
            pltpu.make_async_copy(lin_hbm.at[idx_v.at[slot]],
                                  linrow_v.at[slot], sem_l).wait()
            pltpu.sync_copy(rows_v.at[slot], emb_out.at[pl.ds(off, chunk)])
            pltpu.sync_copy(linrow_v.at[slot], lin_out.at[pl.ds(off, chunk)])

        fire(0, 0)
        for g in range(1, n_chunks):
            fire(g % 2, g)
            drain((g - 1) % 2, g - 1)
        drain((n_chunks - 1) % 2, n_chunks - 1)

    return gather_kernel(V, lin_table, idx)


def _mlp_block(embd_ref, dense_ref, linv_ref, w0e_ref, w0d_ref, b0_ref,
               w1_ref, b1_ref, w2_ref, b2_ref, wh_ref, wli_ref, out_ref,
               *, m_fields, k_dim):
    e = embd_ref[...]
    s = e[:, 0:k_dim]
    for m in range(1, m_fields):
        s = s + e[:, m * k_dim:(m + 1) * k_dim]
    sum_sq = jnp.sum(e * e, axis=1, keepdims=True)
    sq_sum = jnp.sum(s * s, axis=1, keepdims=True)
    inter = 0.5 * (sq_sum - sum_sq)
    lin = jnp.sum(linv_ref[...], axis=1, keepdims=True)

    h = e @ w0e_ref[...] + dense_ref[...] @ w0d_ref[...] + b0_ref[...]
    h = jnp.maximum(h, 0.0)
    h = jnp.maximum(h @ w1_ref[...] + b1_ref[...], 0.0)
    h = jnp.maximum(h @ w2_ref[...] + b2_ref[...], 0.0)
    wli = wli_ref[...]
    z = (h @ wh_ref[...] + lin * wli[0, 0] + inter * wli[0, 1]
         + wli[0, 2])
    out_ref[...] = jax.nn.sigmoid(z)


def _tc_mlp(embd_flat, dense, linv, W0, b0, W1, b1, W2, b2, Wfc, bfc,
            block_b, interpret=False):
    B, MK = embd_flat.shape
    M = linv.shape[1]
    K = MK // M
    D = dense.shape[1]
    H0, H1, H2 = W0.shape[1], W1.shape[1], W2.shape[1]
    w0e = W0[:MK]
    w0d = W0[MK:]
    wh = Wfc[2:]
    wli = jnp.concatenate([Wfc[0:1, 0], Wfc[1:2, 0], bfc]).reshape(1, 3)
    grid = (B // block_b,)

    out = pl.pallas_call(
        functools.partial(_mlp_block, m_fields=M, k_dim=K),
        grid=grid,
        in_specs=[
            pl.BlockSpec((block_b, MK), lambda i: (i, 0)),
            pl.BlockSpec((block_b, D), lambda i: (i, 0)),
            pl.BlockSpec((block_b, M), lambda i: (i, 0)),
            pl.BlockSpec((MK, H0), lambda i: (0, 0)),
            pl.BlockSpec((D, H0), lambda i: (0, 0)),
            pl.BlockSpec((1, H0), lambda i: (0, 0)),
            pl.BlockSpec((H0, H1), lambda i: (0, 0)),
            pl.BlockSpec((1, H1), lambda i: (0, 0)),
            pl.BlockSpec((H1, H2), lambda i: (0, 0)),
            pl.BlockSpec((1, H2), lambda i: (0, 0)),
            pl.BlockSpec((H2, 1), lambda i: (0, 0)),
            pl.BlockSpec((1, 3), lambda i: (0, 0)),
        ],
        out_specs=pl.BlockSpec((block_b, 1), lambda i: (i, 0)),
        out_shape=jax.ShapeDtypeStruct((B, 1), jnp.float32),
        interpret=interpret,
    )(embd_flat, dense, linv, w0e, w0d, b0.reshape(1, H0), W1,
      b1.reshape(1, H1), W2, b2.reshape(1, H2), wh, wli)
    return out[:, 0]


def kernel(cat_features, dense_features, lin_table, V, W0, b0, W1, b1,
           W2, b2, Wfc, bfc):
    B, M = cat_features.shape
    K = V.shape[1]
    idx = cat_features.reshape(-1).astype(jnp.int32)
    emb_rows, lin_rows = _sc_gather(V, lin_table, idx, chunk=256)
    return emb_rows[:, 0] + lin_rows[:, 0]
    embd_flat = emb_rows.reshape(B, M * K)
    linv = lin_rows.reshape(B, M)
    return _tc_mlp(embd_flat, dense_features, linv, W0, b0, W1, b1, W2,
                   b2, Wfc, bfc, block_b=512)

# --- scband reference (transcript-rebuilt; emitter-appended) ---
"""Pipeline reference for scband-deep-fm-51831665328207 (READ-ONLY COPY).

The authoritative reference and input builder live on the scoring server;
editing this copy changes nothing except your own understanding.
"""

import jax, jax.numpy as jnp
import numpy as np

B = 4096
M = 26
N = 100000
K = 128
DENSE = 16
HID = [1024, 512, 256]


def setup_inputs(seed: int = 0) -> dict:
    key = jax.random.key(seed)
    ks = jax.random.split(key, 16)
    cat_features = jax.random.randint(ks[0], (B, M), 0, N, dtype=jnp.int64)
    dense_features = jax.random.normal(ks[1], (B, DENSE), dtype=jnp.float32)
    lin_table = jax.random.normal(ks[2], (N, 1), dtype=jnp.float32) * 0.01
    V = jax.random.normal(ks[3], (N, K), dtype=jnp.float32) * 0.01
    d_in = M * K + DENSE
    dims = [d_in] + HID
    params = {}
    for i in range(len(HID)):
        fan_in = dims[i]
        params['W%d' % i] = jax.random.normal(ks[4 + 2 * i], (dims[i], dims[i + 1]), dtype=jnp.float32) / np.sqrt(fan_in)
        params['b%d' % i] = jnp.zeros((dims[i + 1],), dtype=jnp.float32)
    Wfc = jax.random.normal(ks[12], (HID[-1] + 2, 1), dtype=jnp.float32) / np.sqrt(HID[-1] + 2)
    bfc = jnp.zeros((1,), dtype=jnp.float32)
    out = {'cat_features': cat_features, 'dense_features': dense_features,
           'lin_table': lin_table, 'V': V, 'Wfc': Wfc, 'bfc': bfc}
    out.update(params)
    return out


def reference(cat_features, dense_features, lin_table, V, W0, b0, W1, b1, W2, b2, Wfc, bfc):
    # FactorizationMachine
    linear_part = jnp.take(lin_table, cat_features, axis=0).sum(axis=1)  # [B, 1]
    embd = jnp.take(V, cat_features, axis=0)  # [B, M, K]
    square_of_sum = embd.sum(axis=1) ** 2
    sum_of_square = (embd ** 2).sum(axis=1)
    interaction_part = 0.5 * (square_of_sum - sum_of_square).sum(axis=1, keepdims=True)  # [B, 1]
    # DeepNetwork (dropout=0.0 -> identity)
    embd_flat = embd.reshape(embd.shape[0], -1)
    h = jnp.concatenate([embd_flat, dense_features], axis=1)
    for W, b in ((W0, b0), (W1, b1), (W2, b2)):
        h = jax.nn.relu(h @ W + b)
    concat_fc_input = jnp.concatenate([linear_part, interaction_part, h], axis=1)
    result = jax.nn.sigmoid((concat_fc_input @ Wfc + bfc).squeeze())
    return result

if __name__ == "__main__":
    import jax
    _d = setup_inputs()
    print(jax.jit(kernel)(*tuple(_d.values())))

</pallas_src>

<mosaic_0001>
#map = affine_map<(d0, d1) -> (0, 0)>
#map1 = affine_map<(d0, d1) -> (0)>
module attributes {stable_mosaic.version = 14 : i64} {
  func.func @gather_kernel(%arg0: i32, %arg1: i32, %arg2: memref<100000x128xf32, #tpu.memory_space<hbm>>, %arg3: memref<100000x1xf32, #tpu.memory_space<hbm>>, %arg4: memref<106496xi32, #tpu.memory_space<hbm>>, %arg5: memref<106496x128xf32, #tpu.memory_space<hbm>>, %arg6: memref<106496x1xf32, #tpu.memory_space<hbm>>, %arg7: memref<2x256xi32, #tpu.memory_space<vmem>>, %arg8: memref<2x256x128xf32, #tpu.memory_space<vmem>>, %arg9: memref<2x256x1xf32, #tpu.memory_space<vmem>>, %arg10: memref<!tpu.dma_semaphore, #tpu.memory_space<semaphore_mem>>, %arg11: memref<!tpu.dma_semaphore, #tpu.memory_space<semaphore_mem>>) attributes {dimension_semantics = [#tpu.dimension_semantics<core_parallel>, #tpu.dimension_semantics<subcore_parallel>], iteration_bounds = array<i64: 2, 16>, scalar_prefetch = 0 : i64, scratch_operands = 5 : i64, tpu.core_type = #tpu.core_type<sc_vector_subcore>, window_params = [{transform_indices = #map}, {transform_indices = #map}, {transform_indices = #map1}, {transform_indices = #map}, {transform_indices = #map}]} {
    %mul3A = arith.constant 2 : i32
    %mul3A_0 = arith.muli %arg1, %mul3A : i32
    %add3A = arith.addi %mul3A_0, %arg0 : i32
    %mul3A_1 = arith.constant 3328 : i32
    %mul3A_2 = arith.muli %add3A, %mul3A_1 : i32
    %add3A_3 = arith.constant 0 : i32
    %add3A_4 = arith.addi %mul3A_2, %add3A_3 : i32
    %run_scoped3A = arith.constant 0 : i32
    "tpu.region"() ({
      %run_scoped3A_715 = tpu.sem_alloc : memref<!tpu.dma_semaphore, #tpu.memory_space<semaphore_mem>>
      %dma_start3A_716 = arith.constant 0 : i32
      %dma_start3A_717 = tpu.memref_slice %arg7[%run_scoped3A, %dma_start3A_716] : memref<2x256xi32, #tpu.memory_space<vmem>> -> memref<1x256xi32, #tpu.memory_space<vmem>>
      %dma_start3A_718 = tpu.memref_squeeze %dma_start3A_717 : memref<1x256xi32, #tpu.memory_space<vmem>> -> memref<256xi32, #tpu.memory_space<vmem>>
      %dma_start3A_719 = tpu.memref_slice %arg4[%add3A_4] : memref<106496xi32, #tpu.memory_space<hbm>> -> memref<256xi32, #tpu.memory_space<hbm>>
      %dma_start3A_720 = arith.constant 0 : i32
      %dma_start3A_721 = tpu.memref_slice %arg7[%run_scoped3A, %dma_start3A_720] : memref<2x256xi32, #tpu.memory_space<vmem>> -> memref<1x256xi32, #tpu.memory_space<vmem>>
      %dma_start3A_722 = tpu.memref_squeeze %dma_start3A_721 : memref<1x256xi32, #tpu.memory_space<vmem>> -> memref<256xi32, #tpu.memory_space<vmem>>
      %dma_start3A_723 = tpu.memref_slice %arg4[%add3A_4] : memref<106496xi32, #tpu.memory_space<hbm>> -> memref<256xi32, #tpu.memory_space<hbm>>
      tpu.enqueue_dma source(%dma_start3A_723 : memref<256xi32, #tpu.memory_space<hbm>>) target(%dma_start3A_722 : memref<256xi32, #tpu.memory_space<vmem>>) target_semaphore(%run_scoped3A_715 : memref<!tpu.dma_semaphore, #tpu.memory_space<semaphore_mem>>)
      %dma_wait3A_724 = arith.constant 0 : i32
      %dma_wait3A_725 = tpu.memref_slice %arg7[%run_scoped3A, %dma_wait3A_724] : memref<2x256xi32, #tpu.memory_space<vmem>> -> memref<1x256xi32, #tpu.memory_space<vmem>>
      %dma_wait3A_726 = tpu.memref_squeeze %dma_wait3A_725 : memref<1x256xi32, #tpu.memory_space<vmem>> -> memref<256xi32, #tpu.memory_space<vmem>>
      %dma_wait3A_727 = tpu.memref_slice %arg4[%add3A_4] : memref<106496xi32, #tpu.memory_space<hbm>> -> memref<256xi32, #tpu.memory_space<hbm>>
      %dma_wait3A_728 = arith.constant 0 : i32
      %dma_wait3A_729 = tpu.memref_slice %arg7[%run_scoped3A, %dma_wait3A_728] : memref<2x256xi32, #tpu.memory_space<vmem>> -> memref<1x256xi32, #tpu.memory_space<vmem>>
      %dma_wait3A_730 = tpu.memref_squeeze %dma_wait3A_729 : memref<1x256xi32, #tpu.memory_space<vmem>> -> memref<256xi32, #tpu.memory_space<vmem>>
      %dma_wait3A_731 = tpu.memref_slice %arg4[%add3A_4] : memref<106496xi32, #tpu.memory_space<hbm>> -> memref<256xi32, #tpu.memory_space<hbm>>
      tpu.wait_dma2 semaphore(%run_scoped3A_715 : memref<!tpu.dma_semaphore, #tpu.memory_space<semaphore_mem>>) src(%dma_wait3A_731 : memref<256xi32, #tpu.memory_space<hbm>>) dst(%dma_wait3A_730 : memref<256xi32, #tpu.memory_space<vmem>>)
      tpu.yield
    }) : () -> ()
    %dma_start3A = arith.constant 0 : i32
    %dma_start3A_5 = arith.constant 0 : i32
    %dma_start3A_6 = arith.constant 0 : i32
    %dma_start3A_7 = arith.constant 0 : i32
    %dma_start3A_8 = tpu.memref_slice %arg8[%dma_start3A_5, %dma_start3A_6, %dma_start3A_7] : memref<2x256x128xf32, #tpu.memory_space<vmem>> -> memref<1x256x128xf32, #tpu.memory_space<vmem>>
    %dma_start3A_9 = tpu.memref_squeeze %dma_start3A_8 : memref<1x256x128xf32, #tpu.memory_space<vmem>> -> memref<256x128xf32, #tpu.memory_space<vmem>>
    %dma_start3A_10 = arith.constant 0 : i32
    %dma_start3A_11 = tpu.memref_slice %arg7[%dma_start3A, %dma_start3A_10] : memref<2x256xi32, #tpu.memory_space<vmem>> -> memref<1x256xi32, #tpu.memory_space<vmem>>
    %dma_start3A_12 = tpu.memref_squeeze %dma_start3A_11 : memref<1x256xi32, #tpu.memory_space<vmem>> -> memref<256xi32, #tpu.memory_space<vmem>>
    %dma_start3A_13 = arith.constant 0 : i32
    %dma_start3A_14 = arith.constant 0 : i32
    %dma_start3A_15 = tpu.memref_slice %arg2[%dma_start3A_13, %dma_start3A_14] : memref<100000x128xf32, #tpu.memory_space<hbm>> -> memref<100000x128xf32, #tpu.memory_space<hbm>>
    tpu.enqueue_indirect_dma source(%dma_start3A_15 : memref<100000x128xf32, #tpu.memory_space<hbm>>) target(%dma_start3A_9 : memref<256x128xf32, #tpu.memory_space<vmem>>) offsets(%dma_start3A_12 : memref<256xi32, #tpu.memory_space<vmem>>) semaphore(%arg10 : memref<!tpu.dma_semaphore, #tpu.memory_space<semaphore_mem>>)
    %dma_start3A_16 = arith.constant 0 : i32
    %dma_start3A_17 = arith.constant 0 : i32
    %dma_start3A_18 = arith.constant 0 : i32
    %dma_start3A_19 = arith.constant 0 : i32
    %dma_start3A_20 = tpu.memref_slice %arg9[%dma_start3A_17, %dma_start3A_18, %dma_start3A_19] : memref<2x256x1xf32, #tpu.memory_space<vmem>> -> memref<1x256x1xf32, #tpu.memory_space<vmem>>
    %dma_start3A_21 = tpu.memref_squeeze %dma_start3A_20 : memref<1x256x1xf32, #tpu.memory_space<vmem>> -> memref<256x1xf32, #tpu.memory_space<vmem>>
    %dma_start3A_22 = arith.constant 0 : i32
    %dma_start3A_23 = tpu.memref_slice %arg7[%dma_start3A_16, %dma_start3A_22] : memref<2x256xi32, #tpu.memory_space<vmem>> -> memref<1x256xi32, #tpu.memory_space<vmem>>
    %dma_start3A_24 = tpu.memref_squeeze %dma_start3A_23 : memref<1x256xi32, #tpu.memory_space<vmem>> -> memref<256xi32, #tpu.memory_space<vmem>>
    %dma_start3A_25 = arith.constant 0 : i32
    %dma_start3A_26 = arith.constant 0 : i32
    %dma_start3A_27 = tpu.memref_slice %arg3[%dma_start3A_25, %dma_start3A_26] : memref<100000x1xf32, #tpu.memory_space<hbm>> -> memref<100000x1xf32, #tpu.memory_space<hbm>>
    tpu.enqueue_indirect_dma source(%dma_start3A_27 : memref<100000x1xf32, #tpu.memory_space<hbm>>) target(%dma_start3A_21 : memref<256x1xf32, #tpu.memory_space<vmem>>) offsets(%dma_start3A_24 : memref<256xi32, #tpu.memory_space<vmem>>) semaphore(%arg11 : memref<!tpu.dma_semaphore, #tpu.memory_space<semaphore_mem>>)
    %add3A_28 = arith.constant 256 : i32
    %add3A_29 = arith.addi %mul3A_2, %add3A_28 : i32
    %run_scoped3A_30 = arith.constant 1 : i32
    "tpu.region"() ({
      %run_scoped3A_715 = tpu.sem_alloc : memref<!tpu.dma_semaphore, #tpu.memory_space<semaphore_mem>>
      %dma_start3A_716 = arith.constant 0 : i32
      %dma_start3A_717 = tpu.memref_slice %arg7[%run_scoped3A_30, %dma_start3A_716] : memref<2x256xi32, #tpu.memory_space<vmem>> -> memref<1x256xi32, #tpu.memory_space<vmem>>
      %dma_start3A_718 = tpu.memref_squeeze %dma_start3A_717 : memref<1x256xi32, #tpu.memory_space<vmem>> -> memref<256xi32, #tpu.memory_space<vmem>>
      %dma_start3A_719 = tpu.memref_slice %arg4[%add3A_29] : memref<106496xi32, #tpu.memory_space<hbm>> -> memref<256xi32, #tpu.memory_space<hbm>>
      %dma_start3A_720 = arith.constant 0 : i32
      %dma_start3A_721 = tpu.memref_slice %arg7[%run_scoped3A_30, %dma_start3A_720] : memref<2x256xi32, #tpu.memory_space<vmem>> -> memref<1x256xi32, #tpu.memory_space<vmem>>
      %dma_start3A_722 = tpu.memref_squeeze %dma_start3A_721 : memref<1x256xi32, #tpu.memory_space<vmem>> -> memref<256xi32, #tpu.memory_space<vmem>>
      %dma_start3A_723 = tpu.memref_slice %arg4[%add3A_29] : memref<106496xi32, #tpu.memory_space<hbm>> -> memref<256xi32, #tpu.memory_space<hbm>>
      tpu.enqueue_dma source(%dma_start3A_723 : memref<256xi32, #tpu.memory_space<hbm>>) target(%dma_start3A_722 : memref<256xi32, #tpu.memory_space<vmem>>) target_semaphore(%run_scoped3A_715 : memref<!tpu.dma_semaphore, #tpu.memory_space<semaphore_mem>>)
      %dma_wait3A_724 = arith.constant 0 : i32
      %dma_wait3A_725 = tpu.memref_slice %arg7[%run_scoped3A_30, %dma_wait3A_724] : memref<2x256xi32, #tpu.memory_space<vmem>> -> memref<1x256xi32, #tpu.memory_space<vmem>>
      %dma_wait3A_726 = tpu.memref_squeeze %dma_wait3A_725 : memref<1x256xi32, #tpu.memory_space<vmem>> -> memref<256xi32, #tpu.memory_space<vmem>>
      %dma_wait3A_727 = tpu.memref_slice %arg4[%add3A_29] : memref<106496xi32, #tpu.memory_space<hbm>> -> memref<256xi32, #tpu.memory_space<hbm>>
      %dma_wait3A_728 = arith.constant 0 : i32
      %dma_wait3A_729 = tpu.memref_slice %arg7[%run_scoped3A_30, %dma_wait3A_728] : memref<2x256xi32, #tpu.memory_space<vmem>> -> memref<1x256xi32, #tpu.memory_space<vmem>>
      %dma_wait3A_730 = tpu.memref_squeeze %dma_wait3A_729 : memref<1x256xi32, #tpu.memory_space<vmem>> -> memref<256xi32, #tpu.memory_space<vmem>>
      %dma_wait3A_731 = tpu.memref_slice %arg4[%add3A_29] : memref<106496xi32, #tpu.memory_space<hbm>> -> memref<256xi32, #tpu.memory_space<hbm>>
      tpu.wait_dma2 semaphore(%run_scoped3A_715 : memref<!tpu.dma_semaphore, #tpu.memory_space<semaphore_mem>>) src(%dma_wait3A_731 : memref<256xi32, #tpu.memory_space<hbm>>) dst(%dma_wait3A_730 : memref<256xi32, #tpu.memory_space<vmem>>)
      tpu.yield
    }) : () -> ()
    %dma_start3A_31 = arith.constant 1 : i32
    %dma_start3A_32 = arith.constant 1 : i32
    %dma_start3A_33 = arith.constant 0 : i32
    %dma_start3A_34 = arith.constant 0 : i32
    %dma_start3A_35 = tpu.memref_slice %arg8[%dma_start3A_32, %dma_start3A_33, %dma_start3A_34] : memref<2x256x128xf32, #tpu.memory_space<vmem>> -> memref<1x256x128xf32, #tpu.memory_space<vmem>>
    %dma_start3A_36 = tpu.memref_squeeze %dma_start3A_35 : memref<1x256x128xf32, #tpu.memory_space<vmem>> -> memref<256x128xf32, #tpu.memory_space<vmem>>
    %dma_start3A_37 = arith.constant 0 : i32
    %dma_start3A_38 = tpu.memref_slice %arg7[%dma_start3A_31, %dma_start3A_37] : memref<2x256xi32, #tpu.memory_space<vmem>> -> memref<1x256xi32, #tpu.memory_space<vmem>>
    %dma_start3A_39 = tpu.memref_squeeze %dma_start3A_38 : memref<1x256xi32, #tpu.memory_space<vmem>> -> memref<256xi32, #tpu.memory_space<vmem>>
    %dma_start3A_40 = arith.constant 0 : i32
    %dma_start3A_41 = arith.constant 0 : i32
    %dma_start3A_42 = tpu.memref_slice %arg2[%dma_start3A_40, %dma_start3A_41] : memref<100000x128xf32, #tpu.memory_space<hbm>> -> memref<100000x128xf32, #tpu.memory_space<hbm>>
    tpu.enqueue_indirect_dma source(%dma_start3A_42 : memref<100000x128xf32, #tpu.memory_space<hbm>>) target(%dma_start3A_36 : memref<256x128xf32, #tpu.memory_space<vmem>>) offsets(%dma_start3A_39 : memref<256xi32, #tpu.memory_space<vmem>>) semaphore(%arg10 : memref<!tpu.dma_semaphore, #tpu.memory_space<semaphore_mem>>)
    %dma_start3A_43 = arith.constant 1 : i32
    %dma_start3A_44 = arith.constant 1 : i32
    %dma_start3A_45 = arith.constant 0 : i32
    %dma_start3A_46 = arith.constant 0 : i32
    %dma_start3A_47 = tpu.memref_slice %arg9[%dma_start3A_44, %dma_start3A_45, %dma_start3A_46] : memref<2x256x1xf32, #tpu.memory_space<vmem>> -> memref<1x256x1xf32, #tpu.memory_space<vmem>>
    %dma_start3A_48 = tpu.memref_squeeze %dma_start3A_47 : memref<1x256x1xf32, #tpu.memory_space<vmem>> -> memref<256x1xf32, #tpu.memory_space<vmem>>
    %dma_start3A_49 = arith.constant 0 : i32
    %dma_start3A_50 = tpu.memref_slice %arg7[%dma_start3A_43, %dma_start3A_49] : memref<2x256xi32, #tpu.memory_space<vmem>> -> memref<1x256xi32, #tpu.memory_space<vmem>>
    %dma_start3A_51 = tpu.memref_squeeze %dma_start3A_50 : memref<1x256xi32, #tpu.memory_space<vmem>> -> memref<256xi32, #tpu.memory_space<vmem>>
    %dma_start3A_52 = arith.constant 0 : i32
    %dma_start3A_53 = arith.constant 0 : i32
    %dma_start3A_54 = tpu.memref_slice %arg3[%dma_start3A_52, %dma_start3A_53] : memref<100000x1xf32, #tpu.memory_space<hbm>> -> memref<100000x1xf32, #tpu.memory_space<hbm>>
    tpu.enqueue_indirect_dma source(%dma_start3A_54 : memref<100000x1xf32, #tpu.memory_space<hbm>>) target(%dma_start3A_48 : memref<256x1xf32, #tpu.memory_space<vmem>>) offsets(%dma_start3A_51 : memref<256xi32, #tpu.memory_space<vmem>>) semaphore(%arg11 : memref<!tpu.dma_semaphore, #tpu.memory_space<semaphore_mem>>)
    %add3A_55 = arith.constant 0 : i32
    %add3A_56 = arith.addi %mul3A_2, %add3A_55 : i32
    %dma_wait3A = arith.constant 0 : i32
    %dma_wait3A_57 = arith.constant 0 : i32
    %dma_wait3A_58 = arith.constant 0 : i32
    %dma_wait3A_59 = arith.constant 0 : i32
    %dma_wait3A_60 = tpu.memref_slice %arg8[%dma_wait3A_57, %dma_wait3A_58, %dma_wait3A_59] : memref<2x256x128xf32, #tpu.memory_space<vmem>> -> memref<1x256x128xf32, #tpu.memory_space<vmem>>
    %dma_wait3A_61 = tpu.memref_squeeze %dma_wait3A_60 : memref<1x256x128xf32, #tpu.memory_space<vmem>> -> memref<256x128xf32, #tpu.memory_space<vmem>>
    %dma_wait3A_62 = arith.constant 0 : i32
    %dma_wait3A_63 = tpu.memref_slice %arg7[%dma_wait3A, %dma_wait3A_62] : memref<2x256xi32, #tpu.memory_space<vmem>> -> memref<1x256xi32, #tpu.memory_space<vmem>>
    %dma_wait3A_64 = tpu.memref_squeeze %dma_wait3A_63 : memref<1x256xi32, #tpu.memory_space<vmem>> -> memref<256xi32, #tpu.memory_space<vmem>>
    %dma_wait3A_65 = arith.constant 0 : i32
    %dma_wait3A_66 = arith.constant 0 : i32
    %dma_wait3A_67 = tpu.memref_slice %arg2[%dma_wait3A_65, %dma_wait3A_66] : memref<100000x128xf32, #tpu.memory_space<hbm>> -> memref<100000x128xf32, #tpu.memory_space<hbm>>
    tpu.wait_indirect_dma semaphore(%arg10 : memref<!tpu.dma_semaphore, #tpu.memory_space<semaphore_mem>>) src(%dma_wait3A_67 : memref<100000x128xf32, #tpu.memory_space<hbm>>) dst(%dma_wait3A_61 : memref<256x128xf32, #tpu.memory_space<vmem>>)
    %dma_wait3A_68 = arith.constant 0 : i32
    %dma_wait3A_69 = arith.constant 0 : i32
    %dma_wait3A_70 = arith.constant 0 : i32
    %dma_wait3A_71 = arith.constant 0 : i32
    %dma_wait3A_72 = tpu.memref_slice %arg9[%dma_wait3A_69, %dma_wait3A_70, %dma_wait3A_71] : memref<2x256x1xf32, #tpu.memory_space<vmem>> -> memref<1x256x1xf32, #tpu.memory_space<vmem>>
    %dma_wait3A_73 = tpu.memref_squeeze %dma_wait3A_72 : memref<1x256x1xf32, #tpu.memory_space<vmem>> -> memref<256x1xf32, #tpu.memory_space<vmem>>
    %dma_wait3A_74 = arith.constant 0 : i32
    %dma_wait3A_75 = tpu.memref_slice %arg7[%dma_wait3A_68, %dma_wait3A_74] : memref<2x256xi32, #tpu.memory_space<vmem>> -> memref<1x256xi32, #tpu.memory_space<vmem>>
    %dma_wait3A_76 = tpu.memref_squeeze %dma_wait3A_75 : memref<1x256xi32, #tpu.memory_space<vmem>> -> memref<256xi32, #tpu.memory_space<vmem>>
    %dma_wait3A_77 = arith.constant 0 : i32
    %dma_wait3A_78 = arith.constant 0 : i32
    %dma_wait3A_79 = tpu.memref_slice %arg3[%dma_wait3A_77, %dma_wait3A_78] : memref<100000x1xf32, #tpu.memory_space<hbm>> -> memref<100000x1xf32, #tpu.memory_space<hbm>>
    tpu.wait_indirect_dma semaphore(%arg11 : memref<!tpu.dma_semaphore, #tpu.memory_space<semaphore_mem>>) src(%dma_wait3A_79 : memref<100000x1xf32, #tpu.memory_space<hbm>>) dst(%dma_wait3A_73 : memref<256x1xf32, #tpu.memory_space<vmem>>)
    %run_scoped3A_80 = arith.constant 0 : i32
    "tpu.region"() ({
      %run_scoped3A_715 = tpu.sem_alloc : memref<!tpu.dma_semaphore, #tpu.memory_space<semaphore_mem>>
      %dma_start3A_716 = arith.constant 0 : i32
      %dma_start3A_717 = arith.constant 0 : i32
      %dma_start3A_718 = tpu.memref_slice %arg8[%run_scoped3A_80, %dma_start3A_716, %dma_start3A_717] : memref<2x256x128xf32, #tpu.memory_space<vmem>> -> memref<1x256x128xf32, #tpu.memory_space<vmem>>
      %dma_start3A_719 = tpu.memref_squeeze %dma_start3A_718 : memref<1x256x128xf32, #tpu.memory_space<vmem>> -> memref<256x128xf32, #tpu.memory_space<vmem>>
      %dma_start3A_720 = arith.constant 0 : i32
      %dma_start3A_721 = tpu.memref_slice %arg5[%add3A_56, %dma_start3A_720] : memref<106496x128xf32, #tpu.memory_space<hbm>> -> memref<256x128xf32, #tpu.memory_space<hbm>>
      %dma_start3A_722 = arith.constant 0 : i32
      %dma_start3A_723 = tpu.memref_slice %arg5[%add3A_56, %dma_start3A_722] : memref<106496x128xf32, #tpu.memory_space<hbm>> -> memref<256x128xf32, #tpu.memory_space<hbm>>
      %dma_start3A_724 = arith.constant 0 : i32
      %dma_start3A_725 = arith.constant 0 : i32
      %dma_start3A_726 = tpu.memref_slice %arg8[%run_scoped3A_80, %dma_start3A_724, %dma_start3A_725] : memref<2x256x128xf32, #tpu.memory_space<vmem>> -> memref<1x256x128xf32, #tpu.memory_space<vmem>>
      %dma_start3A_727 = tpu.memref_squeeze %dma_start3A_726 : memref<1x256x128xf32, #tpu.memory_space<vmem>> -> memref<256x128xf32, #tpu.memory_space<vmem>>
      tpu.enqueue_dma source(%dma_start3A_727 : memref<256x128xf32, #tpu.memory_space<vmem>>) target(%dma_start3A_723 : memref<256x128xf32, #tpu.memory_space<hbm>>) target_semaphore(%run_scoped3A_715 : memref<!tpu.dma_semaphore, #tpu.memory_space<semaphore_mem>>)
      %dma_wait3A_728 = arith.constant 0 : i32
      %dma_wait3A_729 = arith.constant 0 : i32
      %dma_wait3A_730 = tpu.memref_slice %arg8[%run_scoped3A_80, %dma_wait3A_728, %dma_wait3A_729] : memref<2x256x128xf32, #tpu.memory_space<vmem>> -> memref<1x256x128xf32, #tpu.memory_space<vmem>>
      %dma_wait3A_731 = tpu.memref_squeeze %dma_wait3A_730 : memref<1x256x128xf32, #tpu.memory_space<vmem>> -> memref<256x128xf32, #tpu.memory_space<vmem>>
      %dma_wait3A_732 = arith.constant 0 : i32
      %dma_wait3A_733 = tpu.memref_slice %arg5[%add3A_56, %dma_wait3A_732] : memref<106496x128xf32, #tpu.memory_space<hbm>> -> memref<256x128xf32, #tpu.memory_space<hbm>>
      %dma_wait3A_734 = arith.constant 0 : i32
      %dma_wait3A_735 = tpu.memref_slice %arg5[%add3A_56, %dma_wait3A_734] : memref<106496x128xf32, #tpu.memory_space<hbm>> -> memref<256x128xf32, #tpu.memory_space<hbm>>
      %dma_wait3A_736 = arith.constant 0 : i32
      %dma_wait3A_737 = arith.constant 0 : i32
      %dma_wait3A_738 = tpu.memref_slice %arg8[%run_scoped3A_80, %dma_wait3A_736, %dma_wait3A_737] : memref<2x256x128xf32, #tpu.memory_space<vmem>> -> memref<1x256x128xf32, #tpu.memory_space<vmem>>
      %dma_wait3A_739 = tpu.memref_squeeze %dma_wait3A_738 : memref<1x256x128xf32, #tpu.memory_space<vmem>> -> memref<256x128xf32, #tpu.memory_space<vmem>>
      tpu.wait_dma2 semaphore(%run_scoped3A_715 : memref<!tpu.dma_semaphore, #tpu.memory_space<semaphore_mem>>) src(%dma_wait3A_739 : memref<256x128xf32, #tpu.memory_space<vmem>>) dst(%dma_wait3A_735 : memref<256x128xf32, #tpu.memory_space<hbm>>)
      tpu.yield
    }) : () -> ()
    %run_scoped3A_81 = arith.constant 0 : i32
    "tpu.region"() ({
      %run_scoped3A_715 = tpu.sem_alloc : memref<!tpu.dma_semaphore, #tpu.memory_space<semaphore_mem>>
      %dma_start3A_716 = arith.constant 0 : i32
      %dma_start3A_717 = arith.constant 0 : i32
      %dma_start3A_718 = tpu.memref_slice %arg9[%run_scoped3A_81, %dma_start3A_716, %dma_start3A_717] : memref<2x256x1xf32, #tpu.memory_space<vmem>> -> memref<1x256x1xf32, #tpu.memory_space<vmem>>
      %dma_start3A_719 = tpu.memref_squeeze %dma_start3A_718 : memref<1x256x1xf32, #tpu.memory_space<vmem>> -> memref<256x1xf32, #tpu.memory_space<vmem>>
      %dma_start3A_720 = arith.constant 0 : i32
      %dma_start3A_721 = tpu.memref_slice %arg6[%add3A_56, %dma_start3A_720] : memref<106496x1xf32, #tpu.memory_space<hbm>> -> memref<256x1xf32, #tpu.memory_space<hbm>>
      %dma_start3A_722 = arith.constant 0 : i32
      %dma_start3A_723 = tpu.memref_slice %arg6[%add3A_56, %dma_start3A_722] : memref<106496x1xf32, #tpu.memory_space<hbm>> -> memref<256x1xf32, #tpu.memory_space<hbm>>
      %dma_start3A_724 = arith.constant 0 : i32
      %dma_start3A_725 = arith.constant 0 : i32
      %dma_start3A_726 = tpu.memref_slice %arg9[%run_scoped3A_81, %dma_start3A_724, %dma_start3A_725] : memref<2x256x1xf32, #tpu.memory_space<vmem>> -> memref<1x256x1xf32, #tpu.memory_space<vmem>>
      %dma_start3A_727 = tpu.memref_squeeze %dma_start3A_726 : memref<1x256x1xf32, #tpu.memory_space<vmem>> -> memref<256x1xf32, #tpu.memory_space<vmem>>
      tpu.enqueue_dma source(%dma_start3A_727 : memref<256x1xf32, #tpu.memory_space<vmem>>) target(%dma_start3A_723 : memref<256x1xf32, #tpu.memory_space<hbm>>) target_semaphore(%run_scoped3A_715 : memref<!tpu.dma_semaphore, #tpu.memory_space<semaphore_mem>>)
      %dma_wait3A_728 = arith.constant 0 : i32
      %dma_wait3A_729 = arith.constant 0 : i32
      %dma_wait3A_730 = tpu.memref_slice %arg9[%run_scoped3A_81, %dma_wait3A_728, %dma_wait3A_729] : memref<2x256x1xf32, #tpu.memory_space<vmem>> -> memref<1x256x1xf32, #tpu.memory_space<vmem>>
      %dma_wait3A_731 = tpu.memref_squeeze %dma_wait3A_730 : memref<1x256x1xf32, #tpu.memory_space<vmem>> -> memref<256x1xf32, #tpu.memory_space<vmem>>
      %dma_wait3A_732 = arith.constant 0 : i32
      %dma_wait3A_733 = tpu.memref_slice %arg6[%add3A_56, %dma_wait3A_732] : memref<106496x1xf32, #tpu.memory_space<hbm>> -> memref<256x1xf32, #tpu.memory_space<hbm>>
      %dma_wait3A_734 = arith.constant 0 : i32
      %dma_wait3A_735 = tpu.memref_slice %arg6[%add3A_56, %dma_wait3A_734] : memref<106496x1xf32, #tpu.memory_space<hbm>> -> memref<256x1xf32, #tpu.memory_space<hbm>>
      %dma_wait3A_736 = arith.constant 0 : i32
      %dma_wait3A_737 = arith.constant 0 : i32
      %dma_wait3A_738 = tpu.memref_slice %arg9[%run_scoped3A_81, %dma_wait3A_736, %dma_wait3A_737] : memref<2x256x1xf32, #tpu.memory_space<vmem>> -> memref<1x256x1xf32, #tpu.memory_space<vmem>>
      %dma_wait3A_739 = tpu.memref_squeeze %dma_wait3A_738 : memref<1x256x1xf32, #tpu.memory_space<vmem>> -> memref<256x1xf32, #tpu.memory_space<vmem>>
      tpu.wait_dma2 semaphore(%run_scoped3A_715 : memref<!tpu.dma_semaphore, #tpu.memory_space<semaphore_mem>>) src(%dma_wait3A_739 : memref<256x1xf32, #tpu.memory_space<vmem>>) dst(%dma_wait3A_735 : memref<256x1xf32, #tpu.memory_space<hbm>>)
      tpu.yield
    }) : () -> ()
    %add3A_82 = arith.constant 512 : i32
    %add3A_83 = arith.addi %mul3A_2, %add3A_82 : i32
    %run_scoped3A_84 = arith.constant 0 : i32
    "tpu.region"() ({
      %run_scoped3A_715 = tpu.sem_alloc : memref<!tpu.dma_semaphore, #tpu.memory_space<semaphore_mem>>
      %dma_start3A_716 = arith.constant 0 : i32
      %dma_start3A_717 = tpu.memref_slice %arg7[%run_scoped3A_84, %dma_start3A_716] : memref<2x256xi32, #tpu.memory_space<vmem>> -> memref<1x256xi32, #tpu.memory_space<vmem>>
      %dma_start3A_718 = tpu.memref_squeeze %dma_start3A_717 : memref<1x256xi32, #tpu.memory_space<vmem>> -> memref<256xi32, #tpu.memory_space<vmem>>
      %dma_start3A_719 = tpu.memref_slice %arg4[%add3A_83] : memref<106496xi32, #tpu.memory_space<hbm>> -> memref<256xi32, #tpu.memory_space<hbm>>
      %dma_start3A_720 = arith.constant 0 : i32
      %dma_start3A_721 = tpu.memref_slice %arg7[%run_scoped3A_84, %dma_start3A_720] : memref<2x256xi32, #tpu.memory_space<vmem>> -> memref<1x256xi32, #tpu.memory_space<vmem>>
      %dma_start3A_722 = tpu.memref_squeeze %dma_start3A_721 : memref<1x256xi32, #tpu.memory_space<vmem>> -> memref<256xi32, #tpu.memory_space<vmem>>
      %dma_start3A_723 = tpu.memref_slice %arg4[%add3A_83] : memref<106496xi32, #tpu.memory_space<hbm>> -> memref<256xi32, #tpu.memory_space<hbm>>
      tpu.enqueue_dma source(%dma_start3A_723 : memref<256xi32, #tpu.memory_space<hbm>>) target(%dma_start3A_722 : memref<256xi32, #tpu.memory_space<vmem>>) target_semaphore(%run_scoped3A_715 : memref<!tpu.dma_semaphore, #tpu.memory_space<semaphore_mem>>)
      %dma_wait3A_724 = arith.constant 0 : i32
      %dma_wait3A_725 = tpu.memref_slice %arg7[%run_scoped3A_84, %dma_wait3A_724] : memref<2x256xi32, #tpu.memory_space<vmem>> -> memref<1x256xi32, #tpu.memory_space<vmem>>
      %dma_wait3A_726 = tpu.memref_squeeze %dma_wait3A_725 : memref<1x256xi32, #tpu.memory_space<vmem>> -> memref<256xi32, #tpu.memory_space<vmem>>
      %dma_wait3A_727 = tpu.memref_slice %arg4[%add3A_83] : memref<106496xi32, #tpu.memory_space<hbm>> -> memref<256xi32, #tpu.memory_space<hbm>>
      %dma_wait3A_728 = arith.constant 0 : i32
      %dma_wait3A_729 = tpu.memref_slice %arg7[%run_scoped3A_84, %dma_wait3A_728] : memref<2x256xi32, #tpu.memory_space<vmem>> -> memref<1x256xi32, #tpu.memory_space<vmem>>
      %dma_wait3A_730 = tpu.memref_squeeze %dma_wait3A_729 : memref<1x256xi32, #tpu.memory_space<vmem>> -> memref<256xi32, #tpu.memory_space<vmem>>
      %dma_wait3A_731 = tpu.memref_slice %arg4[%add3A_83] : memref<106496xi32, #tpu.memory_space<hbm>> -> memref<256xi32, #tpu.memory_space<hbm>>
      tpu.wait_dma2 semaphore(%run_scoped3A_715 : memref<!tpu.dma_semaphore, #tpu.memory_space<semaphore_mem>>) src(%dma_wait3A_731 : memref<256xi32, #tpu.memory_space<hbm>>) dst(%dma_wait3A_730 : memref<256xi32, #tpu.memory_space<vmem>>)
      tpu.yield
    }) : () -> ()
    %dma_start3A_85 = arith.constant 0 : i32
    %dma_start3A_86 = arith.constant 0 : i32
    %dma_start3A_87 = arith.constant 0 : i32
    %dma_start3A_88 = arith.constant 0 : i32
    %dma_start3A_89 = tpu.memref_slice %arg8[%dma_start3A_86, %dma_start3A_87, %dma_start3A_88] : memref<2x256x128xf32, #tpu.memory_space<vmem>> -> memref<1x256x128xf32, #tpu.memory_space<vmem>>
    %dma_start3A_90 = tpu.memref_squeeze %dma_start3A_89 : memref<1x256x128xf32, #tpu.memory_space<vmem>> -> memref<256x128xf32, #tpu.memory_space<vmem>>
    %dma_start3A_91 = arith.constant 0 : i32
    %dma_start3A_92 = tpu.memref_slice %arg7[%dma_start3A_85, %dma_start3A_91] : memref<2x256xi32, #tpu.memory_space<vmem>> -> memref<1x256xi32, #tpu.memory_space<vmem>>
    %dma_start3A_93 = tpu.memref_squeeze %dma_start3A_92 : memref<1x256xi32, #tpu.memory_space<vmem>> -> memref<256xi32, #tpu.memory_space<vmem>>
    %dma_start3A_94 = arith.constant 0 : i32
    %dma_start3A_95 = arith.constant 0 : i32
    %dma_start3A_96 = tpu.memref_slice %arg2[%dma_start3A_94, %dma_start3A_95] : memref<100000x128xf32, #tpu.memory_space<hbm>> -> memref<100000x128xf32, #tpu.memory_space<hbm>>
    tpu.enqueue_indirect_dma source(%dma_start3A_96 : memref<100000x128xf32, #tpu.memory_space<hbm>>) target(%dma_start3A_90 : memref<256x128xf32, #tpu.memory_space<vmem>>) offsets(%dma_start3A_93 : memref<256xi32, #tpu.memory_space<vmem>>) semaphore(%arg10 : memref<!tpu.dma_semaphore, #tpu.memory_space<semaphore_mem>>)
    %dma_start3A_97 = arith.constant 0 : i32
    %dma_start3A_98 = arith.constant 0 : i32
    %dma_start3A_99 = arith.constant 0 : i32
    %dma_start3A_100 = arith.constant 0 : i32
    %dma_start3A_101 = tpu.memref_slice %arg9[%dma_start3A_98, %dma_start3A_99, %dma_start3A_100] : memref<2x256x1xf32, #tpu.memory_space<vmem>> -> memref<1x256x1xf32, #tpu.memory_space<vmem>>
    %dma_start3A_102 = tpu.memref_squeeze %dma_start3A_101 : memref<1x256x1xf32, #tpu.memory_space<vmem>> -> memref<256x1xf32, #tpu.memory_space<vmem>>
    %dma_start3A_103 = arith.constant 0 : i32
    %dma_start3A_104 = tpu.memref_slice %arg7[%dma_start3A_97, %dma_start3A_103] : memref<2x256xi32, #tpu.memory_space<vmem>> -> memref<1x256xi32, #tpu.memory_space<vmem>>
    %dma_start3A_105 = tpu.memref_squeeze %dma_start3A_104 : memref<1x256xi32, #tpu.memory_space<vmem>> -> memref<256xi32, #tpu.memory_space<vmem>>
    %dma_start3A_106 = arith.constant 0 : i32
    %dma_start3A_107 = arith.constant 0 : i32
    %dma_start3A_108 = tpu.memref_slice %arg3[%dma_start3A_106, %dma_start3A_107] : memref<100000x1xf32, #tpu.memory_space<hbm>> -> memref<100000x1xf32, #tpu.memory_space<hbm>>
    tpu.enqueue_indirect_dma source(%dma_start3A_108 : memref<100000x1xf32, #tpu.memory_space<hbm>>) target(%dma_start3A_102 : memref<256x1xf32, #tpu.memory_space<vmem>>) offsets(%dma_start3A_105 : memref<256xi32, #tpu.memory_space<vmem>>) semaphore(%arg11 : memref<!tpu.dma_semaphore, #tpu.memory_space<semaphore_mem>>)
    %add3A_109 = arith.constant 256 : i32
    %add3A_110 = arith.addi %mul3A_2, %add3A_109 : i32
    %dma_wait3A_111 = arith.constant 1 : i32
    %dma_wait3A_112 = arith.constant 1 : i32
    %dma_wait3A_113 = arith.constant 0 : i32
    %dma_wait3A_114 = arith.constant 0 : i32
    %dma_wait3A_115 = tpu.memref_slice %arg8[%dma_wait3A_112, %dma_wait3A_113, %dma_wait3A_114] : memref<2x256x128xf32, #tpu.memory_space<vmem>> -> memref<1x256x128xf32, #tpu.memory_space<vmem>>
    %dma_wait3A_116 = tpu.memref_squeeze %dma_wait3A_115 : memref<1x256x128xf32, #tpu.memory_space<vmem>> -> memref<256x128xf32, #tpu.memory_space<vmem>>
    %dma_wait3A_117 = arith.constant 0 : i32
    %dma_wait3A_118 = tpu.memref_slice %arg7[%dma_wait3A_111, %dma_wait3A_117] : memref<2x256xi32, #tpu.memory_space<vmem>> -> memref<1x256xi32, #tpu.memory_space<vmem>>
    %dma_wait3A_119 = tpu.memref_squeeze %dma_wait3A_118 : memref<1x256xi32, #tpu.memory_space<vmem>> -> memref<256xi32, #tpu.memory_space<vmem>>
    %dma_wait3A_120 = arith.constant 0 : i32
    %dma_wait3A_121 = arith.constant 0 : i32
    %dma_wait3A_122 = tpu.memref_slice %arg2[%dma_wait3A_120, %dma_wait3A_121] : memref<100000x128xf32, #tpu.memory_space<hbm>> -> memref<100000x128xf32, #tpu.memory_space<hbm>>
    tpu.wait_indirect_dma semaphore(%arg10 : memref<!tpu.dma_semaphore, #tpu.memory_space<semaphore_mem>>) src(%dma_wait3A_122 : memref<100000x128xf32, #tpu.memory_space<hbm>>) dst(%dma_wait3A_116 : memref<256x128xf32, #tpu.memory_space<vmem>>)
    %dma_wait3A_123 = arith.constant 1 : i32
    %dma_wait3A_124 = arith.constant 1 : i32
    %dma_wait3A_125 = arith.constant 0 : i32
    %dma_wait3A_126 = arith.constant 0 : i32
    %dma_wait3A_127 = tpu.memref_slice %arg9[%dma_wait3A_124, %dma_wait3A_125, %dma_wait3A_126] : memref<2x256x1xf32, #tpu.memory_space<vmem>> -> memref<1x256x1xf32, #tpu.memory_space<vmem>>
    %dma_wait3A_128 = tpu.memref_squeeze %dma_wait3A_127 : memref<1x256x1xf32, #tpu.memory_space<vmem>> -> memref<256x1xf32, #tpu.memory_space<vmem>>
    %dma_wait3A_129 = arith.constant 0 : i32
    %dma_wait3A_130 = tpu.memref_slice %arg7[%dma_wait3A_123, %dma_wait3A_129] : memref<2x256xi32, #tpu.memory_space<vmem>> -> memref<1x256xi32, #tpu.memory_space<vmem>>
    %dma_wait3A_131 = tpu.memref_squeeze %dma_wait3A_130 : memref<1x256xi32, #tpu.memory_space<vmem>> -> memref<256xi32, #tpu.memory_space<vmem>>
    %dma_wait3A_132 = arith.constant 0 : i32
    %dma_wait3A_133 = arith.constant 0 : i32
    %dma_wait3A_134 = tpu.memref_slice %arg3[%dma_wait3A_132, %dma_wait3A_133] : memref<100000x1xf32, #tpu.memory_space<hbm>> -> memref<100000x1xf32, #tpu.memory_space<hbm>>
    tpu.wait_indirect_dma semaphore(%arg11 : memref<!tpu.dma_semaphore, #tpu.memory_space<semaphore_mem>>) src(%dma_wait3A_134 : memref<100000x1xf32, #tpu.memory_space<hbm>>) dst(%dma_wait3A_128 : memref<256x1xf32, #tpu.memory_space<vmem>>)
    %run_scoped3A_135 = arith.constant 1 : i32
    "tpu.region"() ({
      %run_scoped3A_715 = tpu.sem_alloc : memref<!tpu.dma_semaphore, #tpu.memory_space<semaphore_mem>>
      %dma_start3A_716 = arith.constant 0 : i32
      %dma_start3A_717 = arith.constant 0 : i32
      %dma_start3A_718 = tpu.memref_slice %arg8[%run_scoped3A_135, %dma_start3A_716, %dma_start3A_717] : memref<2x256x128xf32, #tpu.memory_space<vmem>> -> memref<1x256x128xf32, #tpu.memory_space<vmem>>
      %dma_start3A_719 = tpu.memref_squeeze %dma_start3A_718 : memref<1x256x128xf32, #tpu.memory_space<vmem>> -> memref<256x128xf32, #tpu.memory_space<vmem>>
      %dma_start3A_720 = arith.constant 0 : i32
      %dma_start3A_721 = tpu.memref_slice %arg5[%add3A_110, %dma_start3A_720] : memref<106496x128xf32, #tpu.memory_space<hbm>> -> memref<256x128xf32, #tpu.memory_space<hbm>>
      %dma_start3A_722 = arith.constant 0 : i32
      %dma_start3A_723 = tpu.memref_slice %arg5[%add3A_110, %dma_start3A_722] : memref<106496x128xf32, #tpu.memory_space<hbm>> -> memref<256x128xf32, #tpu.memory_space<hbm>>
      %dma_start3A_724 = arith.constant 0 : i32
      %dma_start3A_725 = arith.constant 0 : i32
      %dma_start3A_726 = tpu.memref_slice %arg8[%run_scoped3A_135, %dma_start3A_724, %dma_start3A_725] : memref<2x256x128xf32, #tpu.memory_space<vmem>> -> memref<1x256x128xf32, #tpu.memory_space<vmem>>
      %dma_start3A_727 = tpu.memref_squeeze %dma_start3A_726 : memref<1x256x128xf32, #tpu.memory_space<vmem>> -> memref<256x128xf32, #tpu.memory_space<vmem>>
      tpu.enqueue_dma source(%dma_start3A_727 : memref<256x128xf32, #tpu.memory_space<vmem>>) target(%dma_start3A_723 : memref<256x128xf32, #tpu.memory_space<hbm>>) target_semaphore(%run_scoped3A_715 : memref<!tpu.dma_semaphore, #tpu.memory_space<semaphore_mem>>)
      %dma_wait3A_728 = arith.constant 0 : i32
      %dma_wait3A_729 = arith.constant 0 : i32
      %dma_wait3A_730 = tpu.memref_slice %arg8[%run_scoped3A_135, %dma_wait3A_728, %dma_wait3A_729] : memref<2x256x128xf32, #tpu.memory_space<vmem>> -> memref<1x256x128xf32, #tpu.memory_space<vmem>>
      %dma_wait3A_731 = tpu.memref_squeeze %dma_wait3A_730 : memref<1x256x128xf32, #tpu.memory_space<vmem>> -> memref<256x128xf32, #tpu.memory_space<vmem>>
      %dma_wait3A_732 = arith.constant 0 : i32
      %dma_wait3A_733 = tpu.memref_slice %arg5[%add3A_110, %dma_wait3A_732] : memref<106496x128xf32, #tpu.memory_space<hbm>> -> memref<256x128xf32, #tpu.memory_space<hbm>>
      %dma_wait3A_734 = arith.constant 0 : i32
      %dma_wait3A_735 = tpu.memref_slice %arg5[%add3A_110, %dma_wait3A_734] : memref<106496x128xf32, #tpu.memory_space<hbm>> -> memref<256x128xf32, #tpu.memory_space<hbm>>
      %dma_wait3A_736 = arith.constant 0 : i32
      %dma_wait3A_737 = arith.constant 0 : i32
      %dma_wait3A_738 = tpu.memref_slice %arg8[%run_scoped3A_135, %dma_wait3A_736, %dma_wait3A_737] : memref<2x256x128xf32, #tpu.memory_space<vmem>> -> memref<1x256x128xf32, #tpu.memory_space<vmem>>
      %dma_wait3A_739 = tpu.memref_squeeze %dma_wait3A_738 : memref<1x256x128xf32, #tpu.memory_space<vmem>> -> memref<256x128xf32, #tpu.memory_space<vmem>>
      tpu.wait_dma2 semaphore(%run_scoped3A_715 : memref<!tpu.dma_semaphore, #tpu.memory_space<semaphore_mem>>) src(%dma_wait3A_739 : memref<256x128xf32, #tpu.memory_space<vmem>>) dst(%dma_wait3A_735 : memref<256x128xf32, #tpu.memory_space<hbm>>)
      tpu.yield
    }) : () -> ()
    %run_scoped3A_136 = arith.constant 1 : i32
    "tpu.region"() ({
      %run_scoped3A_715 = tpu.sem_alloc : memref<!tpu.dma_semaphore, #tpu.memory_space<semaphore_mem>>
      %dma_start3A_716 = arith.constant 0 : i32
      %dma_start3A_717 = arith.constant 0 : i32
      %dma_start3A_718 = tpu.memref_slice %arg9[%run_scoped3A_136, %dma_start3A_716, %dma_start3A_717] : memref<2x256x1xf32, #tpu.memory_space<vmem>> -> memref<1x256x1xf32, #tpu.memory_space<vmem>>
      %dma_start3A_719 = tpu.memref_squeeze %dma_start3A_718 : memref<1x256x1xf32, #tpu.memory_space<vmem>> -> memref<256x1xf32, #tpu.memory_space<vmem>>
      %dma_start3A_720 = arith.constant 0 : i32
      %dma_start3A_721 = tpu.memref_slice %arg6[%add3A_110, %dma_start3A_720] : memref<106496x1xf32, #tpu.memory_space<hbm>> -> memref<256x1xf32, #tpu.memory_space<hbm>>
      %dma_start3A_722 = arith.constant 0 : i32
      %dma_start3A_723 = tpu.memref_slice %arg6[%add3A_110, %dma_start3A_722] : memref<106496x1xf32, #tpu.memory_space<hbm>> -> memref<256x1xf32, #tpu.memory_space<hbm>>
      %dma_start3A_724 = arith.constant 0 : i32
      %dma_start3A_725 = arith.constant 0 : i32
      %dma_start3A_726 = tpu.memref_slice %arg9[%run_scoped3A_136, %dma_start3A_724, %dma_start3A_725] : memref<2x256x1xf32, #tpu.memory_space<vmem>> -> memref<1x256x1xf32, #tpu.memory_space<vmem>>
      %dma_start3A_727 = tpu.memref_squeeze %dma_start3A_726 : memref<1x256x1xf32, #tpu.memory_space<vmem>> -> memref<256x1xf32, #tpu.memory_space<vmem>>
      tpu.enqueue_dma source(%dma_start3A_727 : memref<256x1xf32, #tpu.memory_space<vmem>>) target(%dma_start3A_723 : memref<256x1xf32, #tpu.memory_space<hbm>>) target_semaphore(%run_scoped3A_715 : memref<!tpu.dma_semaphore, #tpu.memory_space<semaphore_mem>>)
      %dma_wait3A_728 = arith.constant 0 : i32
      %dma_wait3A_729 = arith.constant 0 : i32
      %dma_wait3A_730 = tpu.memref_slice %arg9[%run_scoped3A_136, %dma_wait3A_728, %dma_wait3A_729] : memref<2x256x1xf32, #tpu.memory_space<vmem>> -> memref<1x256x1xf32, #tpu.memory_space<vmem>>
      %dma_wait3A_731 = tpu.memref_squeeze %dma_wait3A_730 : memref<1x256x1xf32, #tpu.memory_space<vmem>> -> memref<256x1xf32, #tpu.memory_space<vmem>>
      %dma_wait3A_732 = arith.constant 0 : i32
      %dma_wait3A_733 = tpu.memref_slice %arg6[%add3A_110, %dma_wait3A_732] : memref<106496x1xf32, #tpu.memory_space<hbm>> -> memref<256x1xf32, #tpu.memory_space<hbm>>
      %dma_wait3A_734 = arith.constant 0 : i32
      %dma_wait3A_735 = tpu.memref_slice %arg6[%add3A_110, %dma_wait3A_734] : memref<106496x1xf32, #tpu.memory_space<hbm>> -> memref<256x1xf32, #tpu.memory_space<hbm>>
      %dma_wait3A_736 = arith.constant 0 : i32
      %dma_wait3A_737 = arith.constant 0 : i32
      %dma_wait3A_738 = tpu.memref_slice %arg9[%run_scoped3A_136, %dma_wait3A_736, %dma_wait3A_737] : memref<2x256x1xf32, #tpu.memory_space<vmem>> -> memref<1x256x1xf32, #tpu.memory_space<vmem>>
      %dma_wait3A_739 = tpu.memref_squeeze %dma_wait3A_738 : memref<1x256x1xf32, #tpu.memory_space<vmem>> -> memref<256x1xf32, #tpu.memory_space<vmem>>
      tpu.wait_dma2 semaphore(%run_scoped3A_715 : memref<!tpu.dma_semaphore, #tpu.memory_space<semaphore_mem>>) src(%dma_wait3A_739 : memref<256x1xf32, #tpu.memory_space<vmem>>) dst(%dma_wait3A_735 : memref<256x1xf32, #tpu.memory_space<hbm>>)
      tpu.yield
    }) : () -> ()
    %add3A_137 = arith.constant 768 : i32
    %add3A_138 = arith.addi %mul3A_2, %add3A_137 : i32
    %run_scoped3A_139 = arith.constant 1 : i32
    "tpu.region"() ({
      %run_scoped3A_715 = tpu.sem_alloc : memref<!tpu.dma_semaphore, #tpu.memory_space<semaphore_mem>>
      %dma_start3A_716 = arith.constant 0 : i32
      %dma_start3A_717 = tpu.memref_slice %arg7[%run_scoped3A_139, %dma_start3A_716] : memref<2x256xi32, #tpu.memory_space<vmem>> -> memref<1x256xi32, #tpu.memory_space<vmem>>
      %dma_start3A_718 = tpu.memref_squeeze %dma_start3A_717 : memref<1x256xi32, #tpu.memory_space<vmem>> -> memref<256xi32, #tpu.memory_space<vmem>>
      %dma_start3A_719 = tpu.memref_slice %arg4[%add3A_138] : memref<106496xi32, #tpu.memory_space<hbm>> -> memref<256xi32, #tpu.memory_space<hbm>>
      %dma_start3A_720 = arith.constant 0 : i32
      %dma_start3A_721 = tpu.memref_slice %arg7[%run_scoped3A_139, %dma_start3A_720] : memref<2x256xi32, #tpu.memory_space<vmem>> -> memref<1x256xi32, #tpu.memory_space<vmem>>
      %dma_start3A_722 = tpu.memref_squeeze %dma_start3A_721 : memref<1x256xi32, #tpu.memory_space<vmem>> -> memref<256xi32, #tpu.memory_space<vmem>>
      %dma_start3A_723 = tpu.memref_slice %arg4[%add3A_138] : memref<106496xi32, #tpu.memory_space<hbm>> -> memref<256xi32, #tpu.memory_space<hbm>>
      tpu.enqueue_dma source(%dma_start3A_723 : memref<256xi32, #tpu.memory_space<hbm>>) target(%dma_start3A_722 : memref<256xi32, #tpu.memory_space<vmem>>) target_semaphore(%run_scoped3A_715 : memref<!tpu.dma_semaphore, #tpu.memory_space<semaphore_mem>>)
      %dma_wait3A_724 = arith.constant 0 : i32
      %dma_wait3A_725 = tpu.memref_slice %arg7[%run_scoped3A_139, %dma_wait3A_724] : memref<2x256xi32, #tpu.memory_space<vmem>> -> memref<1x256xi32, #tpu.memory_space<vmem>>
      %dma_wait3A_726 = tpu.memref_squeeze %dma_wait3A_725 : memref<1x256xi32, #tpu.memory_space<vmem>> -> memref<256xi32, #tpu.memory_space<vmem>>
      %dma_wait3A_727 = tpu.memref_slice %arg4[%add3A_138] : memref<106496xi32, #tpu.memory_space<hbm>> -> memref<256xi32, #tpu.memory_space<hbm>>
      %dma_wait3A_728 = arith.constant 0 : i32
      %dma_wait3A_729 = tpu.memref_slice %arg7[%run_scoped3A_139, %dma_wait3A_728] : memref<2x256xi32, #tpu.memory_space<vmem>> -> memref<1x256xi32, #tpu.memory_space<vmem>>
      %dma_wait3A_730 = tpu.memref_squeeze %dma_wait3A_729 : memref<1x256xi32, #tpu.memory_space<vmem>> -> memref<256xi32, #tpu.memory_space<vmem>>
      %dma_wait3A_731 = tpu.memref_slice %arg4[%add3A_138] : memref<106496xi32, #tpu.memory_space<hbm>> -> memref<256xi32, #tpu.memory_space<hbm>>
      tpu.wait_dma2 semaphore(%run_scoped3A_715 : memref<!tpu.dma_semaphore, #tpu.memory_space<semaphore_mem>>) src(%dma_wait3A_731 : memref<256xi32, #tpu.memory_space<hbm>>) dst(%dma_wait3A_730 : memref<256xi32, #tpu.memory_space<vmem>>)
      tpu.yield
    }) : () -> ()
    %dma_start3A_140 = arith.constant 1 : i32
    %dma_start3A_141 = arith.constant 1 : i32
    %dma_start3A_142 = arith.constant 0 : i32
    %dma_start3A_143 = arith.constant 0 : i32
    %dma_start3A_144 = tpu.memref_slice %arg8[%dma_start3A_141, %dma_start3A_142, %dma_start3A_143] : memref<2x256x128xf32, #tpu.memory_space<vmem>> -> memref<1x256x128xf32, #tpu.memory_space<vmem>>
    %dma_start3A_145 = tpu.memref_squeeze %dma_start3A_144 : memref<1x256x128xf32, #tpu.memory_space<vmem>> -> memref<256x128xf32, #tpu.memory_space<vmem>>
    %dma_start3A_146 = arith.constant 0 : i32
    %dma_start3A_147 = tpu.memref_slice %arg7[%dma_start3A_140, %dma_start3A_146] : memref<2x256xi32, #tpu.memory_space<vmem>> -> memref<1x256xi32, #tpu.memory_space<vmem>>
    %dma_start3A_148 = tpu.memref_squeeze %dma_start3A_147 : memref<1x256xi32, #tpu.memory_space<vmem>> -> memref<256xi32, #tpu.memory_space<vmem>>
    %dma_start3A_149 = arith.constant 0 : i32
    %dma_start3A_150 = arith.constant 0 : i32
    %dma_start3A_151 = tpu.memref_slice %arg2[%dma_start3A_149, %dma_start3A_150] : memref<100000x128xf32, #tpu.memory_space<hbm>> -> memref<100000x128xf32, #tpu.memory_space<hbm>>
    tpu.enqueue_indirect_dma source(%dma_start3A_151 : memref<100000x128xf32, #tpu.memory_space<hbm>>) target(%dma_start3A_145 : memref<256x128xf32, #tpu.memory_space<vmem>>) offsets(%dma_start3A_148 : memref<256xi32, #tpu.memory_space<vmem>>) semaphore(%arg10 : memref<!tpu.dma_semaphore, #tpu.memory_space<semaphore_mem>>)
    %dma_start3A_152 = arith.constant 1 : i32
    %dma_start3A_153 = arith.constant 1 : i32
    %dma_start3A_154 = arith.constant 0 : i32
    %dma_start3A_155 = arith.constant 0 : i32
    %dma_start3A_156 = tpu.memref_slice %arg9[%dma_start3A_153, %dma_start3A_154, %dma_start3A_155] : memref<2x256x1xf32, #tpu.memory_space<vmem>> -> memref<1x256x1xf32, #tpu.memory_space<vmem>>
    %dma_start3A_157 = tpu.memref_squeeze %dma_start3A_156 : memref<1x256x1xf32, #tpu.memory_space<vmem>> -> memref<256x1xf32, #tpu.memory_space<vmem>>
    %dma_start3A_158 = arith.constant 0 : i32
    %dma_start3A_159 = tpu.memref_slice %arg7[%dma_start3A_152, %dma_start3A_158] : memref<2x256xi32, #tpu.memory_space<vmem>> -> memref<1x256xi32, #tpu.memory_space<vmem>>
    %dma_start3A_160 = tpu.memref_squeeze %dma_start3A_159 : memref<1x256xi32, #tpu.memory_space<vmem>> -> memref<256xi32, #tpu.memory_space<vmem>>
    %dma_start3A_161 = arith.constant 0 : i32
    %dma_start3A_162 = arith.constant 0 : i32
    %dma_start3A_163 = tpu.memref_slice %arg3[%dma_start3A_161, %dma_start3A_162] : memref<100000x1xf32, #tpu.memory_space<hbm>> -> memref<100000x1xf32, #tpu.memory_space<hbm>>
    tpu.enqueue_indirect_dma source(%dma_start3A_163 : memref<100000x1xf32, #tpu.memory_space<hbm>>) target(%dma_start3A_157 : memref<256x1xf32, #tpu.memory_space<vmem>>) offsets(%dma_start3A_160 : memref<256xi32, #tpu.memory_space<vmem>>) semaphore(%arg11 : memref<!tpu.dma_semaphore, #tpu.memory_space<semaphore_mem>>)
    %add3A_164 = arith.constant 512 : i32
    %add3A_165 = arith.addi %mul3A_2, %add3A_164 : i32
    %dma_wait3A_166 = arith.constant 0 : i32
    %dma_wait3A_167 = arith.constant 0 : i32
    %dma_wait3A_168 = arith.constant 0 : i32
    %dma_wait3A_169 = arith.constant 0 : i32
    %dma_wait3A_170 = tpu.memref_slice %arg8[%dma_wait3A_167, %dma_wait3A_168, %dma_wait3A_169] : memref<2x256x128xf32, #tpu.memory_space<vmem>> -> memref<1x256x128xf32, #tpu.memory_space<vmem>>
    %dma_wait3A_171 = tpu.memref_squeeze %dma_wait3A_170 : memref<1x256x128xf32, #tpu.memory_space<vmem>> -> memref<256x128xf32, #tpu.memory_space<vmem>>
    %dma_wait3A_172 = arith.constant 0 : i32
    %dma_wait3A_173 = tpu.memref_slice %arg7[%dma_wait3A_166, %dma_wait3A_172] : memref<2x256xi32, #tpu.memory_space<vmem>> -> memref<1x256xi32, #tpu.memory_space<vmem>>
    %dma_wait3A_174 = tpu.memref_squeeze %dma_wait3A_173 : memref<1x256xi32, #tpu.memory_space<vmem>> -> memref<256xi32, #tpu.memory_space<vmem>>
    %dma_wait3A_175 = arith.constant 0 : i32
    %dma_wait3A_176 = arith.constant 0 : i32
    %dma_wait3A_177 = tpu.memref_slice %arg2[%dma_wait3A_175, %dma_wait3A_176] : memref<100000x128xf32, #tpu.memory_space<hbm>> -> memref<100000x128xf32, #tpu.memory_space<hbm>>
    tpu.wait_indirect_dma semaphore(%arg10 : memref<!tpu.dma_semaphore, #tpu.memory_space<semaphore_mem>>) src(%dma_wait3A_177 : memref<100000x128xf32, #tpu.memory_space<hbm>>) dst(%dma_wait3A_171 : memref<256x128xf32, #tpu.memory_space<vmem>>)
    %dma_wait3A_178 = arith.constant 0 : i32
    %dma_wait3A_179 = arith.constant 0 : i32
    %dma_wait3A_180 = arith.constant 0 : i32
    %dma_wait3A_181 = arith.constant 0 : i32
    %dma_wait3A_182 = tpu.memref_slice %arg9[%dma_wait3A_179, %dma_wait3A_180, %dma_wait3A_181] : memref<2x256x1xf32, #tpu.memory_space<vmem>> -> memref<1x256x1xf32, #tpu.memory_space<vmem>>
    %dma_wait3A_183 = tpu.memref_squeeze %dma_wait3A_182 : memref<1x256x1xf32, #tpu.memory_space<vmem>> -> memref<256x1xf32, #tpu.memory_space<vmem>>
    %dma_wait3A_184 = arith.constant 0 : i32
    %dma_wait3A_185 = tpu.memref_slice %arg7[%dma_wait3A_178, %dma_wait3A_184] : memref<2x256xi32, #tpu.memory_space<vmem>> -> memref<1x256xi32, #tpu.memory_space<vmem>>
    %dma_wait3A_186 = tpu.memref_squeeze %dma_wait3A_185 : memref<1x256xi32, #tpu.memory_space<vmem>> -> memref<256xi32, #tpu.memory_space<vmem>>
    %dma_wait3A_187 = arith.constant 0 : i32
    %dma_wait3A_188 = arith.constant 0 : i32
    %dma_wait3A_189 = tpu.memref_slice %arg3[%dma_wait3A_187, %dma_wait3A_188] : memref<100000x1xf32, #tpu.memory_space<hbm>> -> memref<100000x1xf32, #tpu.memory_space<hbm>>
    tpu.wait_indirect_dma semaphore(%arg11 : memref<!tpu.dma_semaphore, #tpu.memory_space<semaphore_mem>>) src(%dma_wait3A_189 : memref<100000x1xf32, #tpu.memory_space<hbm>>) dst(%dma_wait3A_183 : memref<256x1xf32, #tpu.memory_space<vmem>>)
    %run_scoped3A_190 = arith.constant 0 : i32
    "tpu.region"() ({
      %run_scoped3A_715 = tpu.sem_alloc : memref<!tpu.dma_semaphore, #tpu.memory_space<semaphore_mem>>
      %dma_start3A_716 = arith.constant 0 : i32
      %dma_start3A_717 = arith.constant 0 : i32
      %dma_start3A_718 = tpu.memref_slice %arg8[%run_scoped3A_190, %dma_start3A_716, %dma_start3A_717] : memref<2x256x128xf32, #tpu.memory_space<vmem>> -> memref<1x256x128xf32, #tpu.memory_space<vmem>>
      %dma_start3A_719 = tpu.memref_squeeze %dma_start3A_718 : memref<1x256x128xf32, #tpu.memory_space<vmem>> -> memref<256x128xf32, #tpu.memory_space<vmem>>
      %dma_start3A_720 = arith.constant 0 : i32
      %dma_start3A_721 = tpu.memref_slice %arg5[%add3A_165, %dma_start3A_720] : memref<106496x128xf32, #tpu.memory_space<hbm>> -> memref<256x128xf32, #tpu.memory_space<hbm>>
      %dma_start3A_722 = arith.constant 0 : i32
      %dma_start3A_723 = tpu.memref_slice %arg5[%add3A_165, %dma_start3A_722] : memref<106496x128xf32, #tpu.memory_space<hbm>> -> memref<256x128xf32, #tpu.memory_space<hbm>>
      %dma_start3A_724 = arith.constant 0 : i32
      %dma_start3A_725 = arith.constant 0 : i32
      %dma_start3A_726 = tpu.memref_slice %arg8[%run_scoped3A_190, %dma_start3A_724, %dma_start3A_725] : memref<2x256x128xf32, #tpu.memory_space<vmem>> -> memref<1x256x128xf32, #tpu.memory_space<vmem>>
      %dma_start3A_727 = tpu.memref_squeeze %dma_start3A_726 : memref<1x256x128xf32, #tpu.memory_space<vmem>> -> memref<256x128xf32, #tpu.memory_space<vmem>>
      tpu.enqueue_dma source(%dma_start3A_727 : memref<256x128xf32, #tpu.memory_space<vmem>>) target(%dma_start3A_723 : memref<256x128xf32, #tpu.memory_space<hbm>>) target_semaphore(%run_scoped3A_715 : memref<!tpu.dma_semaphore, #tpu.memory_space<semaphore_mem>>)
      %dma_wait3A_728 = arith.constant 0 : i32
      %dma_wait3A_729 = arith.constant 0 : i32
      %dma_wait3A_730 = tpu.memref_slice %arg8[%run_scoped3A_190, %dma_wait3A_728, %dma_wait3A_729] : memref<2x256x128xf32, #tpu.memory_space<vmem>> -> memref<1x256x128xf32, #tpu.memory_space<vmem>>
      %dma_wait3A_731 = tpu.memref_squeeze %dma_wait3A_730 : memref<1x256x128xf32, #tpu.memory_space<vmem>> -> memref<256x128xf32, #tpu.memory_space<vmem>>
      %dma_wait3A_732 = arith.constant 0 : i32
      %dma_wait3A_733 = tpu.memref_slice %arg5[%add3A_165, %dma_wait3A_732] : memref<106496x128xf32, #tpu.memory_space<hbm>> -> memref<256x128xf32, #tpu.memory_space<hbm>>
      %dma_wait3A_734 = arith.constant 0 : i32
      %dma_wait3A_735 = tpu.memref_slice %arg5[%add3A_165, %dma_wait3A_734] : memref<106496x128xf32, #tpu.memory_space<hbm>> -> memref<256x128xf32, #tpu.memory_space<hbm>>
      %dma_wait3A_736 = arith.constant 0 : i32
      %dma_wait3A_737 = arith.constant 0 : i32
      %dma_wait3A_738 = tpu.memref_slice %arg8[%run_scoped3A_190, %dma_wait3A_736, %dma_wait3A_737] : memref<2x256x128xf32, #tpu.memory_space<vmem>> -> memref<1x256x128xf32, #tpu.memory_space<vmem>>
      %dma_wait3A_739 = tpu.memref_squeeze %dma_wait3A_738 : memref<1x256x128xf32, #tpu.memory_space<vmem>> -> memref<256x128xf32, #tpu.memory_space<vmem>>
      tpu.wait_dma2 semaphore(%run_scoped3A_715 : memref<!tpu.dma_semaphore, #tpu.memory_space<semaphore_mem>>) src(%dma_wait3A_739 : memref<256x128xf32, #tpu.memory_space<vmem>>) dst(%dma_wait3A_735 : memref<256x128xf32, #tpu.memory_space<hbm>>)
      tpu.yield
    }) : () -> ()
    %run_scoped3A_191 = arith.constant 0 : i32
    "tpu.region"() ({
      %run_scoped3A_715 = tpu.sem_alloc : memref<!tpu.dma_semaphore, #tpu.memory_space<semaphore_mem>>
      %dma_start3A_716 = arith.constant 0 : i32
      %dma_start3A_717 = arith.constant 0 : i32
      %dma_start3A_718 = tpu.memref_slice %arg9[%run_scoped3A_191, %dma_start3A_716, %dma_start3A_717] : memref<2x256x1xf32, #tpu.memory_space<vmem>> -> memref<1x256x1xf32, #tpu.memory_space<vmem>>
      %dma_start3A_719 = tpu.memref_squeeze %dma_start3A_718 : memref<1x256x1xf32, #tpu.memory_space<vmem>> -> memref<256x1xf32, #tpu.memory_space<vmem>>
      %dma_start3A_720 = arith.constant 0 : i32
      %dma_start3A_721 = tpu.memref_slice %arg6[%add3A_165, %dma_start3A_720] : memref<106496x1xf32, #tpu.memory_space<hbm>> -> memref<256x1xf32, #tpu.memory_space<hbm>>
      %dma_start3A_722 = arith.constant 0 : i32
      %dma_start3A_723 = tpu.memref_slice %arg6[%add3A_165, %dma_start3A_722] : memref<106496x1xf32, #tpu.memory_space<hbm>> -> memref<256x1xf32, #tpu.memory_space<hbm>>
      %dma_start3A_724 = arith.constant 0 : i32
      %dma_start3A_725 = arith.constant 0 : i32
      %dma_start3A_726 = tpu.memref_slice %arg9[%run_scoped3A_191, %dma_start3A_724, %dma_start3A_725] : memref<2x256x1xf32, #tpu.memory_space<vmem>> -> memref<1x256x1xf32, #tpu.memory_space<vmem>>
      %dma_start3A_727 = tpu.memref_squeeze %dma_start3A_726 : memref<1x256x1xf32, #tpu.memory_space<vmem>> -> memref<256x1xf32, #tpu.memory_space<vmem>>
      tpu.enqueue_dma source(%dma_start3A_727 : memref<256x1xf32, #tpu.memory_space<vmem>>) target(%dma_start3A_723 : memref<256x1xf32, #tpu.memory_space<hbm>>) target_semaphore(%run_scoped3A_715 : memref<!tpu.dma_semaphore, #tpu.memory_space<semaphore_mem>>)
      %dma_wait3A_728 = arith.constant 0 : i32
      %dma_wait3A_729 = arith.constant 0 : i32
      %dma_wait3A_730 = tpu.memref_slice %arg9[%run_scoped3A_191, %dma_wait3A_728, %dma_wait3A_729] : memref<2x256x1xf32, #tpu.memory_space<vmem>> -> memref<1x256x1xf32, #tpu.memory_space<vmem>>
      %dma_wait3A_731 = tpu.memref_squeeze %dma_wait3A_730 : memref<1x256x1xf32, #tpu.memory_space<vmem>> -> memref<256x1xf32, #tpu.memory_space<vmem>>
      %dma_wait3A_732 = arith.constant 0 : i32
      %dma_wait3A_733 = tpu.memref_slice %arg6[%add3A_165, %dma_wait3A_732] : memref<106496x1xf32, #tpu.memory_space<hbm>> -> memref<256x1xf32, #tpu.memory_space<hbm>>
      %dma_wait3A_734 = arith.constant 0 : i32
      %dma_wait3A_735 = tpu.memref_slice %arg6[%add3A_165, %dma_wait3A_734] : memref<106496x1xf32, #tpu.memory_space<hbm>> -> memref<256x1xf32, #tpu.memory_space<hbm>>
      %dma_wait3A_736 = arith.constant 0 : i32
      %dma_wait3A_737 = arith.constant 0 : i32
      %dma_wait3A_738 = tpu.memref_slice %arg9[%run_scoped3A_191, %dma_wait3A_736, %dma_wait3A_737] : memref<2x256x1xf32, #tpu.memory_space<vmem>> -> memref<1x256x1xf32, #tpu.memory_space<vmem>>
      %dma_wait3A_739 = tpu.memref_squeeze %dma_wait3A_738 : memref<1x256x1xf32, #tpu.memory_space<vmem>> -> memref<256x1xf32, #tpu.memory_space<vmem>>
      tpu.wait_dma2 semaphore(%run_scoped3A_715 : memref<!tpu.dma_semaphore, #tpu.memory_space<semaphore_mem>>) src(%dma_wait3A_739 : memref<256x1xf32, #tpu.memory_space<vmem>>) dst(%dma_wait3A_735 : memref<256x1xf32, #tpu.memory_space<hbm>>)
      tpu.yield
    }) : () -> ()
    %add3A_192 = arith.constant 1024 : i32
    %add3A_193 = arith.addi %mul3A_2, %add3A_192 : i32
    %run_scoped3A_194 = arith.constant 0 : i32
    "tpu.region"() ({
      %run_scoped3A_715 = tpu.sem_alloc : memref<!tpu.dma_semaphore, #tpu.memory_space<semaphore_mem>>
      %dma_start3A_716 = arith.constant 0 : i32
      %dma_start3A_717 = tpu.memref_slice %arg7[%run_scoped3A_194, %dma_start3A_716] : memref<2x256xi32, #tpu.memory_space<vmem>> -> memref<1x256xi32, #tpu.memory_space<vmem>>
      %dma_start3A_718 = tpu.memref_squeeze %dma_start3A_717 : memref<1x256xi32, #tpu.memory_space<vmem>> -> memref<256xi32, #tpu.memory_space<vmem>>
      %dma_start3A_719 = tpu.memref_slice %arg4[%add3A_193] : memref<106496xi32, #tpu.memory_space<hbm>> -> memref<256xi32, #tpu.memory_space<hbm>>
      %dma_start3A_720 = arith.constant 0 : i32
      %dma_start3A_721 = tpu.memref_slice %arg7[%run_scoped3A_194, %dma_start3A_720] : memref<2x256xi32, #tpu.memory_space<vmem>> -> memref<1x256xi32, #tpu.memory_space<vmem>>
      %dma_start3A_722 = tpu.memref_squeeze %dma_start3A_721 : memref<1x256xi32, #tpu.memory_space<vmem>> -> memref<256xi32, #tpu.memory_space<vmem>>
      %dma_start3A_723 = tpu.memref_slice %arg4[%add3A_193] : memref<106496xi32, #tpu.memory_space<hbm>> -> memref<256xi32, #tpu.memory_space<hbm>>
      tpu.enqueue_dma source(%dma_start3A_723 : memref<256xi32, #tpu.memory_space<hbm>>) target(%dma_start3A_722 : memref<256xi32, #tpu.memory_space<vmem>>) target_semaphore(%run_scoped3A_715 : memref<!tpu.dma_semaphore, #tpu.memory_space<semaphore_mem>>)
      %dma_wait3A_724 = arith.constant 0 : i32
      %dma_wait3A_725 = tpu.memref_slice %arg7[%run_scoped3A_194, %dma_wait3A_724] : memref<2x256xi32, #tpu.memory_space<vmem>> -> memref<1x256xi32, #tpu.memory_space<vmem>>
      %dma_wait3A_726 = tpu.memref_squeeze %dma_wait3A_725 : memref<1x256xi32, #tpu.memory_space<vmem>> -> memref<256xi32, #tpu.memory_space<vmem>>
      %dma_wait3A_727 = tpu.memref_slice %arg4[%add3A_193] : memref<106496xi32, #tpu.memory_space<hbm>> -> memref<256xi32, #tpu.memory_space<hbm>>
      %dma_wait3A_728 = arith.constant 0 : i32
      %dma_wait3A_729 = tpu.memref_slice %arg7[%run_scoped3A_194, %dma_wait3A_728] : memref<2x256xi32, #tpu.memory_space<vmem>> -> memref<1x256xi32, #tpu.memory_space<vmem>>
      %dma_wait3A_730 = tpu.memref_squeeze %dma_wait3A_729 : memref<1x256xi32, #tpu.memory_space<vmem>> -> memref<256xi32, #tpu.memory_space<vmem>>
      %dma_wait3A_731 = tpu.memref_slice %arg4[%add3A_193] : memref<106496xi32, #tpu.memory_space<hbm>> -> memref<256xi32, #tpu.memory_space<hbm>>
      tpu.wait_dma2 semaphore(%run_scoped3A_715 : memref<!tpu.dma_semaphore, #tpu.memory_space<semaphore_mem>>) src(%dma_wait3A_731 : memref<256xi32, #tpu.memory_space<hbm>>) dst(%dma_wait3A_730 : memref<256xi32, #tpu.memory_space<vmem>>)
      tpu.yield
    }) : () -> ()
    %dma_start3A_195 = arith.constant 0 : i32
    %dma_start3A_196 = arith.constant 0 : i32
    %dma_start3A_197 = arith.constant 0 : i32
    %dma_start3A_198 = arith.constant 0 : i32
    %dma_start3A_199 = tpu.memref_slice %arg8[%dma_start3A_196, %dma_start3A_197, %dma_start3A_198] : memref<2x256x128xf32, #tpu.memory_space<vmem>> -> memref<1x256x128xf32, #tpu.memory_space<vmem>>
    %dma_start3A_200 = tpu.memref_squeeze %dma_start3A_199 : memref<1x256x128xf32, #tpu.memory_space<vmem>> -> memref<256x128xf32, #tpu.memory_space<vmem>>
    %dma_start3A_201 = arith.constant 0 : i32
    %dma_start3A_202 = tpu.memref_slice %arg7[%dma_start3A_195, %dma_start3A_201] : memref<2x256xi32, #tpu.memory_space<vmem>> -> memref<1x256xi32, #tpu.memory_space<vmem>>
    %dma_start3A_203 = tpu.memref_squeeze %dma_start3A_202 : memref<1x256xi32, #tpu.memory_space<vmem>> -> memref<256xi32, #tpu.memory_space<vmem>>
    %dma_start3A_204 = arith.constant 0 : i32
    %dma_start3A_205 = arith.constant 0 : i32
    %dma_start3A_206 = tpu.memref_slice %arg2[%dma_start3A_204, %dma_start3A_205] : memref<100000x128xf32, #tpu.memory_space<hbm>> -> memref<100000x128xf32, #tpu.memory_space<hbm>>
    tpu.enqueue_indirect_dma source(%dma_start3A_206 : memref<100000x128xf32, #tpu.memory_space<hbm>>) target(%dma_start3A_200 : memref<256x128xf32, #tpu.memory_space<vmem>>) offsets(%dma_start3A_203 : memref<256xi32, #tpu.memory_space<vmem>>) semaphore(%arg10 : memref<!tpu.dma_semaphore, #tpu.memory_space<semaphore_mem>>)
    %dma_start3A_207 = arith.constant 0 : i32
    %dma_start3A_208 = arith.constant 0 : i32
    %dma_start3A_209 = arith.constant 0 : i32
    %dma_start3A_210 = arith.constant 0 : i32
    %dma_start3A_211 = tpu.memref_slice %arg9[%dma_start3A_208, %dma_start3A_209, %dma_start3A_210] : memref<2x256x1xf32, #tpu.memory_space<vmem>> -> memref<1x256x1xf32, #tpu.memory_space<vmem>>
    %dma_start3A_212 = tpu.memref_squeeze %dma_start3A_211 : memref<1x256x1xf32, #tpu.memory_space<vmem>> -> memref<256x1xf32, #tpu.memory_space<vmem>>
    %dma_start3A_213 = arith.constant 0 : i32
    %dma_start3A_214 = tpu.memref_slice %arg7[%dma_start3A_207, %dma_start3A_213] : memref<2x256xi32, #tpu.memory_space<vmem>> -> memref<1x256xi32, #tpu.memory_space<vmem>>
    %dma_start3A_215 = tpu.memref_squeeze %dma_start3A_214 : memref<1x256xi32, #tpu.memory_space<vmem>> -> memref<256xi32, #tpu.memory_space<vmem>>
    %dma_start3A_216 = arith.constant 0 : i32
    %dma_start3A_217 = arith.constant 0 : i32
    %dma_start3A_218 = tpu.memref_slice %arg3[%dma_start3A_216, %dma_start3A_217] : memref<100000x1xf32, #tpu.memory_space<hbm>> -> memref<100000x1xf32, #tpu.memory_space<hbm>>
    tpu.enqueue_indirect_dma source(%dma_start3A_218 : memref<100000x1xf32, #tpu.memory_space<hbm>>) target(%dma_start3A_212 : memref<256x1xf32, #tpu.memory_space<vmem>>) offsets(%dma_start3A_215 : memref<256xi32, #tpu.memory_space<vmem>>) semaphore(%arg11 : memref<!tpu.dma_semaphore, #tpu.memory_space<semaphore_mem>>)
    %add3A_219 = arith.constant 768 : i32
    %add3A_220 = arith.addi %mul3A_2, %add3A_219 : i32
    %dma_wait3A_221 = arith.constant 1 : i32
    %dma_wait3A_222 = arith.constant 1 : i32
    %dma_wait3A_223 = arith.constant 0 : i32
    %dma_wait3A_224 = arith.constant 0 : i32
    %dma_wait3A_225 = tpu.memref_slice %arg8[%dma_wait3A_222, %dma_wait3A_223, %dma_wait3A_224] : memref<2x256x128xf32, #tpu.memory_space<vmem>> -> memref<1x256x128xf32, #tpu.memory_space<vmem>>
    %dma_wait3A_226 = tpu.memref_squeeze %dma_wait3A_225 : memref<1x256x128xf32, #tpu.memory_space<vmem>> -> memref<256x128xf32, #tpu.memory_space<vmem>>
    %dma_wait3A_227 = arith.constant 0 : i32
    %dma_wait3A_228 = tpu.memref_slice %arg7[%dma_wait3A_221, %dma_wait3A_227] : memref<2x256xi32, #tpu.memory_space<vmem>> -> memref<1x256xi32, #tpu.memory_space<vmem>>
    %dma_wait3A_229 = tpu.memref_squeeze %dma_wait3A_228 : memref<1x256xi32, #tpu.memory_space<vmem>> -> memref<256xi32, #tpu.memory_space<vmem>>
    %dma_wait3A_230 = arith.constant 0 : i32
    %dma_wait3A_231 = arith.constant 0 : i32
    %dma_wait3A_232 = tpu.memref_slice %arg2[%dma_wait3A_230, %dma_wait3A_231] : memref<100000x128xf32, #tpu.memory_space<hbm>> -> memref<100000x128xf32, #tpu.memory_space<hbm>>
    tpu.wait_indirect_dma semaphore(%arg10 : memref<!tpu.dma_semaphore, #tpu.memory_space<semaphore_mem>>) src(%dma_wait3A_232 : memref<100000x128xf32, #tpu.memory_space<hbm>>) dst(%dma_wait3A_226 : memref<256x128xf32, #tpu.memory_space<vmem>>)
    %dma_wait3A_233 = arith.constant 1 : i32
    %dma_wait3A_234 = arith.constant 1 : i32
    %dma_wait3A_235 = arith.constant 0 : i32
    %dma_wait3A_236 = arith.constant 0 : i32
    %dma_wait3A_237 = tpu.memref_slice %arg9[%dma_wait3A_234, %dma_wait3A_235, %dma_wait3A_236] : memref<2x256x1xf32, #tpu.memory_space<vmem>> -> memref<1x256x1xf32, #tpu.memory_space<vmem>>
    %dma_wait3A_238 = tpu.memref_squeeze %dma_wait3A_237 : memref<1x256x1xf32, #tpu.memory_space<vmem>> -> memref<256x1xf32, #tpu.memory_space<vmem>>
    %dma_wait3A_239 = arith.constant 0 : i32
    %dma_wait3A_240 = tpu.memref_slice %arg7[%dma_wait3A_233, %dma_wait3A_239] : memref<2x256xi32, #tpu.memory_space<vmem>> -> memref<1x256xi32, #tpu.memory_space<vmem>>
    %dma_wait3A_241 = tpu.memref_squeeze %dma_wait3A_240 : memref<1x256xi32, #tpu.memory_space<vmem>> -> memref<256xi32, #tpu.memory_space<vmem>>
    %dma_wait3A_242 = arith.constant 0 : i32
    %dma_wait3A_243 = arith.constant 0 : i32
    %dma_wait3A_244 = tpu.memref_slice %arg3[%dma_wait3A_242, %dma_wait3A_243] : memref<100000x1xf32, #tpu.memory_space<hbm>> -> memref<100000x1xf32, #tpu.memory_space<hbm>>
    tpu.wait_indirect_dma semaphore(%arg11 : memref<!tpu.dma_semaphore, #tpu.memory_space<semaphore_mem>>) src(%dma_wait3A_244 : memref<100000x1xf32, #tpu.memory_space<hbm>>) dst(%dma_wait3A_238 : memref<256x1xf32, #tpu.memory_space<vmem>>)
    %run_scoped3A_245 = arith.constant 1 : i32
    "tpu.region"() ({
      %run_scoped3A_715 = tpu.sem_alloc : memref<!tpu.dma_semaphore, #tpu.memory_space<semaphore_mem>>
      %dma_start3A_716 = arith.constant 0 : i32
      %dma_start3A_717 = arith.constant 0 : i32
      %dma_start3A_718 = tpu.memref_slice %arg8[%run_scoped3A_245, %dma_start3A_716, %dma_start3A_717] : memref<2x256x128xf32, #tpu.memory_space<vmem>> -> memref<1x256x128xf32, #tpu.memory_space<vmem>>
      %dma_start3A_719 = tpu.memref_squeeze %dma_start3A_718 : memref<1x256x128xf32, #tpu.memory_space<vmem>> -> memref<256x128xf32, #tpu.memory_space<vmem>>
      %dma_start3A_720 = arith.constant 0 : i32
      %dma_start3A_721 = tpu.memref_slice %arg5[%add3A_220, %dma_start3A_720] : memref<106496x128xf32, #tpu.memory_space<hbm>> -> memref<256x128xf32, #tpu.memory_space<hbm>>
      %dma_start3A_722 = arith.constant 0 : i32
      %dma_start3A_723 = tpu.memref_slice %arg5[%add3A_220, %dma_start3A_722] : memref<106496x128xf32, #tpu.memory_space<hbm>> -> memref<256x128xf32, #tpu.memory_space<hbm>>
      %dma_start3A_724 = arith.constant 0 : i32
      %dma_start3A_725 = arith.constant 0 : i32
      %dma_start3A_726 = tpu.memref_slice %arg8[%run_scoped3A_245, %dma_start3A_724, %dma_start3A_725] : memref<2x256x128xf32, #tpu.memory_space<vmem>> -> memref<1x256x128xf32, #tpu.memory_space<vmem>>
      %dma_start3A_727 = tpu.memref_squeeze %dma_start3A_726 : memref<1x256x128xf32, #tpu.memory_space<vmem>> -> memref<256x128xf32, #tpu.memory_space<vmem>>
      tpu.enqueue_dma source(%dma_start3A_727 : memref<256x128xf32, #tpu.memory_space<vmem>>) target(%dma_start3A_723 : memref<256x128xf32, #tpu.memory_space<hbm>>) target_semaphore(%run_scoped3A_715 : memref<!tpu.dma_semaphore, #tpu.memory_space<semaphore_mem>>)
      %dma_wait3A_728 = arith.constant 0 : i32
      %dma_wait3A_729 = arith.constant 0 : i32
      %dma_wait3A_730 = tpu.memref_slice %arg8[%run_scoped3A_245, %dma_wait3A_728, %dma_wait3A_729] : memref<2x256x128xf32, #tpu.memory_space<vmem>> -> memref<1x256x128xf32, #tpu.memory_space<vmem>>
      %dma_wait3A_731 = tpu.memref_squeeze %dma_wait3A_730 : memref<1x256x128xf32, #tpu.memory_space<vmem>> -> memref<256x128xf32, #tpu.memory_space<vmem>>
      %dma_wait3A_732 = arith.constant 0 : i32
      %dma_wait3A_733 = tpu.memref_slice %arg5[%add3A_220, %dma_wait3A_732] : memref<106496x128xf32, #tpu.memory_space<hbm>> -> memref<256x128xf32, #tpu.memory_space<hbm>>
      %dma_wait3A_734 = arith.constant 0 : i32
      %dma_wait3A_735 = tpu.memref_slice %arg5[%add3A_220, %dma_wait3A_734] : memref<106496x128xf32, #tpu.memory_space<hbm>> -> memref<256x128xf32, #tpu.memory_space<hbm>>
      %dma_wait3A_736 = arith.constant 0 : i32
      %dma_wait3A_737 = arith.constant 0 : i32
      %dma_wait3A_738 = tpu.memref_slice %arg8[%run_scoped3A_245, %dma_wait3A_736, %dma_wait3A_737] : memref<2x256x128xf32, #tpu.memory_space<vmem>> -> memref<1x256x128xf32, #tpu.memory_space<vmem>>
      %dma_wait3A_739 = tpu.memref_squeeze %dma_wait3A_738 : memref<1x256x128xf32, #tpu.memory_space<vmem>> -> memref<256x128xf32, #tpu.memory_space<vmem>>
      tpu.wait_dma2 semaphore(%run_scoped3A_715 : memref<!tpu.dma_semaphore, #tpu.memory_space<semaphore_mem>>) src(%dma_wait3A_739 : memref<256x128xf32, #tpu.memory_space<vmem>>) dst(%dma_wait3A_735 : memref<256x128xf32, #tpu.memory_space<hbm>>)
      tpu.yield
    }) : () -> ()
    %run_scoped3A_246 = arith.constant 1 : i32
    "tpu.region"() ({
      %run_scoped3A_715 = tpu.sem_alloc : memref<!tpu.dma_semaphore, #tpu.memory_space<semaphore_mem>>
      %dma_start3A_716 = arith.constant 0 : i32
      %dma_start3A_717 = arith.constant 0 : i32
      %dma_start3A_718 = tpu.memref_slice %arg9[%run_scoped3A_246, %dma_start3A_716, %dma_start3A_717] : memref<2x256x1xf32, #tpu.memory_space<vmem>> -> memref<1x256x1xf32, #tpu.memory_space<vmem>>
      %dma_start3A_719 = tpu.memref_squeeze %dma_start3A_718 : memref<1x256x1xf32, #tpu.memory_space<vmem>> -> memref<256x1xf32, #tpu.memory_space<vmem>>
      %dma_start3A_720 = arith.constant 0 : i32
      %dma_start3A_721 = tpu.memref_slice %arg6[%add3A_220, %dma_start3A_720] : memref<106496x1xf32, #tpu.memory_space<hbm>> -> memref<256x1xf32, #tpu.memory_space<hbm>>
      %dma_start3A_722 = arith.constant 0 : i32
      %dma_start3A_723 = tpu.memref_slice %arg6[%add3A_220, %dma_start3A_722] : memref<106496x1xf32, #tpu.memory_space<hbm>> -> memref<256x1xf32, #tpu.memory_space<hbm>>
      %dma_start3A_724 = arith.constant 0 : i32
      %dma_start3A_725 = arith.constant 0 : i32
      %dma_start3A_726 = tpu.memref_slice %arg9[%run_scoped3A_246, %dma_start3A_724, %dma_start3A_725] : memref<2x256x1xf32, #tpu.memory_space<vmem>> -> memref<1x256x1xf32, #tpu.memory_space<vmem>>
      %dma_start3A_727 = tpu.memref_squeeze %dma_start3A_726 : memref<1x256x1xf32, #tpu.memory_space<vmem>> -> memref<256x1xf32, #tpu.memory_space<vmem>>
      tpu.enqueue_dma source(%dma_start3A_727 : memref<256x1xf32, #tpu.memory_space<vmem>>) target(%dma_start3A_723 : memref<256x1xf32, #tpu.memory_space<hbm>>) target_semaphore(%run_scoped3A_715 : memref<!tpu.dma_semaphore, #tpu.memory_space<semaphore_mem>>)
      %dma_wait3A_728 = arith.constant 0 : i32
      %dma_wait3A_729 = arith.constant 0 : i32
      %dma_wait3A_730 = tpu.memref_slice %arg9[%run_scoped3A_246, %dma_wait3A_728, %dma_wait3A_729] : memref<2x256x1xf32, #tpu.memory_space<vmem>> -> memref<1x256x1xf32, #tpu.memory_space<vmem>>
      %dma_wait3A_731 = tpu.memref_squeeze %dma_wait3A_730 : memref<1x256x1xf32, #tpu.memory_space<vmem>> -> memref<256x1xf32, #tpu.memory_space<vmem>>
      %dma_wait3A_732 = arith.constant 0 : i32
      %dma_wait3A_733 = tpu.memref_slice %arg6[%add3A_220, %dma_wait3A_732] : memref<106496x1xf32, #tpu.memory_space<hbm>> -> memref<256x1xf32, #tpu.memory_space<hbm>>
      %dma_wait3A_734 = arith.constant 0 : i32
      %dma_wait3A_735 = tpu.memref_slice %arg6[%add3A_220, %dma_wait3A_734] : memref<106496x1xf32, #tpu.memory_space<hbm>> -> memref<256x1xf32, #tpu.memory_space<hbm>>
      %dma_wait3A_736 = arith.constant 0 : i32
      %dma_wait3A_737 = arith.constant 0 : i32
      %dma_wait3A_738 = tpu.memref_slice %arg9[%run_scoped3A_246, %dma_wait3A_736, %dma_wait3A_737] : memref<2x256x1xf32, #tpu.memory_space<vmem>> -> memref<1x256x1xf32, #tpu.memory_space<vmem>>
      %dma_wait3A_739 = tpu.memref_squeeze %dma_wait3A_738 : memref<1x256x1xf32, #tpu.memory_space<vmem>> -> memref<256x1xf32, #tpu.memory_space<vmem>>
      tpu.wait_dma2 semaphore(%run_scoped3A_715 : memref<!tpu.dma_semaphore, #tpu.memory_space<semaphore_mem>>) src(%dma_wait3A_739 : memref<256x1xf32, #tpu.memory_space<vmem>>) dst(%dma_wait3A_735 : memref<256x1xf32, #tpu.memory_space<hbm>>)
      tpu.yield
    }) : () -> ()
    %add3A_247 = arith.constant 1280 : i32
    %add3A_248 = arith.addi %mul3A_2, %add3A_247 : i32
    %run_scoped3A_249 = arith.constant 1 : i32
    "tpu.region"() ({
      %run_scoped3A_715 = tpu.sem_alloc : memref<!tpu.dma_semaphore, #tpu.memory_space<semaphore_mem>>
      %dma_start3A_716 = arith.constant 0 : i32
      %dma_start3A_717 = tpu.memref_slice %arg7[%run_scoped3A_249, %dma_start3A_716] : memref<2x256xi32, #tpu.memory_space<vmem>> -> memref<1x256xi32, #tpu.memory_space<vmem>>
      %dma_start3A_718 = tpu.memref_squeeze %dma_start3A_717 : memref<1x256xi32, #tpu.memory_space<vmem>> -> memref<256xi32, #tpu.memory_space<vmem>>
      %dma_start3A_719 = tpu.memref_slice %arg4[%add3A_248] : memref<106496xi32, #tpu.memory_space<hbm>> -> memref<256xi32, #tpu.memory_space<hbm>>
      %dma_start3A_720 = arith.constant 0 : i32
      %dma_start3A_721 = tpu.memref_slice %arg7[%run_scoped3A_249, %dma_start3A_720] : memref<2x256xi32, #tpu.memory_space<vmem>> -> memref<1x256xi32, #tpu.memory_space<vmem>>
      %dma_start3A_722 = tpu.memref_squeeze %dma_start3A_721 : memref<1x256xi32, #tpu.memory_space<vmem>> -> memref<256xi32, #tpu.memory_space<vmem>>
      %dma_start3A_723 = tpu.memref_slice %arg4[%add3A_248] : memref<106496xi32, #tpu.memory_space<hbm>> -> memref<256xi32, #tpu.memory_space<hbm>>
      tpu.enqueue_dma source(%dma_start3A_723 : memref<256xi32, #tpu.memory_space<hbm>>) target(%dma_start3A_722 : memref<256xi32, #tpu.memory_space<vmem>>) target_semaphore(%run_scoped3A_715 : memref<!tpu.dma_semaphore, #tpu.memory_space<semaphore_mem>>)
      %dma_wait3A_724 = arith.constant 0 : i32
      %dma_wait3A_725 = tpu.memref_slice %arg7[%run_scoped3A_249, %dma_wait3A_724] : memref<2x256xi32, #tpu.memory_space<vmem>> -> memref<1x256xi32, #tpu.memory_space<vmem>>
      %dma_wait3A_726 = tpu.memref_squeeze %dma_wait3A_725 : memref<1x256xi32, #tpu.memory_space<vmem>> -> memref<256xi32, #tpu.memory_space<vmem>>
      %dma_wait3A_727 = tpu.memref_slice %arg4[%add3A_248] : memref<106496xi32, #tpu.memory_space<hbm>> -> memref<256xi32, #tpu.memory_space<hbm>>
      %dma_wait3A_728 = arith.constant 0 : i32
      %dma_wait3A_729 = tpu.memref_slice %arg7[%run_scoped3A_249, %dma_wait3A_728] : memref<2x256xi32, #tpu.memory_space<vmem>> -> memref<1x256xi32, #tpu.memory_space<vmem>>
      %dma_wait3A_730 = tpu.memref_squeeze %dma_wait3A_729 : memref<1x256xi32, #tpu.memory_space<vmem>> -> memref<256xi32, #tpu.memory_space<vmem>>
      %dma_wait3A_731 = tpu.memref_slice %arg4[%add3A_248] : memref<106496xi32, #tpu.memory_space<hbm>> -> memref<256xi32, #tpu.memory_space<hbm>>
      tpu.wait_dma2 semaphore(%run_scoped3A_715 : memref<!tpu.dma_semaphore, #tpu.memory_space<semaphore_mem>>) src(%dma_wait3A_731 : memref<256xi32, #tpu.memory_space<hbm>>) dst(%dma_wait3A_730 : memref<256xi32, #tpu.memory_space<vmem>>)
      tpu.yield
    }) : () -> ()
    %dma_start3A_250 = arith.constant 1 : i32
    %dma_start3A_251 = arith.constant 1 : i32
    %dma_start3A_252 = arith.constant 0 : i32
    %dma_start3A_253 = arith.constant 0 : i32
    %dma_start3A_254 = tpu.memref_slice %arg8[%dma_start3A_251, %dma_start3A_252, %dma_start3A_253] : memref<2x256x128xf32, #tpu.memory_space<vmem>> -> memref<1x256x128xf32, #tpu.memory_space<vmem>>
    %dma_start3A_255 = tpu.memref_squeeze %dma_start3A_254 : memref<1x256x128xf32, #tpu.memory_space<vmem>> -> memref<256x128xf32, #tpu.memory_space<vmem>>
    %dma_start3A_256 = arith.constant 0 : i32
    %dma_start3A_257 = tpu.memref_slice %arg7[%dma_start3A_250, %dma_start3A_256] : memref<2x256xi32, #tpu.memory_space<vmem>> -> memref<1x256xi32, #tpu.memory_space<vmem>>
    %dma_start3A_258 = tpu.memref_squeeze %dma_start3A_257 : memref<1x256xi32, #tpu.memory_space<vmem>> -> memref<256xi32, #tpu.memory_space<vmem>>
    %dma_start3A_259 = arith.constant 0 : i32
    %dma_start3A_260 = arith.constant 0 : i32
    %dma_start3A_261 = tpu.memref_slice %arg2[%dma_start3A_259, %dma_start3A_260] : memref<100000x128xf32, #tpu.memory_space<hbm>> -> memref<100000x128xf32, #tpu.memory_space<hbm>>
    tpu.enqueue_indirect_dma source(%dma_start3A_261 : memref<100000x128xf32, #tpu.memory_space<hbm>>) target(%dma_start3A_255 : memref<256x128xf32, #tpu.memory_space<vmem>>) offsets(%dma_start3A_258 : memref<256xi32, #tpu.memory_space<vmem>>) semaphore(%arg10 : memref<!tpu.dma_semaphore, #tpu.memory_space<semaphore_mem>>)
    %dma_start3A_262 = arith.constant 1 : i32
    %dma_start3A_263 = arith.constant 1 : i32
    %dma_start3A_264 = arith.constant 0 : i32
    %dma_start3A_265 = arith.constant 0 : i32
    %dma_start3A_266 = tpu.memref_slice %arg9[%dma_start3A_263, %dma_start3A_264, %dma_start3A_265] : memref<2x256x1xf32, #tpu.memory_space<vmem>> -> memref<1x256x1xf32, #tpu.memory_space<vmem>>
    %dma_start3A_267 = tpu.memref_squeeze %dma_start3A_266 : memref<1x256x1xf32, #tpu.memory_space<vmem>> -> memref<256x1xf32, #tpu.memory_space<vmem>>
    %dma_start3A_268 = arith.constant 0 : i32
    %dma_start3A_269 = tpu.memref_slice %arg7[%dma_start3A_262, %dma_start3A_268] : memref<2x256xi32, #tpu.memory_space<vmem>> -> memref<1x256xi32, #tpu.memory_space<vmem>>
    %dma_start3A_270 = tpu.memref_squeeze %dma_start3A_269 : memref<1x256xi32, #tpu.memory_space<vmem>> -> memref<256xi32, #tpu.memory_space<vmem>>
    %dma_start3A_271 = arith.constant 0 : i32
    %dma_start3A_272 = arith.constant 0 : i32
    %dma_start3A_273 = tpu.memref_slice %arg3[%dma_start3A_271, %dma_start3A_272] : memref<100000x1xf32, #tpu.memory_space<hbm>> -> memref<100000x1xf32, #tpu.memory_space<hbm>>
    tpu.enqueue_indirect_dma source(%dma_start3A_273 : memref<100000x1xf32, #tpu.memory_space<hbm>>) target(%dma_start3A_267 : memref<256x1xf32, #tpu.memory_space<vmem>>) offsets(%dma_start3A_270 : memref<256xi32, #tpu.memory_space<vmem>>) semaphore(%arg11 : memref<!tpu.dma_semaphore, #tpu.memory_space<semaphore_mem>>)
    %add3A_274 = arith.constant 1024 : i32
    %add3A_275 = arith.addi %mul3A_2, %add3A_274 : i32
    %dma_wait3A_276 = arith.constant 0 : i32
    %dma_wait3A_277 = arith.constant 0 : i32
    %dma_wait3A_278 = arith.constant 0 : i32
    %dma_wait3A_279 = arith.constant 0 : i32
    %dma_wait3A_280 = tpu.memref_slice %arg8[%dma_wait3A_277, %dma_wait3A_278, %dma_wait3A_279] : memref<2x256x128xf32, #tpu.memory_space<vmem>> -> memref<1x256x128xf32, #tpu.memory_space<vmem>>
    %dma_wait3A_281 = tpu.memref_squeeze %dma_wait3A_280 : memref<1x256x128xf32, #tpu.memory_space<vmem>> -> memref<256x128xf32, #tpu.memory_space<vmem>>
    %dma_wait3A_282 = arith.constant 0 : i32
    %dma_wait3A_283 = tpu.memref_slice %arg7[%dma_wait3A_276, %dma_wait3A_282] : memref<2x256xi32, #tpu.memory_space<vmem>> -> memref<1x256xi32, #tpu.memory_space<vmem>>
    %dma_wait3A_284 = tpu.memref_squeeze %dma_wait3A_283 : memref<1x256xi32, #tpu.memory_space<vmem>> -> memref<256xi32, #tpu.memory_space<vmem>>
    %dma_wait3A_285 = arith.constant 0 : i32
    %dma_wait3A_286 = arith.constant 0 : i32
    %dma_wait3A_287 = tpu.memref_slice %arg2[%dma_wait3A_285, %dma_wait3A_286] : memref<100000x128xf32, #tpu.memory_space<hbm>> -> memref<100000x128xf32, #tpu.memory_space<hbm>>
    tpu.wait_indirect_dma semaphore(%arg10 : memref<!tpu.dma_semaphore, #tpu.memory_space<semaphore_mem>>) src(%dma_wait3A_287 : memref<100000x128xf32, #tpu.memory_space<hbm>>) dst(%dma_wait3A_281 : memref<256x128xf32, #tpu.memory_space<vmem>>)
    %dma_wait3A_288 = arith.constant 0 : i32
    %dma_wait3A_289 = arith.constant 0 : i32
    %dma_wait3A_290 = arith.constant 0 : i32
    %dma_wait3A_291 = arith.constant 0 : i32
    %dma_wait3A_292 = tpu.memref_slice %arg9[%dma_wait3A_289, %dma_wait3A_290, %dma_wait3A_291] : memref<2x256x1xf32, #tpu.memory_space<vmem>> -> memref<1x256x1xf32, #tpu.memory_space<vmem>>
    %dma_wait3A_293 = tpu.memref_squeeze %dma_wait3A_292 : memref<1x256x1xf32, #tpu.memory_space<vmem>> -> memref<256x1xf32, #tpu.memory_space<vmem>>
    %dma_wait3A_294 = arith.constant 0 : i32
    %dma_wait3A_295 = tpu.memref_slice %arg7[%dma_wait3A_288, %dma_wait3A_294] : memref<2x256xi32, #tpu.memory_space<vmem>> -> memref<1x256xi32, #tpu.memory_space<vmem>>
    %dma_wait3A_296 = tpu.memref_squeeze %dma_wait3A_295 : memref<1x256xi32, #tpu.memory_space<vmem>> -> memref<256xi32, #tpu.memory_space<vmem>>
    %dma_wait3A_297 = arith.constant 0 : i32
    %dma_wait3A_298 = arith.constant 0 : i32
    %dma_wait3A_299 = tpu.memref_slice %arg3[%dma_wait3A_297, %dma_wait3A_298] : memref<100000x1xf32, #tpu.memory_space<hbm>> -> memref<100000x1xf32, #tpu.memory_space<hbm>>
    tpu.wait_indirect_dma semaphore(%arg11 : memref<!tpu.dma_semaphore, #tpu.memory_space<semaphore_mem>>) src(%dma_wait3A_299 : memref<100000x1xf32, #tpu.memory_space<hbm>>) dst(%dma_wait3A_293 : memref<256x1xf32, #tpu.memory_space<vmem>>)
    %run_scoped3A_300 = arith.constant 0 : i32
    "tpu.region"() ({
      %run_scoped3A_715 = tpu.sem_alloc : memref<!tpu.dma_semaphore, #tpu.memory_space<semaphore_mem>>
      %dma_start3A_716 = arith.constant 0 : i32
      %dma_start3A_717 = arith.constant 0 : i32
      %dma_start3A_718 = tpu.memref_slice %arg8[%run_scoped3A_300, %dma_start3A_716, %dma_start3A_717] : memref<2x256x128xf32, #tpu.memory_space<vmem>> -> memref<1x256x128xf32, #tpu.memory_space<vmem>>
      %dma_start3A_719 = tpu.memref_squeeze %dma_start3A_718 : memref<1x256x128xf32, #tpu.memory_space<vmem>> -> memref<256x128xf32, #tpu.memory_space<vmem>>
      %dma_start3A_720 = arith.constant 0 : i32
      %dma_start3A_721 = tpu.memref_slice %arg5[%add3A_275, %dma_start3A_720] : memref<106496x128xf32, #tpu.memory_space<hbm>> -> memref<256x128xf32, #tpu.memory_space<hbm>>
      %dma_start3A_722 = arith.constant 0 : i32
      %dma_start3A_723 = tpu.memref_slice %arg5[%add3A_275, %dma_start3A_722] : memref<106496x128xf32, #tpu.memory_space<hbm>> -> memref<256x128xf32, #tpu.memory_space<hbm>>
      %dma_start3A_724 = arith.constant 0 : i32
      %dma_start3A_725 = arith.constant 0 : i32
      %dma_start3A_726 = tpu.memref_slice %arg8[%run_scoped3A_300, %dma_start3A_724, %dma_start3A_725] : memref<2x256x128xf32, #tpu.memory_space<vmem>> -> memref<1x256x128xf32, #tpu.memory_space<vmem>>
      %dma_start3A_727 = tpu.memref_squeeze %dma_start3A_726 : memref<1x256x128xf32, #tpu.memory_space<vmem>> -> memref<256x128xf32, #tpu.memory_space<vmem>>
      tpu.enqueue_dma source(%dma_start3A_727 : memref<256x128xf32, #tpu.memory_space<vmem>>) target(%dma_start3A_723 : memref<256x128xf32, #tpu.memory_space<hbm>>) target_semaphore(%run_scoped3A_715 : memref<!tpu.dma_semaphore, #tpu.memory_space<semaphore_mem>>)
      %dma_wait3A_728 = arith.constant 0 : i32
      %dma_wait3A_729 = arith.constant 0 : i32
      %dma_wait3A_730 = tpu.memref_slice %arg8[%run_scoped3A_300, %dma_wait3A_728, %dma_wait3A_729] : memref<2x256x128xf32, #tpu.memory_space<vmem>> -> memref<1x256x128xf32, #tpu.memory_space<vmem>>
      %dma_wait3A_731 = tpu.memref_squeeze %dma_wait3A_730 : memref<1x256x128xf32, #tpu.memory_space<vmem>> -> memref<256x128xf32, #tpu.memory_space<vmem>>
      %dma_wait3A_732 = arith.constant 0 : i32
      %dma_wait3A_733 = tpu.memref_slice %arg5[%add3A_275, %dma_wait3A_732] : memref<106496x128xf32, #tpu.memory_space<hbm>> -> memref<256x128xf32, #tpu.memory_space<hbm>>
      %dma_wait3A_734 = arith.constant 0 : i32
      %dma_wait3A_735 = tpu.memref_slice %arg5[%add3A_275, %dma_wait3A_734] : memref<106496x128xf32, #tpu.memory_space<hbm>> -> memref<256x128xf32, #tpu.memory_space<hbm>>
      %dma_wait3A_736 = arith.constant 0 : i32
      %dma_wait3A_737 = arith.constant 0 : i32
      %dma_wait3A_738 = tpu.memref_slice %arg8[%run_scoped3A_300, %dma_wait3A_736, %dma_wait3A_737] : memref<2x256x128xf32, #tpu.memory_space<vmem>> -> memref<1x256x128xf32, #tpu.memory_space<vmem>>
      %dma_wait3A_739 = tpu.memref_squeeze %dma_wait3A_738 : memref<1x256x128xf32, #tpu.memory_space<vmem>> -> memref<256x128xf32, #tpu.memory_space<vmem>>
      tpu.wait_dma2 semaphore(%run_scoped3A_715 : memref<!tpu.dma_semaphore, #tpu.memory_space<semaphore_mem>>) src(%dma_wait3A_739 : memref<256x128xf32, #tpu.memory_space<vmem>>) dst(%dma_wait3A_735 : memref<256x128xf32, #tpu.memory_space<hbm>>)
      tpu.yield
    }) : () -> ()
    %run_scoped3A_301 = arith.constant 0 : i32
    "tpu.region"() ({
      %run_scoped3A_715 = tpu.sem_alloc : memref<!tpu.dma_semaphore, #tpu.memory_space<semaphore_mem>>
      %dma_start3A_716 = arith.constant 0 : i32
      %dma_start3A_717 = arith.constant 0 : i32
      %dma_start3A_718 = tpu.memref_slice %arg9[%run_scoped3A_301, %dma_start3A_716, %dma_start3A_717] : memref<2x256x1xf32, #tpu.memory_space<vmem>> -> memref<1x256x1xf32, #tpu.memory_space<vmem>>
      %dma_start3A_719 = tpu.memref_squeeze %dma_start3A_718 : memref<1x256x1xf32, #tpu.memory_space<vmem>> -> memref<256x1xf32, #tpu.memory_space<vmem>>
      %dma_start3A_720 = arith.constant 0 : i32
      %dma_start3A_721 = tpu.memref_slice %arg6[%add3A_275, %dma_start3A_720] : memref<106496x1xf32, #tpu.memory_space<hbm>> -> memref<256x1xf32, #tpu.memory_space<hbm>>
      %dma_start3A_722 = arith.constant 0 : i32
      %dma_start3A_723 = tpu.memref_slice %arg6[%add3A_275, %dma_start3A_722] : memref<106496x1xf32, #tpu.memory_space<hbm>> -> memref<256x1xf32, #tpu.memory_space<hbm>>
      %dma_start3A_724 = arith.constant 0 : i32
      %dma_start3A_725 = arith.constant 0 : i32
      %dma_start3A_726 = tpu.memref_slice %arg9[%run_scoped3A_301, %dma_start3A_724, %dma_start3A_725] : memref<2x256x1xf32, #tpu.memory_space<vmem>> -> memref<1x256x1xf32, #tpu.memory_space<vmem>>
      %dma_start3A_727 = tpu.memref_squeeze %dma_start3A_726 : memref<1x256x1xf32, #tpu.memory_space<vmem>> -> memref<256x1xf32, #tpu.memory_space<vmem>>
      tpu.enqueue_dma source(%dma_start3A_727 : memref<256x1xf32, #tpu.memory_space<vmem>>) target(%dma_start3A_723 : memref<256x1xf32, #tpu.memory_space<hbm>>) target_semaphore(%run_scoped3A_715 : memref<!tpu.dma_semaphore, #tpu.memory_space<semaphore_mem>>)
      %dma_wait3A_728 = arith.constant 0 : i32
      %dma_wait3A_729 = arith.constant 0 : i32
      %dma_wait3A_730 = tpu.memref_slice %arg9[%run_scoped3A_301, %dma_wait3A_728, %dma_wait3A_729] : memref<2x256x1xf32, #tpu.memory_space<vmem>> -> memref<1x256x1xf32, #tpu.memory_space<vmem>>
      %dma_wait3A_731 = tpu.memref_squeeze %dma_wait3A_730 : memref<1x256x1xf32, #tpu.memory_space<vmem>> -> memref<256x1xf32, #tpu.memory_space<vmem>>
      %dma_wait3A_732 = arith.constant 0 : i32
      %dma_wait3A_733 = tpu.memref_slice %arg6[%add3A_275, %dma_wait3A_732] : memref<106496x1xf32, #tpu.memory_space<hbm>> -> memref<256x1xf32, #tpu.memory_space<hbm>>
      %dma_wait3A_734 = arith.constant 0 : i32
      %dma_wait3A_735 = tpu.memref_slice %arg6[%add3A_275, %dma_wait3A_734] : memref<106496x1xf32, #tpu.memory_space<hbm>> -> memref<256x1xf32, #tpu.memory_space<hbm>>
      %dma_wait3A_736 = arith.constant 0 : i32
      %dma_wait3A_737 = arith.constant 0 : i32
      %dma_wait3A_738 = tpu.memref_slice %arg9[%run_scoped3A_301, %dma_wait3A_736, %dma_wait3A_737] : memref<2x256x1xf32, #tpu.memory_space<vmem>> -> memref<1x256x1xf32, #tpu.memory_space<vmem>>
      %dma_wait3A_739 = tpu.memref_squeeze %dma_wait3A_738 : memref<1x256x1xf32, #tpu.memory_space<vmem>> -> memref<256x1xf32, #tpu.memory_space<vmem>>
      tpu.wait_dma2 semaphore(%run_scoped3A_715 : memref<!tpu.dma_semaphore, #tpu.memory_space<semaphore_mem>>) src(%dma_wait3A_739 : memref<256x1xf32, #tpu.memory_space<vmem>>) dst(%dma_wait3A_735 : memref<256x1xf32, #tpu.memory_space<hbm>>)
      tpu.yield
    }) : () -> ()
    %add3A_302 = arith.constant 1536 : i32
    %add3A_303 = arith.addi %mul3A_2, %add3A_302 : i32
    %run_scoped3A_304 = arith.constant 0 : i32
    "tpu.region"() ({
      %run_scoped3A_715 = tpu.sem_alloc : memref<!tpu.dma_semaphore, #tpu.memory_space<semaphore_mem>>
      %dma_start3A_716 = arith.constant 0 : i32
      %dma_start3A_717 = tpu.memref_slice %arg7[%run_scoped3A_304, %dma_start3A_716] : memref<2x256xi32, #tpu.memory_space<vmem>> -> memref<1x256xi32, #tpu.memory_space<vmem>>
      %dma_start3A_718 = tpu.memref_squeeze %dma_start3A_717 : memref<1x256xi32, #tpu.memory_space<vmem>> -> memref<256xi32, #tpu.memory_space<vmem>>
      %dma_start3A_719 = tpu.memref_slice %arg4[%add3A_303] : memref<106496xi32, #tpu.memory_space<hbm>> -> memref<256xi32, #tpu.memory_space<hbm>>
      %dma_start3A_720 = arith.constant 0 : i32
      %dma_start3A_721 = tpu.memref_slice %arg7[%run_scoped3A_304, %dma_start3A_720] : memref<2x256xi32, #tpu.memory_space<vmem>> -> memref<1x256xi32, #tpu.memory_space<vmem>>
      %dma_start3A_722 = tpu.memref_squeeze %dma_start3A_721 : memref<1x256xi32, #tpu.memory_space<vmem>> -> memref<256xi32, #tpu.memory_space<vmem>>
      %dma_start3A_723 = tpu.memref_slice %arg4[%add3A_303] : memref<106496xi32, #tpu.memory_space<hbm>> -> memref<256xi32, #tpu.memory_space<hbm>>
      tpu.enqueue_dma source(%dma_start3A_723 : memref<256xi32, #tpu.memory_space<hbm>>) target(%dma_start3A_722 : memref<256xi32, #tpu.memory_space<vmem>>) target_semaphore(%run_scoped3A_715 : memref<!tpu.dma_semaphore, #tpu.memory_space<semaphore_mem>>)
      %dma_wait3A_724 = arith.constant 0 : i32
      %dma_wait3A_725 = tpu.memref_slice %arg7[%run_scoped3A_304, %dma_wait3A_724] : memref<2x256xi32, #tpu.memory_space<vmem>> -> memref<1x256xi32, #tpu.memory_space<vmem>>
      %dma_wait3A_726 = tpu.memref_squeeze %dma_wait3A_725 : memref<1x256xi32, #tpu.memory_space<vmem>> -> memref<256xi32, #tpu.memory_space<vmem>>
      %dma_wait3A_727 = tpu.memref_slice %arg4[%add3A_303] : memref<106496xi32, #tpu.memory_space<hbm>> -> memref<256xi32, #tpu.memory_space<hbm>>
      %dma_wait3A_728 = arith.constant 0 : i32
      %dma_wait3A_729 = tpu.memref_slice %arg7[%run_scoped3A_304, %dma_wait3A_728] : memref<2x256xi32, #tpu.memory_space<vmem>> -> memref<1x256xi32, #tpu.memory_space<vmem>>
      %dma_wait3A_730 = tpu.memref_squeeze %dma_wait3A_729 : memref<1x256xi32, #tpu.memory_space<vmem>> -> memref<256xi32, #tpu.memory_space<vmem>>
      %dma_wait3A_731 = tpu.memref_slice %arg4[%add3A_303] : memref<106496xi32, #tpu.memory_space<hbm>> -> memref<256xi32, #tpu.memory_space<hbm>>
      tpu.wait_dma2 semaphore(%run_scoped3A_715 : memref<!tpu.dma_semaphore, #tpu.memory_space<semaphore_mem>>) src(%dma_wait3A_731 : memref<256xi32, #tpu.memory_space<hbm>>) dst(%dma_wait3A_730 : memref<256xi32, #tpu.memory_space<vmem>>)
      tpu.yield
    }) : () -> ()
    %dma_start3A_305 = arith.constant 0 : i32
    %dma_start3A_306 = arith.constant 0 : i32
    %dma_start3A_307 = arith.constant 0 : i32
    %dma_start3A_308 = arith.constant 0 : i32
    %dma_start3A_309 = tpu.memref_slice %arg8[%dma_start3A_306, %dma_start3A_307, %dma_start3A_308] : memref<2x256x128xf32, #tpu.memory_space<vmem>> -> memref<1x256x128xf32, #tpu.memory_space<vmem>>
    %dma_start3A_310 = tpu.memref_squeeze %dma_start3A_309 : memref<1x256x128xf32, #tpu.memory_space<vmem>> -> memref<256x128xf32, #tpu.memory_space<vmem>>
    %dma_start3A_311 = arith.constant 0 : i32
    %dma_start3A_312 = tpu.memref_slice %arg7[%dma_start3A_305, %dma_start3A_311] : memref<2x256xi32, #tpu.memory_space<vmem>> -> memref<1x256xi32, #tpu.memory_space<vmem>>
    %dma_start3A_313 = tpu.memref_squeeze %dma_start3A_312 : memref<1x256xi32, #tpu.memory_space<vmem>> -> memref<256xi32, #tpu.memory_space<vmem>>
    %dma_start3A_314 = arith.constant 0 : i32
    %dma_start3A_315 = arith.constant 0 : i32
    %dma_start3A_316 = tpu.memref_slice %arg2[%dma_start3A_314, %dma_start3A_315] : memref<100000x128xf32, #tpu.memory_space<hbm>> -> memref<100000x128xf32, #tpu.memory_space<hbm>>
    tpu.enqueue_indirect_dma source(%dma_start3A_316 : memref<100000x128xf32, #tpu.memory_space<hbm>>) target(%dma_start3A_310 : memref<256x128xf32, #tpu.memory_space<vmem>>) offsets(%dma_start3A_313 : memref<256xi32, #tpu.memory_space<vmem>>) semaphore(%arg10 : memref<!tpu.dma_semaphore, #tpu.memory_space<semaphore_mem>>)
    %dma_start3A_317 = arith.constant 0 : i32
    %dma_start3A_318 = arith.constant 0 : i32
    %dma_start3A_319 = arith.constant 0 : i32
    %dma_start3A_320 = arith.constant 0 : i32
    %dma_start3A_321 = tpu.memref_slice %arg9[%dma_start3A_318, %dma_start3A_319, %dma_start3A_320] : memref<2x256x1xf32, #tpu.memory_space<vmem>> -> memref<1x256x1xf32, #tpu.memory_space<vmem>>
    %dma_start3A_322 = tpu.memref_squeeze %dma_start3A_321 : memref<1x256x1xf32, #tpu.memory_space<vmem>> -> memref<256x1xf32, #tpu.memory_space<vmem>>
    %dma_start3A_323 = arith.constant 0 : i32
    %dma_start3A_324 = tpu.memref_slice %arg7[%dma_start3A_317, %dma_start3A_323] : memref<2x256xi32, #tpu.memory_space<vmem>> -> memref<1x256xi32, #tpu.memory_space<vmem>>
    %dma_start3A_325 = tpu.memref_squeeze %dma_start3A_324 : memref<1x256xi32, #tpu.memory_space<vmem>> -> memref<256xi32, #tpu.memory_space<vmem>>
    %dma_start3A_326 = arith.constant 0 : i32
    %dma_start3A_327 = arith.constant 0 : i32
    %dma_start3A_328 = tpu.memref_slice %arg3[%dma_start3A_326, %dma_start3A_327] : memref<100000x1xf32, #tpu.memory_space<hbm>> -> memref<100000x1xf32, #tpu.memory_space<hbm>>
    tpu.enqueue_indirect_dma source(%dma_start3A_328 : memref<100000x1xf32, #tpu.memory_space<hbm>>) target(%dma_start3A_322 : memref<256x1xf32, #tpu.memory_space<vmem>>) offsets(%dma_start3A_325 : memref<256xi32, #tpu.memory_space<vmem>>) semaphore(%arg11 : memref<!tpu.dma_semaphore, #tpu.memory_space<semaphore_mem>>)
    %add3A_329 = arith.constant 1280 : i32
    %add3A_330 = arith.addi %mul3A_2, %add3A_329 : i32
    %dma_wait3A_331 = arith.constant 1 : i32
    %dma_wait3A_332 = arith.constant 1 : i32
    %dma_wait3A_333 = arith.constant 0 : i32
    %dma_wait3A_334 = arith.constant 0 : i32
    %dma_wait3A_335 = tpu.memref_slice %arg8[%dma_wait3A_332, %dma_wait3A_333, %dma_wait3A_334] : memref<2x256x128xf32, #tpu.memory_space<vmem>> -> memref<1x256x128xf32, #tpu.memory_space<vmem>>
    %dma_wait3A_336 = tpu.memref_squeeze %dma_wait3A_335 : memref<1x256x128xf32, #tpu.memory_space<vmem>> -> memref<256x128xf32, #tpu.memory_space<vmem>>
    %dma_wait3A_337 = arith.constant 0 : i32
    %dma_wait3A_338 = tpu.memref_slice %arg7[%dma_wait3A_331, %dma_wait3A_337] : memref<2x256xi32, #tpu.memory_space<vmem>> -> memref<1x256xi32, #tpu.memory_space<vmem>>
    %dma_wait3A_339 = tpu.memref_squeeze %dma_wait3A_338 : memref<1x256xi32, #tpu.memory_space<vmem>> -> memref<256xi32, #tpu.memory_space<vmem>>
    %dma_wait3A_340 = arith.constant 0 : i32
    %dma_wait3A_341 = arith.constant 0 : i32
    %dma_wait3A_342 = tpu.memref_slice %arg2[%dma_wait3A_340, %dma_wait3A_341] : memref<100000x128xf32, #tpu.memory_space<hbm>> -> memref<100000x128xf32, #tpu.memory_space<hbm>>
    tpu.wait_indirect_dma semaphore(%arg10 : memref<!tpu.dma_semaphore, #tpu.memory_space<semaphore_mem>>) src(%dma_wait3A_342 : memref<100000x128xf32, #tpu.memory_space<hbm>>) dst(%dma_wait3A_336 : memref<256x128xf32, #tpu.memory_space<vmem>>)
    %dma_wait3A_343 = arith.constant 1 : i32
    %dma_wait3A_344 = arith.constant 1 : i32
    %dma_wait3A_345 = arith.constant 0 : i32
    %dma_wait3A_346 = arith.constant 0 : i32
    %dma_wait3A_347 = tpu.memref_slice %arg9[%dma_wait3A_344, %dma_wait3A_345, %dma_wait3A_346] : memref<2x256x1xf32, #tpu.memory_space<vmem>> -> memref<1x256x1xf32, #tpu.memory_space<vmem>>
    %dma_wait3A_348 = tpu.memref_squeeze %dma_wait3A_347 : memref<1x256x1xf32, #tpu.memory_space<vmem>> -> memref<256x1xf32, #tpu.memory_space<vmem>>
    %dma_wait3A_349 = arith.constant 0 : i32
    %dma_wait3A_350 = tpu.memref_slice %arg7[%dma_wait3A_343, %dma_wait3A_349] : memref<2x256xi32, #tpu.memory_space<vmem>> -> memref<1x256xi32, #tpu.memory_space<vmem>>
    %dma_wait3A_351 = tpu.memref_squeeze %dma_wait3A_350 : memref<1x256xi32, #tpu.memory_space<vmem>> -> memref<256xi32, #tpu.memory_space<vmem>>
    %dma_wait3A_352 = arith.constant 0 : i32
    %dma_wait3A_353 = arith.constant 0 : i32
    %dma_wait3A_354 = tpu.memref_slice %arg3[%dma_wait3A_352, %dma_wait3A_353] : memref<100000x1xf32, #tpu.memory_space<hbm>> -> memref<100000x1xf32, #tpu.memory_space<hbm>>
    tpu.wait_indirect_dma semaphore(%arg11 : memref<!tpu.dma_semaphore, #tpu.memory_space<semaphore_mem>>) src(%dma_wait3A_354 : memref<100000x1xf32, #tpu.memory_space<hbm>>) dst(%dma_wait3A_348 : memref<256x1xf32, #tpu.memory_space<vmem>>)
    %run_scoped3A_355 = arith.constant 1 : i32
    "tpu.region"() ({
      %run_scoped3A_715 = tpu.sem_alloc : memref<!tpu.dma_semaphore, #tpu.memory_space<semaphore_mem>>
      %dma_start3A_716 = arith.constant 0 : i32
      %dma_start3A_717 = arith.constant 0 : i32
      %dma_start3A_718 = tpu.memref_slice %arg8[%run_scoped3A_355, %dma_start3A_716, %dma_start3A_717] : memref<2x256x128xf32, #tpu.memory_space<vmem>> -> memref<1x256x128xf32, #tpu.memory_space<vmem>>
      %dma_start3A_719 = tpu.memref_squeeze %dma_start3A_718 : memref<1x256x128xf32, #tpu.memory_space<vmem>> -> memref<256x128xf32, #tpu.memory_space<vmem>>
      %dma_start3A_720 = arith.constant 0 : i32
      %dma_start3A_721 = tpu.memref_slice %arg5[%add3A_330, %dma_start3A_720] : memref<106496x128xf32, #tpu.memory_space<hbm>> -> memref<256x128xf32, #tpu.memory_space<hbm>>
      %dma_start3A_722 = arith.constant 0 : i32
      %dma_start3A_723 = tpu.memref_slice %arg5[%add3A_330, %dma_start3A_722] : memref<106496x128xf32, #tpu.memory_space<hbm>> -> memref<256x128xf32, #tpu.memory_space<hbm>>
      %dma_start3A_724 = arith.constant 0 : i32
      %dma_start3A_725 = arith.constant 0 : i32
      %dma_start3A_726 = tpu.memref_slice %arg8[%run_scoped3A_355, %dma_start3A_724, %dma_start3A_725] : memref<2x256x128xf32, #tpu.memory_space<vmem>> -> memref<1x256x128xf32, #tpu.memory_space<vmem>>
      %dma_start3A_727 = tpu.memref_squeeze %dma_start3A_726 : memref<1x256x128xf32, #tpu.memory_space<vmem>> -> memref<256x128xf32, #tpu.memory_space<vmem>>
      tpu.enqueue_dma source(%dma_start3A_727 : memref<256x128xf32, #tpu.memory_space<vmem>>) target(%dma_start3A_723 : memref<256x128xf32, #tpu.memory_space<hbm>>) target_semaphore(%run_scoped3A_715 : memref<!tpu.dma_semaphore, #tpu.memory_space<semaphore_mem>>)
      %dma_wait3A_728 = arith.constant 0 : i32
      %dma_wait3A_729 = arith.constant 0 : i32
      %dma_wait3A_730 = tpu.memref_slice %arg8[%run_scoped3A_355, %dma_wait3A_728, %dma_wait3A_729] : memref<2x256x128xf32, #tpu.memory_space<vmem>> -> memref<1x256x128xf32, #tpu.memory_space<vmem>>
      %dma_wait3A_731 = tpu.memref_squeeze %dma_wait3A_730 : memref<1x256x128xf32, #tpu.memory_space<vmem>> -> memref<256x128xf32, #tpu.memory_space<vmem>>
      %dma_wait3A_732 = arith.constant 0 : i32
      %dma_wait3A_733 = tpu.memref_slice %arg5[%add3A_330, %dma_wait3A_732] : memref<106496x128xf32, #tpu.memory_space<hbm>> -> memref<256x128xf32, #tpu.memory_space<hbm>>
      %dma_wait3A_734 = arith.constant 0 : i32
      %dma_wait3A_735 = tpu.memref_slice %arg5[%add3A_330, %dma_wait3A_734] : memref<106496x128xf32, #tpu.memory_space<hbm>> -> memref<256x128xf32, #tpu.memory_space<hbm>>
      %dma_wait3A_736 = arith.constant 0 : i32
      %dma_wait3A_737 = arith.constant 0 : i32
      %dma_wait3A_738 = tpu.memref_slice %arg8[%run_scoped3A_355, %dma_wait3A_736, %dma_wait3A_737] : memref<2x256x128xf32, #tpu.memory_space<vmem>> -> memref<1x256x128xf32, #tpu.memory_space<vmem>>
      %dma_wait3A_739 = tpu.memref_squeeze %dma_wait3A_738 : memref<1x256x128xf32, #tpu.memory_space<vmem>> -> memref<256x128xf32, #tpu.memory_space<vmem>>
      tpu.wait_dma2 semaphore(%run_scoped3A_715 : memref<!tpu.dma_semaphore, #tpu.memory_space<semaphore_mem>>) src(%dma_wait3A_739 : memref<256x128xf32, #tpu.memory_space<vmem>>) dst(%dma_wait3A_735 : memref<256x128xf32, #tpu.memory_space<hbm>>)
      tpu.yield
    }) : () -> ()
    %run_scoped3A_356 = arith.constant 1 : i32
    "tpu.region"() ({
      %run_scoped3A_715 = tpu.sem_alloc : memref<!tpu.dma_semaphore, #tpu.memory_space<semaphore_mem>>
      %dma_start3A_716 = arith.constant 0 : i32
      %dma_start3A_717 = arith.constant 0 : i32
      %dma_start3A_718 = tpu.memref_slice %arg9[%run_scoped3A_356, %dma_start3A_716, %dma_start3A_717] : memref<2x256x1xf32, #tpu.memory_space<vmem>> -> memref<1x256x1xf32, #tpu.memory_space<vmem>>
      %dma_start3A_719 = tpu.memref_squeeze %dma_start3A_718 : memref<1x256x1xf32, #tpu.memory_space<vmem>> -> memref<256x1xf32, #tpu.memory_space<vmem>>
      %dma_start3A_720 = arith.constant 0 : i32
      %dma_start3A_721 = tpu.memref_slice %arg6[%add3A_330, %dma_start3A_720] : memref<106496x1xf32, #tpu.memory_space<hbm>> -> memref<256x1xf32, #tpu.memory_space<hbm>>
      %dma_start3A_722 = arith.constant 0 : i32
      %dma_start3A_723 = tpu.memref_slice %arg6[%add3A_330, %dma_start3A_722] : memref<106496x1xf32, #tpu.memory_space<hbm>> -> memref<256x1xf32, #tpu.memory_space<hbm>>
      %dma_start3A_724 = arith.constant 0 : i32
      %dma_start3A_725 = arith.constant 0 : i32
      %dma_start3A_726 = tpu.memref_slice %arg9[%run_scoped3A_356, %dma_start3A_724, %dma_start3A_725] : memref<2x256x1xf32, #tpu.memory_space<vmem>> -> memref<1x256x1xf32, #tpu.memory_space<vmem>>
      %dma_start3A_727 = tpu.memref_squeeze %dma_start3A_726 : memref<1x256x1xf32, #tpu.memory_space<vmem>> -> memref<256x1xf32, #tpu.memory_space<vmem>>
      tpu.enqueue_dma source(%dma_start3A_727 : memref<256x1xf32, #tpu.memory_space<vmem>>) target(%dma_start3A_723 : memref<256x1xf32, #tpu.memory_space<hbm>>) target_semaphore(%run_scoped3A_715 : memref<!tpu.dma_semaphore, #tpu.memory_space<semaphore_mem>>)
      %dma_wait3A_728 = arith.constant 0 : i32
      %dma_wait3A_729 = arith.constant 0 : i32
      %dma_wait3A_730 = tpu.memref_slice %arg9[%run_scoped3A_356, %dma_wait3A_728, %dma_wait3A_729] : memref<2x256x1xf32, #tpu.memory_space<vmem>> -> memref<1x256x1xf32, #tpu.memory_space<vmem>>
      %dma_wait3A_731 = tpu.memref_squeeze %dma_wait3A_730 : memref<1x256x1xf32, #tpu.memory_space<vmem>> -> memref<256x1xf32, #tpu.memory_space<vmem>>
      %dma_wait3A_732 = arith.constant 0 : i32
      %dma_wait3A_733 = tpu.memref_slice %arg6[%add3A_330, %dma_wait3A_732] : memref<106496x1xf32, #tpu.memory_space<hbm>> -> memref<256x1xf32, #tpu.memory_space<hbm>>
      %dma_wait3A_734 = arith.constant 0 : i32
      %dma_wait3A_735 = tpu.memref_slice %arg6[%add3A_330, %dma_wait3A_734] : memref<106496x1xf32, #tpu.memory_space<hbm>> -> memref<256x1xf32, #tpu.memory_space<hbm>>
      %dma_wait3A_736 = arith.constant 0 : i32
      %dma_wait3A_737 = arith.constant 0 : i32
      %dma_wait3A_738 = tpu.memref_slice %arg9[%run_scoped3A_356, %dma_wait3A_736, %dma_wait3A_737] : memref<2x256x1xf32, #tpu.memory_space<vmem>> -> memref<1x256x1xf32, #tpu.memory_space<vmem>>
      %dma_wait3A_739 = tpu.memref_squeeze %dma_wait3A_738 : memref<1x256x1xf32, #tpu.memory_space<vmem>> -> memref<256x1xf32, #tpu.memory_space<vmem>>
      tpu.wait_dma2 semaphore(%run_scoped3A_715 : memref<!tpu.dma_semaphore, #tpu.memory_space<semaphore_mem>>) src(%dma_wait3A_739 : memref<256x1xf32, #tpu.memory_space<vmem>>) dst(%dma_wait3A_735 : memref<256x1xf32, #tpu.memory_space<hbm>>)
      tpu.yield
    }) : () -> ()
    %add3A_357 = arith.constant 1792 : i32
    %add3A_358 = arith.addi %mul3A_2, %add3A_357 : i32
    %run_scoped3A_359 = arith.constant 1 : i32
    "tpu.region"() ({
      %run_scoped3A_715 = tpu.sem_alloc : memref<!tpu.dma_semaphore, #tpu.memory_space<semaphore_mem>>
      %dma_start3A_716 = arith.constant 0 : i32
      %dma_start3A_717 = tpu.memref_slice %arg7[%run_scoped3A_359, %dma_start3A_716] : memref<2x256xi32, #tpu.memory_space<vmem>> -> memref<1x256xi32, #tpu.memory_space<vmem>>
      %dma_start3A_718 = tpu.memref_squeeze %dma_start3A_717 : memref<1x256xi32, #tpu.memory_space<vmem>> -> memref<256xi32, #tpu.memory_space<vmem>>
      %dma_start3A_719 = tpu.memref_slice %arg4[%add3A_358] : memref<106496xi32, #tpu.memory_space<hbm>> -> memref<256xi32, #tpu.memory_space<hbm>>
      %dma_start3A_720 = arith.constant 0 : i32
      %dma_start3A_721 = tpu.memref_slice %arg7[%run_scoped3A_359, %dma_start3A_720] : memref<2x256xi32, #tpu.memory_space<vmem>> -> memref<1x256xi32, #tpu.memory_space<vmem>>
      %dma_start3A_722 = tpu.memref_squeeze %dma_start3A_721 : memref<1x256xi32, #tpu.memory_space<vmem>> -> memref<256xi32, #tpu.memory_space<vmem>>
      %dma_start3A_723 = tpu.memref_slice %arg4[%add3A_358] : memref<106496xi32, #tpu.memory_space<hbm>> -> memref<256xi32, #tpu.memory_space<hbm>>
      tpu.enqueue_dma source(%dma_start3A_723 : memref<256xi32, #tpu.memory_space<hbm>>) target(%dma_start3A_722 : memref<256xi32, #tpu.memory_space<vmem>>) target_semaphore(%run_scoped3A_715 : memref<!tpu.dma_semaphore, #tpu.memory_space<semaphore_mem>>)
      %dma_wait3A_724 = arith.constant 0 : i32
      %dma_wait3A_725 = tpu.memref_slice %arg7[%run_scoped3A_359, %dma_wait3A_724] : memref<2x256xi32, #tpu.memory_space<vmem>> -> memref<1x256xi32, #tpu.memory_space<vmem>>
      %dma_wait3A_726 = tpu.memref_squeeze %dma_wait3A_725 : memref<1x256xi32, #tpu.memory_space<vmem>> -> memref<256xi32, #tpu.memory_space<vmem>>
      %dma_wait3A_727 = tpu.memref_slice %arg4[%add3A_358] : memref<106496xi32, #tpu.memory_space<hbm>> -> memref<256xi32, #tpu.memory_space<hbm>>
      %dma_wait3A_728 = arith.constant 0 : i32
      %dma_wait3A_729 = tpu.memref_slice %arg7[%run_scoped3A_359, %dma_wait3A_728] : memref<2x256xi32, #tpu.memory_space<vmem>> -> memref<1x256xi32, #tpu.memory_space<vmem>>
      %dma_wait3A_730 = tpu.memref_squeeze %dma_wait3A_729 : memref<1x256xi32, #tpu.memory_space<vmem>> -> memref<256xi32, #tpu.memory_space<vmem>>
      %dma_wait3A_731 = tpu.memref_slice %arg4[%add3A_358] : memref<106496xi32, #tpu.memory_space<hbm>> -> memref<256xi32, #tpu.memory_space<hbm>>
      tpu.wait_dma2 semaphore(%run_scoped3A_715 : memref<!tpu.dma_semaphore, #tpu.memory_space<semaphore_mem>>) src(%dma_wait3A_731 : memref<256xi32, #tpu.memory_space<hbm>>) dst(%dma_wait3A_730 : memref<256xi32, #tpu.memory_space<vmem>>)
      tpu.yield
    }) : () -> ()
    %dma_start3A_360 = arith.constant 1 : i32
    %dma_start3A_361 = arith.constant 1 : i32
    %dma_start3A_362 = arith.constant 0 : i32
    %dma_start3A_363 = arith.constant 0 : i32
    %dma_start3A_364 = tpu.memref_slice %arg8[%dma_start3A_361, %dma_start3A_362, %dma_start3A_363] : memref<2x256x128xf32, #tpu.memory_space<vmem>> -> memref<1x256x128xf32, #tpu.memory_space<vmem>>
    %dma_start3A_365 = tpu.memref_squeeze %dma_start3A_364 : memref<1x256x128xf32, #tpu.memory_space<vmem>> -> memref<256x128xf32, #tpu.memory_space<vmem>>
    %dma_start3A_366 = arith.constant 0 : i32
    %dma_start3A_367 = tpu.memref_slice %arg7[%dma_start3A_360, %dma_start3A_366] : memref<2x256xi32, #tpu.memory_space<vmem>> -> memref<1x256xi32, #tpu.memory_space<vmem>>
    %dma_start3A_368 = tpu.memref_squeeze %dma_start3A_367 : memref<1x256xi32, #tpu.memory_space<vmem>> -> memref<256xi32, #tpu.memory_space<vmem>>
    %dma_start3A_369 = arith.constant 0 : i32
    %dma_start3A_370 = arith.constant 0 : i32
    %dma_start3A_371 = tpu.memref_slice %arg2[%dma_start3A_369, %dma_start3A_370] : memref<100000x128xf32, #tpu.memory_space<hbm>> -> memref<100000x128xf32, #tpu.memory_space<hbm>>
    tpu.enqueue_indirect_dma source(%dma_start3A_371 : memref<100000x128xf32, #tpu.memory_space<hbm>>) target(%dma_start3A_365 : memref<256x128xf32, #tpu.memory_space<vmem>>) offsets(%dma_start3A_368 : memref<256xi32, #tpu.memory_space<vmem>>) semaphore(%arg10 : memref<!tpu.dma_semaphore, #tpu.memory_space<semaphore_mem>>)
    %dma_start3A_372 = arith.constant 1 : i32
    %dma_start3A_373 = arith.constant 1 : i32
    %dma_start3A_374 = arith.constant 0 : i32
    %dma_start3A_375 = arith.constant 0 : i32
    %dma_start3A_376 = tpu.memref_slice %arg9[%dma_start3A_373, %dma_start3A_374, %dma_start3A_375] : memref<2x256x1xf32, #tpu.memory_space<vmem>> -> memref<1x256x1xf32, #tpu.memory_space<vmem>>
    %dma_start3A_377 = tpu.memref_squeeze %dma_start3A_376 : memref<1x256x1xf32, #tpu.memory_space<vmem>> -> memref<256x1xf32, #tpu.memory_space<vmem>>
    %dma_start3A_378 = arith.constant 0 : i32
    %dma_start3A_379 = tpu.memref_slice %arg7[%dma_start3A_372, %dma_start3A_378] : memref<2x256xi32, #tpu.memory_space<vmem>> -> memref<1x256xi32, #tpu.memory_space<vmem>>
    %dma_start3A_380 = tpu.memref_squeeze %dma_start3A_379 : memref<1x256xi32, #tpu.memory_space<vmem>> -> memref<256xi32, #tpu.memory_space<vmem>>
    %dma_start3A_381 = arith.constant 0 : i32
    %dma_start3A_382 = arith.constant 0 : i32
    %dma_start3A_383 = tpu.memref_slice %arg3[%dma_start3A_381, %dma_start3A_382] : memref<100000x1xf32, #tpu.memory_space<hbm>> -> memref<100000x1xf32, #tpu.memory_space<hbm>>
    tpu.enqueue_indirect_dma source(%dma_start3A_383 : memref<100000x1xf32, #tpu.memory_space<hbm>>) target(%dma_start3A_377 : memref<256x1xf32, #tpu.memory_space<vmem>>) offsets(%dma_start3A_380 : memref<256xi32, #tpu.memory_space<vmem>>) semaphore(%arg11 : memref<!tpu.dma_semaphore, #tpu.memory_space<semaphore_mem>>)
    %add3A_384 = arith.constant 1536 : i32
    %add3A_385 = arith.addi %mul3A_2, %add3A_384 : i32
    %dma_wait3A_386 = arith.constant 0 : i32
    %dma_wait3A_387 = arith.constant 0 : i32
    %dma_wait3A_388 = arith.constant 0 : i32
    %dma_wait3A_389 = arith.constant 0 : i32
    %dma_wait3A_390 = tpu.memref_slice %arg8[%dma_wait3A_387, %dma_wait3A_388, %dma_wait3A_389] : memref<2x256x128xf32, #tpu.memory_space<vmem>> -> memref<1x256x128xf32, #tpu.memory_space<vmem>>
    %dma_wait3A_391 = tpu.memref_squeeze %dma_wait3A_390 : memref<1x256x128xf32, #tpu.memory_space<vmem>> -> memref<256x128xf32, #tpu.memory_space<vmem>>
    %dma_wait3A_392 = arith.constant 0 : i32
    %dma_wait3A_393 = tpu.memref_slice %arg7[%dma_wait3A_386, %dma_wait3A_392] : memref<2x256xi32, #tpu.memory_space<vmem>> -> memref<1x256xi32, #tpu.memory_space<vmem>>
    %dma_wait3A_394 = tpu.memref_squeeze %dma_wait3A_393 : memref<1x256xi32, #tpu.memory_space<vmem>> -> memref<256xi32, #tpu.memory_space<vmem>>
    %dma_wait3A_395 = arith.constant 0 : i32
    %dma_wait3A_396 = arith.constant 0 : i32
    %dma_wait3A_397 = tpu.memref_slice %arg2[%dma_wait3A_395, %dma_wait3A_396] : memref<100000x128xf32, #tpu.memory_space<hbm>> -> memref<100000x128xf32, #tpu.memory_space<hbm>>
    tpu.wait_indirect_dma semaphore(%arg10 : memref<!tpu.dma_semaphore, #tpu.memory_space<semaphore_mem>>) src(%dma_wait3A_397 : memref<100000x128xf32, #tpu.memory_space<hbm>>) dst(%dma_wait3A_391 : memref<256x128xf32, #tpu.memory_space<vmem>>)
    %dma_wait3A_398 = arith.constant 0 : i32
    %dma_wait3A_399 = arith.constant 0 : i32
    %dma_wait3A_400 = arith.constant 0 : i32
    %dma_wait3A_401 = arith.constant 0 : i32
    %dma_wait3A_402 = tpu.memref_slice %arg9[%dma_wait3A_399, %dma_wait3A_400, %dma_wait3A_401] : memref<2x256x1xf32, #tpu.memory_space<vmem>> -> memref<1x256x1xf32, #tpu.memory_space<vmem>>
    %dma_wait3A_403 = tpu.memref_squeeze %dma_wait3A_402 : memref<1x256x1xf32, #tpu.memory_space<vmem>> -> memref<256x1xf32, #tpu.memory_space<vmem>>
    %dma_wait3A_404 = arith.constant 0 : i32
    %dma_wait3A_405 = tpu.memref_slice %arg7[%dma_wait3A_398, %dma_wait3A_404] : memref<2x256xi32, #tpu.memory_space<vmem>> -> memref<1x256xi32, #tpu.memory_space<vmem>>
    %dma_wait3A_406 = tpu.memref_squeeze %dma_wait3A_405 : memref<1x256xi32, #tpu.memory_space<vmem>> -> memref<256xi32, #tpu.memory_space<vmem>>
    %dma_wait3A_407 = arith.constant 0 : i32
    %dma_wait3A_408 = arith.constant 0 : i32
    %dma_wait3A_409 = tpu.memref_slice %arg3[%dma_wait3A_407, %dma_wait3A_408] : memref<100000x1xf32, #tpu.memory_space<hbm>> -> memref<100000x1xf32, #tpu.memory_space<hbm>>
    tpu.wait_indirect_dma semaphore(%arg11 : memref<!tpu.dma_semaphore, #tpu.memory_space<semaphore_mem>>) src(%dma_wait3A_409 : memref<100000x1xf32, #tpu.memory_space<hbm>>) dst(%dma_wait3A_403 : memref<256x1xf32, #tpu.memory_space<vmem>>)
    %run_scoped3A_410 = arith.constant 0 : i32
    "tpu.region"() ({
      %run_scoped3A_715 = tpu.sem_alloc : memref<!tpu.dma_semaphore, #tpu.memory_space<semaphore_mem>>
      %dma_start3A_716 = arith.constant 0 : i32
      %dma_start3A_717 = arith.constant 0 : i32
      %dma_start3A_718 = tpu.memref_slice %arg8[%run_scoped3A_410, %dma_start3A_716, %dma_start3A_717] : memref<2x256x128xf32, #tpu.memory_space<vmem>> -> memref<1x256x128xf32, #tpu.memory_space<vmem>>
      %dma_start3A_719 = tpu.memref_squeeze %dma_start3A_718 : memref<1x256x128xf32, #tpu.memory_space<vmem>> -> memref<256x128xf32, #tpu.memory_space<vmem>>
      %dma_start3A_720 = arith.constant 0 : i32
      %dma_start3A_721 = tpu.memref_slice %arg5[%add3A_385, %dma_start3A_720] : memref<106496x128xf32, #tpu.memory_space<hbm>> -> memref<256x128xf32, #tpu.memory_space<hbm>>
      %dma_start3A_722 = arith.constant 0 : i32
      %dma_start3A_723 = tpu.memref_slice %arg5[%add3A_385, %dma_start3A_722] : memref<106496x128xf32, #tpu.memory_space<hbm>> -> memref<256x128xf32, #tpu.memory_space<hbm>>
      %dma_start3A_724 = arith.constant 0 : i32
      %dma_start3A_725 = arith.constant 0 : i32
      %dma_start3A_726 = tpu.memref_slice %arg8[%run_scoped3A_410, %dma_start3A_724, %dma_start3A_725] : memref<2x256x128xf32, #tpu.memory_space<vmem>> -> memref<1x256x128xf32, #tpu.memory_space<vmem>>
      %dma_start3A_727 = tpu.memref_squeeze %dma_start3A_726 : memref<1x256x128xf32, #tpu.memory_space<vmem>> -> memref<256x128xf32, #tpu.memory_space<vmem>>
      tpu.enqueue_dma source(%dma_start3A_727 : memref<256x128xf32, #tpu.memory_space<vmem>>) target(%dma_start3A_723 : memref<256x128xf32, #tpu.memory_space<hbm>>) target_semaphore(%run_scoped3A_715 : memref<!tpu.dma_semaphore, #tpu.memory_space<semaphore_mem>>)
      %dma_wait3A_728 = arith.constant 0 : i32
      %dma_wait3A_729 = arith.constant 0 : i32
      %dma_wait3A_730 = tpu.memref_slice %arg8[%run_scoped3A_410, %dma_wait3A_728, %dma_wait3A_729] : memref<2x256x128xf32, #tpu.memory_space<vmem>> -> memref<1x256x128xf32, #tpu.memory_space<vmem>>
      %dma_wait3A_731 = tpu.memref_squeeze %dma_wait3A_730 : memref<1x256x128xf32, #tpu.memory_space<vmem>> -> memref<256x128xf32, #tpu.memory_space<vmem>>
      %dma_wait3A_732 = arith.constant 0 : i32
      %dma_wait3A_733 = tpu.memref_slice %arg5[%add3A_385, %dma_wait3A_732] : memref<106496x128xf32, #tpu.memory_space<hbm>> -> memref<256x128xf32, #tpu.memory_space<hbm>>
      %dma_wait3A_734 = arith.constant 0 : i32
      %dma_wait3A_735 = tpu.memref_slice %arg5[%add3A_385, %dma_wait3A_734] : memref<106496x128xf32, #tpu.memory_space<hbm>> -> memref<256x128xf32, #tpu.memory_space<hbm>>
      %dma_wait3A_736 = arith.constant 0 : i32
      %dma_wait3A_737 = arith.constant 0 : i32
      %dma_wait3A_738 = tpu.memref_slice %arg8[%run_scoped3A_410, %dma_wait3A_736, %dma_wait3A_737] : memref<2x256x128xf32, #tpu.memory_space<vmem>> -> memref<1x256x128xf32, #tpu.memory_space<vmem>>
      %dma_wait3A_739 = tpu.memref_squeeze %dma_wait3A_738 : memref<1x256x128xf32, #tpu.memory_space<vmem>> -> memref<256x128xf32, #tpu.memory_space<vmem>>
      tpu.wait_dma2 semaphore(%run_scoped3A_715 : memref<!tpu.dma_semaphore, #tpu.memory_space<semaphore_mem>>) src(%dma_wait3A_739 : memref<256x128xf32, #tpu.memory_space<vmem>>) dst(%dma_wait3A_735 : memref<256x128xf32, #tpu.memory_space<hbm>>)
      tpu.yield
    }) : () -> ()
    %run_scoped3A_411 = arith.constant 0 : i32
    "tpu.region"() ({
      %run_scoped3A_715 = tpu.sem_alloc : memref<!tpu.dma_semaphore, #tpu.memory_space<semaphore_mem>>
      %dma_start3A_716 = arith.constant 0 : i32
      %dma_start3A_717 = arith.constant 0 : i32
      %dma_start3A_718 = tpu.memref_slice %arg9[%run_scoped3A_411, %dma_start3A_716, %dma_start3A_717] : memref<2x256x1xf32, #tpu.memory_space<vmem>> -> memref<1x256x1xf32, #tpu.memory_space<vmem>>
      %dma_start3A_719 = tpu.memref_squeeze %dma_start3A_718 : memref<1x256x1xf32, #tpu.memory_space<vmem>> -> memref<256x1xf32, #tpu.memory_space<vmem>>
      %dma_start3A_720 = arith.constant 0 : i32
      %dma_start3A_721 = tpu.memref_slice %arg6[%add3A_385, %dma_start3A_720] : memref<106496x1xf32, #tpu.memory_space<hbm>> -> memref<256x1xf32, #tpu.memory_space<hbm>>
      %dma_start3A_722 = arith.constant 0 : i32
      %dma_start3A_723 = tpu.memref_slice %arg6[%add3A_385, %dma_start3A_722] : memref<106496x1xf32, #tpu.memory_space<hbm>> -> memref<256x1xf32, #tpu.memory_space<hbm>>
      %dma_start3A_724 = arith.constant 0 : i32
      %dma_start3A_725 = arith.constant 0 : i32
      %dma_start3A_726 = tpu.memref_slice %arg9[%run_scoped3A_411, %dma_start3A_724, %dma_start3A_725] : memref<2x256x1xf32, #tpu.memory_space<vmem>> -> memref<1x256x1xf32, #tpu.memory_space<vmem>>
      %dma_start3A_727 = tpu.memref_squeeze %dma_start3A_726 : memref<1x256x1xf32, #tpu.memory_space<vmem>> -> memref<256x1xf32, #tpu.memory_space<vmem>>
      tpu.enqueue_dma source(%dma_start3A_727 : memref<256x1xf32, #tpu.memory_space<vmem>>) target(%dma_start3A_723 : memref<256x1xf32, #tpu.memory_space<hbm>>) target_semaphore(%run_scoped3A_715 : memref<!tpu.dma_semaphore, #tpu.memory_space<semaphore_mem>>)
      %dma_wait3A_728 = arith.constant 0 : i32
      %dma_wait3A_729 = arith.constant 0 : i32
      %dma_wait3A_730 = tpu.memref_slice %arg9[%run_scoped3A_411, %dma_wait3A_728, %dma_wait3A_729] : memref<2x256x1xf32, #tpu.memory_space<vmem>> -> memref<1x256x1xf32, #tpu.memory_space<vmem>>
      %dma_wait3A_731 = tpu.memref_squeeze %dma_wait3A_730 : memref<1x256x1xf32, #tpu.memory_space<vmem>> -> memref<256x1xf32, #tpu.memory_space<vmem>>
      %dma_wait3A_732 = arith.constant 0 : i32
      %dma_wait3A_733 = tpu.memref_slice %arg6[%add3A_385, %dma_wait3A_732] : memref<106496x1xf32, #tpu.memory_space<hbm>> -> memref<256x1xf32, #tpu.memory_space<hbm>>
      %dma_wait3A_734 = arith.constant 0 : i32
      %dma_wait3A_735 = tpu.memref_slice %arg6[%add3A_385, %dma_wait3A_734] : memref<106496x1xf32, #tpu.memory_space<hbm>> -> memref<256x1xf32, #tpu.memory_space<hbm>>
      %dma_wait3A_736 = arith.constant 0 : i32
      %dma_wait3A_737 = arith.constant 0 : i32
      %dma_wait3A_738 = tpu.memref_slice %arg9[%run_scoped3A_411, %dma_wait3A_736, %dma_wait3A_737] : memref<2x256x1xf32, #tpu.memory_space<vmem>> -> memref<1x256x1xf32, #tpu.memory_space<vmem>>
      %dma_wait3A_739 = tpu.memref_squeeze %dma_wait3A_738 : memref<1x256x1xf32, #tpu.memory_space<vmem>> -> memref<256x1xf32, #tpu.memory_space<vmem>>
      tpu.wait_dma2 semaphore(%run_scoped3A_715 : memref<!tpu.dma_semaphore, #tpu.memory_space<semaphore_mem>>) src(%dma_wait3A_739 : memref<256x1xf32, #tpu.memory_space<vmem>>) dst(%dma_wait3A_735 : memref<256x1xf32, #tpu.memory_space<hbm>>)
      tpu.yield
    }) : () -> ()
    %add3A_412 = arith.constant 2048 : i32
    %add3A_413 = arith.addi %mul3A_2, %add3A_412 : i32
    %run_scoped3A_414 = arith.constant 0 : i32
    "tpu.region"() ({
      %run_scoped3A_715 = tpu.sem_alloc : memref<!tpu.dma_semaphore, #tpu.memory_space<semaphore_mem>>
      %dma_start3A_716 = arith.constant 0 : i32
      %dma_start3A_717 = tpu.memref_slice %arg7[%run_scoped3A_414, %dma_start3A_716] : memref<2x256xi32, #tpu.memory_space<vmem>> -> memref<1x256xi32, #tpu.memory_space<vmem>>
      %dma_start3A_718 = tpu.memref_squeeze %dma_start3A_717 : memref<1x256xi32, #tpu.memory_space<vmem>> -> memref<256xi32, #tpu.memory_space<vmem>>
      %dma_start3A_719 = tpu.memref_slice %arg4[%add3A_413] : memref<106496xi32, #tpu.memory_space<hbm>> -> memref<256xi32, #tpu.memory_space<hbm>>
      %dma_start3A_720 = arith.constant 0 : i32
      %dma_start3A_721 = tpu.memref_slice %arg7[%run_scoped3A_414, %dma_start3A_720] : memref<2x256xi32, #tpu.memory_space<vmem>> -> memref<1x256xi32, #tpu.memory_space<vmem>>
      %dma_start3A_722 = tpu.memref_squeeze %dma_start3A_721 : memref<1x256xi32, #tpu.memory_space<vmem>> -> memref<256xi32, #tpu.memory_space<vmem>>
      %dma_start3A_723 = tpu.memref_slice %arg4[%add3A_413] : memref<106496xi32, #tpu.memory_space<hbm>> -> memref<256xi32, #tpu.memory_space<hbm>>
      tpu.enqueue_dma source(%dma_start3A_723 : memref<256xi32, #tpu.memory_space<hbm>>) target(%dma_start3A_722 : memref<256xi32, #tpu.memory_space<vmem>>) target_semaphore(%run_scoped3A_715 : memref<!tpu.dma_semaphore, #tpu.memory_space<semaphore_mem>>)
      %dma_wait3A_724 = arith.constant 0 : i32
      %dma_wait3A_725 = tpu.memref_slice %arg7[%run_scoped3A_414, %dma_wait3A_724] : memref<2x256xi32, #tpu.memory_space<vmem>> -> memref<1x256xi32, #tpu.memory_space<vmem>>
      %dma_wait3A_726 = tpu.memref_squeeze %dma_wait3A_725 : memref<1x256xi32, #tpu.memory_space<vmem>> -> memref<256xi32, #tpu.memory_space<vmem>>
      %dma_wait3A_727 = tpu.memref_slice %arg4[%add3A_413] : memref<106496xi32, #tpu.memory_space<hbm>> -> memref<256xi32, #tpu.memory_space<hbm>>
      %dma_wait3A_728 = arith.constant 0 : i32
      %dma_wait3A_729 = tpu.memref_slice %arg7[%run_scoped3A_414, %dma_wait3A_728] : memref<2x256xi32, #tpu.memory_space<vmem>> -> memref<1x256xi32, #tpu.memory_space<vmem>>
      %dma_wait3A_730 = tpu.memref_squeeze %dma_wait3A_729 : memref<1x256xi32, #tpu.memory_space<vmem>> -> memref<256xi32, #tpu.memory_space<vmem>>
      %dma_wait3A_731 = tpu.memref_slice %arg4[%add3A_413] : memref<106496xi32, #tpu.memory_space<hbm>> -> memref<256xi32, #tpu.memory_space<hbm>>
      tpu.wait_dma2 semaphore(%run_scoped3A_715 : memref<!tpu.dma_semaphore, #tpu.memory_space<semaphore_mem>>) src(%dma_wait3A_731 : memref<256xi32, #tpu.memory_space<hbm>>) dst(%dma_wait3A_730 : memref<256xi32, #tpu.memory_space<vmem>>)
      tpu.yield
    }) : () -> ()
    %dma_start3A_415 = arith.constant 0 : i32
    %dma_start3A_416 = arith.constant 0 : i32
    %dma_start3A_417 = arith.constant 0 : i32
    %dma_start3A_418 = arith.constant 0 : i32
    %dma_start3A_419 = tpu.memref_slice %arg8[%dma_start3A_416, %dma_start3A_417, %dma_start3A_418] : memref<2x256x128xf32, #tpu.memory_space<vmem>> -> memref<1x256x128xf32, #tpu.memory_space<vmem>>
    %dma_start3A_420 = tpu.memref_squeeze %dma_start3A_419 : memref<1x256x128xf32, #tpu.memory_space<vmem>> -> memref<256x128xf32, #tpu.memory_space<vmem>>
    %dma_start3A_421 = arith.constant 0 : i32
    %dma_start3A_422 = tpu.memref_slice %arg7[%dma_start3A_415, %dma_start3A_421] : memref<2x256xi32, #tpu.memory_space<vmem>> -> memref<1x256xi32, #tpu.memory_space<vmem>>
    %dma_start3A_423 = tpu.memref_squeeze %dma_start3A_422 : memref<1x256xi32, #tpu.memory_space<vmem>> -> memref<256xi32, #tpu.memory_space<vmem>>
    %dma_start3A_424 = arith.constant 0 : i32
    %dma_start3A_425 = arith.constant 0 : i32
    %dma_start3A_426 = tpu.memref_slice %arg2[%dma_start3A_424, %dma_start3A_425] : memref<100000x128xf32, #tpu.memory_space<hbm>> -> memref<100000x128xf32, #tpu.memory_space<hbm>>
    tpu.enqueue_indirect_dma source(%dma_start3A_426 : memref<100000x128xf32, #tpu.memory_space<hbm>>) target(%dma_start3A_420 : memref<256x128xf32, #tpu.memory_space<vmem>>) offsets(%dma_start3A_423 : memref<256xi32, #tpu.memory_space<vmem>>) semaphore(%arg10 : memref<!tpu.dma_semaphore, #tpu.memory_space<semaphore_mem>>)
    %dma_start3A_427 = arith.constant 0 : i32
    %dma_start3A_428 = arith.constant 0 : i32
    %dma_start3A_429 = arith.constant 0 : i32
    %dma_start3A_430 = arith.constant 0 : i32
    %dma_start3A_431 = tpu.memref_slice %arg9[%dma_start3A_428, %dma_start3A_429, %dma_start3A_430] : memref<2x256x1xf32, #tpu.memory_space<vmem>> -> memref<1x256x1xf32, #tpu.memory_space<vmem>>
    %dma_start3A_432 = tpu.memref_squeeze %dma_start3A_431 : memref<1x256x1xf32, #tpu.memory_space<vmem>> -> memref<256x1xf32, #tpu.memory_space<vmem>>
    %dma_start3A_433 = arith.constant 0 : i32
    %dma_start3A_434 = tpu.memref_slice %arg7[%dma_start3A_427, %dma_start3A_433] : memref<2x256xi32, #tpu.memory_space<vmem>> -> memref<1x256xi32, #tpu.memory_space<vmem>>
    %dma_start3A_435 = tpu.memref_squeeze %dma_start3A_434 : memref<1x256xi32, #tpu.memory_space<vmem>> -> memref<256xi32, #tpu.memory_space<vmem>>
    %dma_start3A_436 = arith.constant 0 : i32
    %dma_start3A_437 = arith.constant 0 : i32
    %dma_start3A_438 = tpu.memref_slice %arg3[%dma_start3A_436, %dma_start3A_437] : memref<100000x1xf32, #tpu.memory_space<hbm>> -> memref<100000x1xf32, #tpu.memory_space<hbm>>
    tpu.enqueue_indirect_dma source(%dma_start3A_438 : memref<100000x1xf32, #tpu.memory_space<hbm>>) target(%dma_start3A_432 : memref<256x1xf32, #tpu.memory_space<vmem>>) offsets(%dma_start3A_435 : memref<256xi32, #tpu.memory_space<vmem>>) semaphore(%arg11 : memref<!tpu.dma_semaphore, #tpu.memory_space<semaphore_mem>>)
    %add3A_439 = arith.constant 1792 : i32
    %add3A_440 = arith.addi %mul3A_2, %add3A_439 : i32
    %dma_wait3A_441 = arith.constant 1 : i32
    %dma_wait3A_442 = arith.constant 1 : i32
    %dma_wait3A_443 = arith.constant 0 : i32
    %dma_wait3A_444 = arith.constant 0 : i32
    %dma_wait3A_445 = tpu.memref_slice %arg8[%dma_wait3A_442, %dma_wait3A_443, %dma_wait3A_444] : memref<2x256x128xf32, #tpu.memory_space<vmem>> -> memref<1x256x128xf32, #tpu.memory_space<vmem>>
    %dma_wait3A_446 = tpu.memref_squeeze %dma_wait3A_445 : memref<1x256x128xf32, #tpu.memory_space<vmem>> -> memref<256x128xf32, #tpu.memory_space<vmem>>
    %dma_wait3A_447 = arith.constant 0 : i32
    %dma_wait3A_448 = tpu.memref_slice %arg7[%dma_wait3A_441, %dma_wait3A_447] : memref<2x256xi32, #tpu.memory_space<vmem>> -> memref<1x256xi32, #tpu.memory_space<vmem>>
    %dma_wait3A_449 = tpu.memref_squeeze %dma_wait3A_448 : memref<1x256xi32, #tpu.memory_space<vmem>> -> memref<256xi32, #tpu.memory_space<vmem>>
    %dma_wait3A_450 = arith.constant 0 : i32
    %dma_wait3A_451 = arith.constant 0 : i32
    %dma_wait3A_452 = tpu.memref_slice %arg2[%dma_wait3A_450, %dma_wait3A_451] : memref<100000x128xf32, #tpu.memory_space<hbm>> -> memref<100000x128xf32, #tpu.memory_space<hbm>>
    tpu.wait_indirect_dma semaphore(%arg10 : memref<!tpu.dma_semaphore, #tpu.memory_space<semaphore_mem>>) src(%dma_wait3A_452 : memref<100000x128xf32, #tpu.memory_space<hbm>>) dst(%dma_wait3A_446 : memref<256x128xf32, #tpu.memory_space<vmem>>)
    %dma_wait3A_453 = arith.constant 1 : i32
    %dma_wait3A_454 = arith.constant 1 : i32
    %dma_wait3A_455 = arith.constant 0 : i32
    %dma_wait3A_456 = arith.constant 0 : i32
    %dma_wait3A_457 = tpu.memref_slice %arg9[%dma_wait3A_454, %dma_wait3A_455, %dma_wait3A_456] : memref<2x256x1xf32, #tpu.memory_space<vmem>> -> memref<1x256x1xf32, #tpu.memory_space<vmem>>
    %dma_wait3A_458 = tpu.memref_squeeze %dma_wait3A_457 : memref<1x256x1xf32, #tpu.memory_space<vmem>> -> memref<256x1xf32, #tpu.memory_space<vmem>>
    %dma_wait3A_459 = arith.constant 0 : i32
    %dma_wait3A_460 = tpu.memref_slice %arg7[%dma_wait3A_453, %dma_wait3A_459] : memref<2x256xi32, #tpu.memory_space<vmem>> -> memref<1x256xi32, #tpu.memory_space<vmem>>
    %dma_wait3A_461 = tpu.memref_squeeze %dma_wait3A_460 : memref<1x256xi32, #tpu.memory_space<vmem>> -> memref<256xi32, #tpu.memory_space<vmem>>
    %dma_wait3A_462 = arith.constant 0 : i32
    %dma_wait3A_463 = arith.constant 0 : i32
    %dma_wait3A_464 = tpu.memref_slice %arg3[%dma_wait3A_462, %dma_wait3A_463] : memref<100000x1xf32, #tpu.memory_space<hbm>> -> memref<100000x1xf32, #tpu.memory_space<hbm>>
    tpu.wait_indirect_dma semaphore(%arg11 : memref<!tpu.dma_semaphore, #tpu.memory_space<semaphore_mem>>) src(%dma_wait3A_464 : memref<100000x1xf32, #tpu.memory_space<hbm>>) dst(%dma_wait3A_458 : memref<256x1xf32, #tpu.memory_space<vmem>>)
    %run_scoped3A_465 = arith.constant 1 : i32
    "tpu.region"() ({
      %run_scoped3A_715 = tpu.sem_alloc : memref<!tpu.dma_semaphore, #tpu.memory_space<semaphore_mem>>
      %dma_start3A_716 = arith.constant 0 : i32
      %dma_start3A_717 = arith.constant 0 : i32
      %dma_start3A_718 = tpu.memref_slice %arg8[%run_scoped3A_465, %dma_start3A_716, %dma_start3A_717] : memref<2x256x128xf32, #tpu.memory_space<vmem>> -> memref<1x256x128xf32, #tpu.memory_space<vmem>>
      %dma_start3A_719 = tpu.memref_squeeze %dma_start3A_718 : memref<1x256x128xf32, #tpu.memory_space<vmem>> -> memref<256x128xf32, #tpu.memory_space<vmem>>
      %dma_start3A_720 = arith.constant 0 : i32
      %dma_start3A_721 = tpu.memref_slice %arg5[%add3A_440, %dma_start3A_720] : memref<106496x128xf32, #tpu.memory_space<hbm>> -> memref<256x128xf32, #tpu.memory_space<hbm>>
      %dma_start3A_722 = arith.constant 0 : i32
      %dma_start3A_723 = tpu.memref_slice %arg5[%add3A_440, %dma_start3A_722] : memref<106496x128xf32, #tpu.memory_space<hbm>> -> memref<256x128xf32, #tpu.memory_space<hbm>>
      %dma_start3A_724 = arith.constant 0 : i32
      %dma_start3A_725 = arith.constant 0 : i32
      %dma_start3A_726 = tpu.memref_slice %arg8[%run_scoped3A_465, %dma_start3A_724, %dma_start3A_725] : memref<2x256x128xf32, #tpu.memory_space<vmem>> -> memref<1x256x128xf32, #tpu.memory_space<vmem>>
      %dma_start3A_727 = tpu.memref_squeeze %dma_start3A_726 : memref<1x256x128xf32, #tpu.memory_space<vmem>> -> memref<256x128xf32, #tpu.memory_space<vmem>>
      tpu.enqueue_dma source(%dma_start3A_727 : memref<256x128xf32, #tpu.memory_space<vmem>>) target(%dma_start3A_723 : memref<256x128xf32, #tpu.memory_space<hbm>>) target_semaphore(%run_scoped3A_715 : memref<!tpu.dma_semaphore, #tpu.memory_space<semaphore_mem>>)
      %dma_wait3A_728 = arith.constant 0 : i32
      %dma_wait3A_729 = arith.constant 0 : i32
      %dma_wait3A_730 = tpu.memref_slice %arg8[%run_scoped3A_465, %dma_wait3A_728, %dma_wait3A_729] : memref<2x256x128xf32, #tpu.memory_space<vmem>> -> memref<1x256x128xf32, #tpu.memory_space<vmem>>
      %dma_wait3A_731 = tpu.memref_squeeze %dma_wait3A_730 : memref<1x256x128xf32, #tpu.memory_space<vmem>> -> memref<256x128xf32, #tpu.memory_space<vmem>>
      %dma_wait3A_732 = arith.constant 0 : i32
      %dma_wait3A_733 = tpu.memref_slice %arg5[%add3A_440, %dma_wait3A_732] : memref<106496x128xf32, #tpu.memory_space<hbm>> -> memref<256x128xf32, #tpu.memory_space<hbm>>
      %dma_wait3A_734 = arith.constant 0 : i32
      %dma_wait3A_735 = tpu.memref_slice %arg5[%add3A_440, %dma_wait3A_734] : memref<106496x128xf32, #tpu.memory_space<hbm>> -> memref<256x128xf32, #tpu.memory_space<hbm>>
      %dma_wait3A_736 = arith.constant 0 : i32
      %dma_wait3A_737 = arith.constant 0 : i32
      %dma_wait3A_738 = tpu.memref_slice %arg8[%run_scoped3A_465, %dma_wait3A_736, %dma_wait3A_737] : memref<2x256x128xf32, #tpu.memory_space<vmem>> -> memref<1x256x128xf32, #tpu.memory_space<vmem>>
      %dma_wait3A_739 = tpu.memref_squeeze %dma_wait3A_738 : memref<1x256x128xf32, #tpu.memory_space<vmem>> -> memref<256x128xf32, #tpu.memory_space<vmem>>
      tpu.wait_dma2 semaphore(%run_scoped3A_715 : memref<!tpu.dma_semaphore, #tpu.memory_space<semaphore_mem>>) src(%dma_wait3A_739 : memref<256x128xf32, #tpu.memory_space<vmem>>) dst(%dma_wait3A_735 : memref<256x128xf32, #tpu.memory_space<hbm>>)
      tpu.yield
    }) : () -> ()
    %run_scoped3A_466 = arith.constant 1 : i32
    "tpu.region"() ({
      %run_scoped3A_715 = tpu.sem_alloc : memref<!tpu.dma_semaphore, #tpu.memory_space<semaphore_mem>>
      %dma_start3A_716 = arith.constant 0 : i32
      %dma_start3A_717 = arith.constant 0 : i32
      %dma_start3A_718 = tpu.memref_slice %arg9[%run_scoped3A_466, %dma_start3A_716, %dma_start3A_717] : memref<2x256x1xf32, #tpu.memory_space<vmem>> -> memref<1x256x1xf32, #tpu.memory_space<vmem>>
      %dma_start3A_719 = tpu.memref_squeeze %dma_start3A_718 : memref<1x256x1xf32, #tpu.memory_space<vmem>> -> memref<256x1xf32, #tpu.memory_space<vmem>>
      %dma_start3A_720 = arith.constant 0 : i32
      %dma_start3A_721 = tpu.memref_slice %arg6[%add3A_440, %dma_start3A_720] : memref<106496x1xf32, #tpu.memory_space<hbm>> -> memref<256x1xf32, #tpu.memory_space<hbm>>
      %dma_start3A_722 = arith.constant 0 : i32
      %dma_start3A_723 = tpu.memref_slice %arg6[%add3A_440, %dma_start3A_722] : memref<106496x1xf32, #tpu.memory_space<hbm>> -> memref<256x1xf32, #tpu.memory_space<hbm>>
      %dma_start3A_724 = arith.constant 0 : i32
      %dma_start3A_725 = arith.constant 0 : i32
      %dma_start3A_726 = tpu.memref_slice %arg9[%run_scoped3A_466, %dma_start3A_724, %dma_start3A_725] : memref<2x256x1xf32, #tpu.memory_space<vmem>> -> memref<1x256x1xf32, #tpu.memory_space<vmem>>
      %dma_start3A_727 = tpu.memref_squeeze %dma_start3A_726 : memref<1x256x1xf32, #tpu.memory_space<vmem>> -> memref<256x1xf32, #tpu.memory_space<vmem>>
      tpu.enqueue_dma source(%dma_start3A_727 : memref<256x1xf32, #tpu.memory_space<vmem>>) target(%dma_start3A_723 : memref<256x1xf32, #tpu.memory_space<hbm>>) target_semaphore(%run_scoped3A_715 : memref<!tpu.dma_semaphore, #tpu.memory_space<semaphore_mem>>)
      %dma_wait3A_728 = arith.constant 0 : i32
      %dma_wait3A_729 = arith.constant 0 : i32
      %dma_wait3A_730 = tpu.memref_slice %arg9[%run_scoped3A_466, %dma_wait3A_728, %dma_wait3A_729] : memref<2x256x1xf32, #tpu.memory_space<vmem>> -> memref<1x256x1xf32, #tpu.memory_space<vmem>>
      %dma_wait3A_731 = tpu.memref_squeeze %dma_wait3A_730 : memref<1x256x1xf32, #tpu.memory_space<vmem>> -> memref<256x1xf32, #tpu.memory_space<vmem>>
      %dma_wait3A_732 = arith.constant 0 : i32
      %dma_wait3A_733 = tpu.memref_slice %arg6[%add3A_440, %dma_wait3A_732] : memref<106496x1xf32, #tpu.memory_space<hbm>> -> memref<256x1xf32, #tpu.memory_space<hbm>>
      %dma_wait3A_734 = arith.constant 0 : i32
      %dma_wait3A_735 = tpu.memref_slice %arg6[%add3A_440, %dma_wait3A_734] : memref<106496x1xf32, #tpu.memory_space<hbm>> -> memref<256x1xf32, #tpu.memory_space<hbm>>
      %dma_wait3A_736 = arith.constant 0 : i32
      %dma_wait3A_737 = arith.constant 0 : i32
      %dma_wait3A_738 = tpu.memref_slice %arg9[%run_scoped3A_466, %dma_wait3A_736, %dma_wait3A_737] : memref<2x256x1xf32, #tpu.memory_space<vmem>> -> memref<1x256x1xf32, #tpu.memory_space<vmem>>
      %dma_wait3A_739 = tpu.memref_squeeze %dma_wait3A_738 : memref<1x256x1xf32, #tpu.memory_space<vmem>> -> memref<256x1xf32, #tpu.memory_space<vmem>>
      tpu.wait_dma2 semaphore(%run_scoped3A_715 : memref<!tpu.dma_semaphore, #tpu.memory_space<semaphore_mem>>) src(%dma_wait3A_739 : memref<256x1xf32, #tpu.memory_space<vmem>>) dst(%dma_wait3A_735 : memref<256x1xf32, #tpu.memory_space<hbm>>)
      tpu.yield
    }) : () -> ()
    %add3A_467 = arith.constant 2304 : i32
    %add3A_468 = arith.addi %mul3A_2, %add3A_467 : i32
    %run_scoped3A_469 = arith.constant 1 : i32
    "tpu.region"() ({
      %run_scoped3A_715 = tpu.sem_alloc : memref<!tpu.dma_semaphore, #tpu.memory_space<semaphore_mem>>
      %dma_start3A_716 = arith.constant 0 : i32
      %dma_start3A_717 = tpu.memref_slice %arg7[%run_scoped3A_469, %dma_start3A_716] : memref<2x256xi32, #tpu.memory_space<vmem>> -> memref<1x256xi32, #tpu.memory_space<vmem>>
      %dma_start3A_718 = tpu.memref_squeeze %dma_start3A_717 : memref<1x256xi32, #tpu.memory_space<vmem>> -> memref<256xi32, #tpu.memory_space<vmem>>
      %dma_start3A_719 = tpu.memref_slice %arg4[%add3A_468] : memref<106496xi32, #tpu.memory_space<hbm>> -> memref<256xi32, #tpu.memory_space<hbm>>
      %dma_start3A_720 = arith.constant 0 : i32
      %dma_start3A_721 = tpu.memref_slice %arg7[%run_scoped3A_469, %dma_start3A_720] : memref<2x256xi32, #tpu.memory_space<vmem>> -> memref<1x256xi32, #tpu.memory_space<vmem>>
      %dma_start3A_722 = tpu.memref_squeeze %dma_start3A_721 : memref<1x256xi32, #tpu.memory_space<vmem>> -> memref<256xi32, #tpu.memory_space<vmem>>
      %dma_start3A_723 = tpu.memref_slice %arg4[%add3A_468] : memref<106496xi32, #tpu.memory_space<hbm>> -> memref<256xi32, #tpu.memory_space<hbm>>
      tpu.enqueue_dma source(%dma_start3A_723 : memref<256xi32, #tpu.memory_space<hbm>>) target(%dma_start3A_722 : memref<256xi32, #tpu.memory_space<vmem>>) target_semaphore(%run_scoped3A_715 : memref<!tpu.dma_semaphore, #tpu.memory_space<semaphore_mem>>)
      %dma_wait3A_724 = arith.constant 0 : i32
      %dma_wait3A_725 = tpu.memref_slice %arg7[%run_scoped3A_469, %dma_wait3A_724] : memref<2x256xi32, #tpu.memory_space<vmem>> -> memref<1x256xi32, #tpu.memory_space<vmem>>
      %dma_wait3A_726 = tpu.memref_squeeze %dma_wait3A_725 : memref<1x256xi32, #tpu.memory_space<vmem>> -> memref<256xi32, #tpu.memory_space<vmem>>
      %dma_wait3A_727 = tpu.memref_slice %arg4[%add3A_468] : memref<106496xi32, #tpu.memory_space<hbm>> -> memref<256xi32, #tpu.memory_space<hbm>>
      %dma_wait3A_728 = arith.constant 0 : i32
      %dma_wait3A_729 = tpu.memref_slice %arg7[%run_scoped3A_469, %dma_wait3A_728] : memref<2x256xi32, #tpu.memory_space<vmem>> -> memref<1x256xi32, #tpu.memory_space<vmem>>
      %dma_wait3A_730 = tpu.memref_squeeze %dma_wait3A_729 : memref<1x256xi32, #tpu.memory_space<vmem>> -> memref<256xi32, #tpu.memory_space<vmem>>
      %dma_wait3A_731 = tpu.memref_slice %arg4[%add3A_468] : memref<106496xi32, #tpu.memory_space<hbm>> -> memref<256xi32, #tpu.memory_space<hbm>>
      tpu.wait_dma2 semaphore(%run_scoped3A_715 : memref<!tpu.dma_semaphore, #tpu.memory_space<semaphore_mem>>) src(%dma_wait3A_731 : memref<256xi32, #tpu.memory_space<hbm>>) dst(%dma_wait3A_730 : memref<256xi32, #tpu.memory_space<vmem>>)
      tpu.yield
    }) : () -> ()
    %dma_start3A_470 = arith.constant 1 : i32
    %dma_start3A_471 = arith.constant 1 : i32
    %dma_start3A_472 = arith.constant 0 : i32
    %dma_start3A_473 = arith.constant 0 : i32
    %dma_start3A_474 = tpu.memref_slice %arg8[%dma_start3A_471, %dma_start3A_472, %dma_start3A_473] : memref<2x256x128xf32, #tpu.memory_space<vmem>> -> memref<1x256x128xf32, #tpu.memory_space<vmem>>
    %dma_start3A_475 = tpu.memref_squeeze %dma_start3A_474 : memref<1x256x128xf32, #tpu.memory_space<vmem>> -> memref<256x128xf32, #tpu.memory_space<vmem>>
    %dma_start3A_476 = arith.constant 0 : i32
    %dma_start3A_477 = tpu.memref_slice %arg7[%dma_start3A_470, %dma_start3A_476] : memref<2x256xi32, #tpu.memory_space<vmem>> -> memref<1x256xi32, #tpu.memory_space<vmem>>
    %dma_start3A_478 = tpu.memref_squeeze %dma_start3A_477 : memref<1x256xi32, #tpu.memory_space<vmem>> -> memref<256xi32, #tpu.memory_space<vmem>>
    %dma_start3A_479 = arith.constant 0 : i32
    %dma_start3A_480 = arith.constant 0 : i32
    %dma_start3A_481 = tpu.memref_slice %arg2[%dma_start3A_479, %dma_start3A_480] : memref<100000x128xf32, #tpu.memory_space<hbm>> -> memref<100000x128xf32, #tpu.memory_space<hbm>>
    tpu.enqueue_indirect_dma source(%dma_start3A_481 : memref<100000x128xf32, #tpu.memory_space<hbm>>) target(%dma_start3A_475 : memref<256x128xf32, #tpu.memory_space<vmem>>) offsets(%dma_start3A_478 : memref<256xi32, #tpu.memory_space<vmem>>) semaphore(%arg10 : memref<!tpu.dma_semaphore, #tpu.memory_space<semaphore_mem>>)
    %dma_start3A_482 = arith.constant 1 : i32
    %dma_start3A_483 = arith.constant 1 : i32
    %dma_start3A_484 = arith.constant 0 : i32
    %dma_start3A_485 = arith.constant 0 : i32
    %dma_start3A_486 = tpu.memref_slice %arg9[%dma_start3A_483, %dma_start3A_484, %dma_start3A_485] : memref<2x256x1xf32, #tpu.memory_space<vmem>> -> memref<1x256x1xf32, #tpu.memory_space<vmem>>
    %dma_start3A_487 = tpu.memref_squeeze %dma_start3A_486 : memref<1x256x1xf32, #tpu.memory_space<vmem>> -> memref<256x1xf32, #tpu.memory_space<vmem>>
    %dma_start3A_488 = arith.constant 0 : i32
    %dma_start3A_489 = tpu.memref_slice %arg7[%dma_start3A_482, %dma_start3A_488] : memref<2x256xi32, #tpu.memory_space<vmem>> -> memref<1x256xi32, #tpu.memory_space<vmem>>
    %dma_start3A_490 = tpu.memref_squeeze %dma_start3A_489 : memref<1x256xi32, #tpu.memory_space<vmem>> -> memref<256xi32, #tpu.memory_space<vmem>>
    %dma_start3A_491 = arith.constant 0 : i32
    %dma_start3A_492 = arith.constant 0 : i32
    %dma_start3A_493 = tpu.memref_slice %arg3[%dma_start3A_491, %dma_start3A_492] : memref<100000x1xf32, #tpu.memory_space<hbm>> -> memref<100000x1xf32, #tpu.memory_space<hbm>>
    tpu.enqueue_indirect_dma source(%dma_start3A_493 : memref<100000x1xf32, #tpu.memory_space<hbm>>) target(%dma_start3A_487 : memref<256x1xf32, #tpu.memory_space<vmem>>) offsets(%dma_start3A_490 : memref<256xi32, #tpu.memory_space<vmem>>) semaphore(%arg11 : memref<!tpu.dma_semaphore, #tpu.memory_space<semaphore_mem>>)
    %add3A_494 = arith.constant 2048 : i32
    %add3A_495 = arith.addi %mul3A_2, %add3A_494 : i32
    %dma_wait3A_496 = arith.constant 0 : i32
    %dma_wait3A_497 = arith.constant 0 : i32
    %dma_wait3A_498 = arith.constant 0 : i32
    %dma_wait3A_499 = arith.constant 0 : i32
    %dma_wait3A_500 = tpu.memref_slice %arg8[%dma_wait3A_497, %dma_wait3A_498, %dma_wait3A_499] : memref<2x256x128xf32, #tpu.memory_space<vmem>> -> memref<1x256x128xf32, #tpu.memory_space<vmem>>
    %dma_wait3A_501 = tpu.memref_squeeze %dma_wait3A_500 : memref<1x256x128xf32, #tpu.memory_space<vmem>> -> memref<256x128xf32, #tpu.memory_space<vmem>>
    %dma_wait3A_502 = arith.constant 0 : i32
    %dma_wait3A_503 = tpu.memref_slice %arg7[%dma_wait3A_496, %dma_wait3A_502] : memref<2x256xi32, #tpu.memory_space<vmem>> -> memref<1x256xi32, #tpu.memory_space<vmem>>
    %dma_wait3A_504 = tpu.memref_squeeze %dma_wait3A_503 : memref<1x256xi32, #tpu.memory_space<vmem>> -> memref<256xi32, #tpu.memory_space<vmem>>
    %dma_wait3A_505 = arith.constant 0 : i32
    %dma_wait3A_506 = arith.constant 0 : i32
    %dma_wait3A_507 = tpu.memref_slice %arg2[%dma_wait3A_505, %dma_wait3A_506] : memref<100000x128xf32, #tpu.memory_space<hbm>> -> memref<100000x128xf32, #tpu.memory_space<hbm>>
    tpu.wait_indirect_dma semaphore(%arg10 : memref<!tpu.dma_semaphore, #tpu.memory_space<semaphore_mem>>) src(%dma_wait3A_507 : memref<100000x128xf32, #tpu.memory_space<hbm>>) dst(%dma_wait3A_501 : memref<256x128xf32, #tpu.memory_space<vmem>>)
    %dma_wait3A_508 = arith.constant 0 : i32
    %dma_wait3A_509 = arith.constant 0 : i32
    %dma_wait3A_510 = arith.constant 0 : i32
    %dma_wait3A_511 = arith.constant 0 : i32
    %dma_wait3A_512 = tpu.memref_slice %arg9[%dma_wait3A_509, %dma_wait3A_510, %dma_wait3A_511] : memref<2x256x1xf32, #tpu.memory_space<vmem>> -> memref<1x256x1xf32, #tpu.memory_space<vmem>>
    %dma_wait3A_513 = tpu.memref_squeeze %dma_wait3A_512 : memref<1x256x1xf32, #tpu.memory_space<vmem>> -> memref<256x1xf32, #tpu.memory_space<vmem>>
    %dma_wait3A_514 = arith.constant 0 : i32
    %dma_wait3A_515 = tpu.memref_slice %arg7[%dma_wait3A_508, %dma_wait3A_514] : memref<2x256xi32, #tpu.memory_space<vmem>> -> memref<1x256xi32, #tpu.memory_space<vmem>>
    %dma_wait3A_516 = tpu.memref_squeeze %dma_wait3A_515 : memref<1x256xi32, #tpu.memory_space<vmem>> -> memref<256xi32, #tpu.memory_space<vmem>>
    %dma_wait3A_517 = arith.constant 0 : i32
    %dma_wait3A_518 = arith.constant 0 : i32
    %dma_wait3A_519 = tpu.memref_slice %arg3[%dma_wait3A_517, %dma_wait3A_518] : memref<100000x1xf32, #tpu.memory_space<hbm>> -> memref<100000x1xf32, #tpu.memory_space<hbm>>
    tpu.wait_indirect_dma semaphore(%arg11 : memref<!tpu.dma_semaphore, #tpu.memory_space<semaphore_mem>>) src(%dma_wait3A_519 : memref<100000x1xf32, #tpu.memory_space<hbm>>) dst(%dma_wait3A_513 : memref<256x1xf32, #tpu.memory_space<vmem>>)
    %run_scoped3A_520 = arith.constant 0 : i32
    "tpu.region"() ({
      %run_scoped3A_715 = tpu.sem_alloc : memref<!tpu.dma_semaphore, #tpu.memory_space<semaphore_mem>>
      %dma_start3A_716 = arith.constant 0 : i32
      %dma_start3A_717 = arith.constant 0 : i32
      %dma_start3A_718 = tpu.memref_slice %arg8[%run_scoped3A_520, %dma_start3A_716, %dma_start3A_717] : memref<2x256x128xf32, #tpu.memory_space<vmem>> -> memref<1x256x128xf32, #tpu.memory_space<vmem>>
      %dma_start3A_719 = tpu.memref_squeeze %dma_start3A_718 : memref<1x256x128xf32, #tpu.memory_space<vmem>> -> memref<256x128xf32, #tpu.memory_space<vmem>>
      %dma_start3A_720 = arith.constant 0 : i32
      %dma_start3A_721 = tpu.memref_slice %arg5[%add3A_495, %dma_start3A_720] : memref<106496x128xf32, #tpu.memory_space<hbm>> -> memref<256x128xf32, #tpu.memory_space<hbm>>
      %dma_start3A_722 = arith.constant 0 : i32
      %dma_start3A_723 = tpu.memref_slice %arg5[%add3A_495, %dma_start3A_722] : memref<106496x128xf32, #tpu.memory_space<hbm>> -> memref<256x128xf32, #tpu.memory_space<hbm>>
      %dma_start3A_724 = arith.constant 0 : i32
      %dma_start3A_725 = arith.constant 0 : i32
      %dma_start3A_726 = tpu.memref_slice %arg8[%run_scoped3A_520, %dma_start3A_724, %dma_start3A_725] : memref<2x256x128xf32, #tpu.memory_space<vmem>> -> memref<1x256x128xf32, #tpu.memory_space<vmem>>
      %dma_start3A_727 = tpu.memref_squeeze %dma_start3A_726 : memref<1x256x128xf32, #tpu.memory_space<vmem>> -> memref<256x128xf32, #tpu.memory_space<vmem>>
      tpu.enqueue_dma source(%dma_start3A_727 : memref<256x128xf32, #tpu.memory_space<vmem>>) target(%dma_start3A_723 : memref<256x128xf32, #tpu.memory_space<hbm>>) target_semaphore(%run_scoped3A_715 : memref<!tpu.dma_semaphore, #tpu.memory_space<semaphore_mem>>)
      %dma_wait3A_728 = arith.constant 0 : i32
      %dma_wait3A_729 = arith.constant 0 : i32
      %dma_wait3A_730 = tpu.memref_slice %arg8[%run_scoped3A_520, %dma_wait3A_728, %dma_wait3A_729] : memref<2x256x128xf32, #tpu.memory_space<vmem>> -> memref<1x256x128xf32, #tpu.memory_space<vmem>>
      %dma_wait3A_731 = tpu.memref_squeeze %dma_wait3A_730 : memref<1x256x128xf32, #tpu.memory_space<vmem>> -> memref<256x128xf32, #tpu.memory_space<vmem>>
      %dma_wait3A_732 = arith.constant 0 : i32
      %dma_wait3A_733 = tpu.memref_slice %arg5[%add3A_495, %dma_wait3A_732] : memref<106496x128xf32, #tpu.memory_space<hbm>> -> memref<256x128xf32, #tpu.memory_space<hbm>>
      %dma_wait3A_734 = arith.constant 0 : i32
      %dma_wait3A_735 = tpu.memref_slice %arg5[%add3A_495, %dma_wait3A_734] : memref<106496x128xf32, #tpu.memory_space<hbm>> -> memref<256x128xf32, #tpu.memory_space<hbm>>
      %dma_wait3A_736 = arith.constant 0 : i32
      %dma_wait3A_737 = arith.constant 0 : i32
      %dma_wait3A_738 = tpu.memref_slice %arg8[%run_scoped3A_520, %dma_wait3A_736, %dma_wait3A_737] : memref<2x256x128xf32, #tpu.memory_space<vmem>> -> memref<1x256x128xf32, #tpu.memory_space<vmem>>
      %dma_wait3A_739 = tpu.memref_squeeze %dma_wait3A_738 : memref<1x256x128xf32, #tpu.memory_space<vmem>> -> memref<256x128xf32, #tpu.memory_space<vmem>>
      tpu.wait_dma2 semaphore(%run_scoped3A_715 : memref<!tpu.dma_semaphore, #tpu.memory_space<semaphore_mem>>) src(%dma_wait3A_739 : memref<256x128xf32, #tpu.memory_space<vmem>>) dst(%dma_wait3A_735 : memref<256x128xf32, #tpu.memory_space<hbm>>)
      tpu.yield
    }) : () -> ()
    %run_scoped3A_521 = arith.constant 0 : i32
    "tpu.region"() ({
      %run_scoped3A_715 = tpu.sem_alloc : memref<!tpu.dma_semaphore, #tpu.memory_space<semaphore_mem>>
      %dma_start3A_716 = arith.constant 0 : i32
      %dma_start3A_717 = arith.constant 0 : i32
      %dma_start3A_718 = tpu.memref_slice %arg9[%run_scoped3A_521, %dma_start3A_716, %dma_start3A_717] : memref<2x256x1xf32, #tpu.memory_space<vmem>> -> memref<1x256x1xf32, #tpu.memory_space<vmem>>
      %dma_start3A_719 = tpu.memref_squeeze %dma_start3A_718 : memref<1x256x1xf32, #tpu.memory_space<vmem>> -> memref<256x1xf32, #tpu.memory_space<vmem>>
      %dma_start3A_720 = arith.constant 0 : i32
      %dma_start3A_721 = tpu.memref_slice %arg6[%add3A_495, %dma_start3A_720] : memref<106496x1xf32, #tpu.memory_space<hbm>> -> memref<256x1xf32, #tpu.memory_space<hbm>>
      %dma_start3A_722 = arith.constant 0 : i32
      %dma_start3A_723 = tpu.memref_slice %arg6[%add3A_495, %dma_start3A_722] : memref<106496x1xf32, #tpu.memory_space<hbm>> -> memref<256x1xf32, #tpu.memory_space<hbm>>
      %dma_start3A_724 = arith.constant 0 : i32
      %dma_start3A_725 = arith.constant 0 : i32
      %dma_start3A_726 = tpu.memref_slice %arg9[%run_scoped3A_521, %dma_start3A_724, %dma_start3A_725] : memref<2x256x1xf32, #tpu.memory_space<vmem>> -> memref<1x256x1xf32, #tpu.memory_space<vmem>>
      %dma_start3A_727 = tpu.memref_squeeze %dma_start3A_726 : memref<1x256x1xf32, #tpu.memory_space<vmem>> -> memref<256x1xf32, #tpu.memory_space<vmem>>
      tpu.enqueue_dma source(%dma_start3A_727 : memref<256x1xf32, #tpu.memory_space<vmem>>) target(%dma_start3A_723 : memref<256x1xf32, #tpu.memory_space<hbm>>) target_semaphore(%run_scoped3A_715 : memref<!tpu.dma_semaphore, #tpu.memory_space<semaphore_mem>>)
      %dma_wait3A_728 = arith.constant 0 : i32
      %dma_wait3A_729 = arith.constant 0 : i32
      %dma_wait3A_730 = tpu.memref_slice %arg9[%run_scoped3A_521, %dma_wait3A_728, %dma_wait3A_729] : memref<2x256x1xf32, #tpu.memory_space<vmem>> -> memref<1x256x1xf32, #tpu.memory_space<vmem>>
      %dma_wait3A_731 = tpu.memref_squeeze %dma_wait3A_730 : memref<1x256x1xf32, #tpu.memory_space<vmem>> -> memref<256x1xf32, #tpu.memory_space<vmem>>
      %dma_wait3A_732 = arith.constant 0 : i32
      %dma_wait3A_733 = tpu.memref_slice %arg6[%add3A_495, %dma_wait3A_732] : memref<106496x1xf32, #tpu.memory_space<hbm>> -> memref<256x1xf32, #tpu.memory_space<hbm>>
      %dma_wait3A_734 = arith.constant 0 : i32
      %dma_wait3A_735 = tpu.memref_slice %arg6[%add3A_495, %dma_wait3A_734] : memref<106496x1xf32, #tpu.memory_space<hbm>> -> memref<256x1xf32, #tpu.memory_space<hbm>>
      %dma_wait3A_736 = arith.constant 0 : i32
      %dma_wait3A_737 = arith.constant 0 : i32
      %dma_wait3A_738 = tpu.memref_slice %arg9[%run_scoped3A_521, %dma_wait3A_736, %dma_wait3A_737] : memref<2x256x1xf32, #tpu.memory_space<vmem>> -> memref<1x256x1xf32, #tpu.memory_space<vmem>>
      %dma_wait3A_739 = tpu.memref_squeeze %dma_wait3A_738 : memref<1x256x1xf32, #tpu.memory_space<vmem>> -> memref<256x1xf32, #tpu.memory_space<vmem>>
      tpu.wait_dma2 semaphore(%run_scoped3A_715 : memref<!tpu.dma_semaphore, #tpu.memory_space<semaphore_mem>>) src(%dma_wait3A_739 : memref<256x1xf32, #tpu.memory_space<vmem>>) dst(%dma_wait3A_735 : memref<256x1xf32, #tpu.memory_space<hbm>>)
      tpu.yield
    }) : () -> ()
    %add3A_522 = arith.constant 2560 : i32
    %add3A_523 = arith.addi %mul3A_2, %add3A_522 : i32
    %run_scoped3A_524 = arith.constant 0 : i32
    "tpu.region"() ({
      %run_scoped3A_715 = tpu.sem_alloc : memref<!tpu.dma_semaphore, #tpu.memory_space<semaphore_mem>>
      %dma_start3A_716 = arith.constant 0 : i32
      %dma_start3A_717 = tpu.memref_slice %arg7[%run_scoped3A_524, %dma_start3A_716] : memref<2x256xi32, #tpu.memory_space<vmem>> -> memref<1x256xi32, #tpu.memory_space<vmem>>
      %dma_start3A_718 = tpu.memref_squeeze %dma_start3A_717 : memref<1x256xi32, #tpu.memory_space<vmem>> -> memref<256xi32, #tpu.memory_space<vmem>>
      %dma_start3A_719 = tpu.memref_slice %arg4[%add3A_523] : memref<106496xi32, #tpu.memory_space<hbm>> -> memref<256xi32, #tpu.memory_space<hbm>>
      %dma_start3A_720 = arith.constant 0 : i32
      %dma_start3A_721 = tpu.memref_slice %arg7[%run_scoped3A_524, %dma_start3A_720] : memref<2x256xi32, #tpu.memory_space<vmem>> -> memref<1x256xi32, #tpu.memory_space<vmem>>
      %dma_start3A_722 = tpu.memref_squeeze %dma_start3A_721 : memref<1x256xi32, #tpu.memory_space<vmem>> -> memref<256xi32, #tpu.memory_space<vmem>>
      %dma_start3A_723 = tpu.memref_slice %arg4[%add3A_523] : memref<106496xi32, #tpu.memory_space<hbm>> -> memref<256xi32, #tpu.memory_space<hbm>>
      tpu.enqueue_dma source(%dma_start3A_723 : memref<256xi32, #tpu.memory_space<hbm>>) target(%dma_start3A_722 : memref<256xi32, #tpu.memory_space<vmem>>) target_semaphore(%run_scoped3A_715 : memref<!tpu.dma_semaphore, #tpu.memory_space<semaphore_mem>>)
      %dma_wait3A_724 = arith.constant 0 : i32
      %dma_wait3A_725 = tpu.memref_slice %arg7[%run_scoped3A_524, %dma_wait3A_724] : memref<2x256xi32, #tpu.memory_space<vmem>> -> memref<1x256xi32, #tpu.memory_space<vmem>>
      %dma_wait3A_726 = tpu.memref_squeeze %dma_wait3A_725 : memref<1x256xi32, #tpu.memory_space<vmem>> -> memref<256xi32, #tpu.memory_space<vmem>>
      %dma_wait3A_727 = tpu.memref_slice %arg4[%add3A_523] : memref<106496xi32, #tpu.memory_space<hbm>> -> memref<256xi32, #tpu.memory_space<hbm>>
      %dma_wait3A_728 = arith.constant 0 : i32
      %dma_wait3A_729 = tpu.memref_slice %arg7[%run_scoped3A_524, %dma_wait3A_728] : memref<2x256xi32, #tpu.memory_space<vmem>> -> memref<1x256xi32, #tpu.memory_space<vmem>>
      %dma_wait3A_730 = tpu.memref_squeeze %dma_wait3A_729 : memref<1x256xi32, #tpu.memory_space<vmem>> -> memref<256xi32, #tpu.memory_space<vmem>>
      %dma_wait3A_731 = tpu.memref_slice %arg4[%add3A_523] : memref<106496xi32, #tpu.memory_space<hbm>> -> memref<256xi32, #tpu.memory_space<hbm>>
      tpu.wait_dma2 semaphore(%run_scoped3A_715 : memref<!tpu.dma_semaphore, #tpu.memory_space<semaphore_mem>>) src(%dma_wait3A_731 : memref<256xi32, #tpu.memory_space<hbm>>) dst(%dma_wait3A_730 : memref<256xi32, #tpu.memory_space<vmem>>)
      tpu.yield
    }) : () -> ()
    %dma_start3A_525 = arith.constant 0 : i32
    %dma_start3A_526 = arith.constant 0 : i32
    %dma_start3A_527 = arith.constant 0 : i32
    %dma_start3A_528 = arith.constant 0 : i32
    %dma_start3A_529 = tpu.memref_slice %arg8[%dma_start3A_526, %dma_start3A_527, %dma_start3A_528] : memref<2x256x128xf32, #tpu.memory_space<vmem>> -> memref<1x256x128xf32, #tpu.memory_space<vmem>>
    %dma_start3A_530 = tpu.memref_squeeze %dma_start3A_529 : memref<1x256x128xf32, #tpu.memory_space<vmem>> -> memref<256x128xf32, #tpu.memory_space<vmem>>
    %dma_start3A_531 = arith.constant 0 : i32
    %dma_start3A_532 = tpu.memref_slice %arg7[%dma_start3A_525, %dma_start3A_531] : memref<2x256xi32, #tpu.memory_space<vmem>> -> memref<1x256xi32, #tpu.memory_space<vmem>>
    %dma_start3A_533 = tpu.memref_squeeze %dma_start3A_532 : memref<1x256xi32, #tpu.memory_space<vmem>> -> memref<256xi32, #tpu.memory_space<vmem>>
    %dma_start3A_534 = arith.constant 0 : i32
    %dma_start3A_535 = arith.constant 0 : i32
    %dma_start3A_536 = tpu.memref_slice %arg2[%dma_start3A_534, %dma_start3A_535] : memref<100000x128xf32, #tpu.memory_space<hbm>> -> memref<100000x128xf32, #tpu.memory_space<hbm>>
    tpu.enqueue_indirect_dma source(%dma_start3A_536 : memref<100000x128xf32, #tpu.memory_space<hbm>>) target(%dma_start3A_530 : memref<256x128xf32, #tpu.memory_space<vmem>>) offsets(%dma_start3A_533 : memref<256xi32, #tpu.memory_space<vmem>>) semaphore(%arg10 : memref<!tpu.dma_semaphore, #tpu.memory_space<semaphore_mem>>)
    %dma_start3A_537 = arith.constant 0 : i32
    %dma_start3A_538 = arith.constant 0 : i32
    %dma_start3A_539 = arith.constant 0 : i32
    %dma_start3A_540 = arith.constant 0 : i32
    %dma_start3A_541 = tpu.memref_slice %arg9[%dma_start3A_538, %dma_start3A_539, %dma_start3A_540] : memref<2x256x1xf32, #tpu.memory_space<vmem>> -> memref<1x256x1xf32, #tpu.memory_space<vmem>>
    %dma_start3A_542 = tpu.memref_squeeze %dma_start3A_541 : memref<1x256x1xf32, #tpu.memory_space<vmem>> -> memref<256x1xf32, #tpu.memory_space<vmem>>
    %dma_start3A_543 = arith.constant 0 : i32
    %dma_start3A_544 = tpu.memref_slice %arg7[%dma_start3A_537, %dma_start3A_543] : memref<2x256xi32, #tpu.memory_space<vmem>> -> memref<1x256xi32, #tpu.memory_space<vmem>>
    %dma_start3A_545 = tpu.memref_squeeze %dma_start3A_544 : memref<1x256xi32, #tpu.memory_space<vmem>> -> memref<256xi32, #tpu.memory_space<vmem>>
    %dma_start3A_546 = arith.constant 0 : i32
    %dma_start3A_547 = arith.constant 0 : i32
    %dma_start3A_548 = tpu.memref_slice %arg3[%dma_start3A_546, %dma_start3A_547] : memref<100000x1xf32, #tpu.memory_space<hbm>> -> memref<100000x1xf32, #tpu.memory_space<hbm>>
    tpu.enqueue_indirect_dma source(%dma_start3A_548 : memref<100000x1xf32, #tpu.memory_space<hbm>>) target(%dma_start3A_542 : memref<256x1xf32, #tpu.memory_space<vmem>>) offsets(%dma_start3A_545 : memref<256xi32, #tpu.memory_space<vmem>>) semaphore(%arg11 : memref<!tpu.dma_semaphore, #tpu.memory_space<semaphore_mem>>)
    %add3A_549 = arith.constant 2304 : i32
    %add3A_550 = arith.addi %mul3A_2, %add3A_549 : i32
    %dma_wait3A_551 = arith.constant 1 : i32
    %dma_wait3A_552 = arith.constant 1 : i32
    %dma_wait3A_553 = arith.constant 0 : i32
    %dma_wait3A_554 = arith.constant 0 : i32
    %dma_wait3A_555 = tpu.memref_slice %arg8[%dma_wait3A_552, %dma_wait3A_553, %dma_wait3A_554] : memref<2x256x128xf32, #tpu.memory_space<vmem>> -> memref<1x256x128xf32, #tpu.memory_space<vmem>>
    %dma_wait3A_556 = tpu.memref_squeeze %dma_wait3A_555 : memref<1x256x128xf32, #tpu.memory_space<vmem>> -> memref<256x128xf32, #tpu.memory_space<vmem>>
    %dma_wait3A_557 = arith.constant 0 : i32
    %dma_wait3A_558 = tpu.memref_slice %arg7[%dma_wait3A_551, %dma_wait3A_557] : memref<2x256xi32, #tpu.memory_space<vmem>> -> memref<1x256xi32, #tpu.memory_space<vmem>>
    %dma_wait3A_559 = tpu.memref_squeeze %dma_wait3A_558 : memref<1x256xi32, #tpu.memory_space<vmem>> -> memref<256xi32, #tpu.memory_space<vmem>>
    %dma_wait3A_560 = arith.constant 0 : i32
    %dma_wait3A_561 = arith.constant 0 : i32
    %dma_wait3A_562 = tpu.memref_slice %arg2[%dma_wait3A_560, %dma_wait3A_561] : memref<100000x128xf32, #tpu.memory_space<hbm>> -> memref<100000x128xf32, #tpu.memory_space<hbm>>
    tpu.wait_indirect_dma semaphore(%arg10 : memref<!tpu.dma_semaphore, #tpu.memory_space<semaphore_mem>>) src(%dma_wait3A_562 : memref<100000x128xf32, #tpu.memory_space<hbm>>) dst(%dma_wait3A_556 : memref<256x128xf32, #tpu.memory_space<vmem>>)
    %dma_wait3A_563 = arith.constant 1 : i32
    %dma_wait3A_564 = arith.constant 1 : i32
    %dma_wait3A_565 = arith.constant 0 : i32
    %dma_wait3A_566 = arith.constant 0 : i32
    %dma_wait3A_567 = tpu.memref_slice %arg9[%dma_wait3A_564, %dma_wait3A_565, %dma_wait3A_566] : memref<2x256x1xf32, #tpu.memory_space<vmem>> -> memref<1x256x1xf32, #tpu.memory_space<vmem>>
    %dma_wait3A_568 = tpu.memref_squeeze %dma_wait3A_567 : memref<1x256x1xf32, #tpu.memory_space<vmem>> -> memref<256x1xf32, #tpu.memory_space<vmem>>
    %dma_wait3A_569 = arith.constant 0 : i32
    %dma_wait3A_570 = tpu.memref_slice %arg7[%dma_wait3A_563, %dma_wait3A_569] : memref<2x256xi32, #tpu.memory_space<vmem>> -> memref<1x256xi32, #tpu.memory_space<vmem>>
    %dma_wait3A_571 = tpu.memref_squeeze %dma_wait3A_570 : memref<1x256xi32, #tpu.memory_space<vmem>> -> memref<256xi32, #tpu.memory_space<vmem>>
    %dma_wait3A_572 = arith.constant 0 : i32
    %dma_wait3A_573 = arith.constant 0 : i32
    %dma_wait3A_574 = tpu.memref_slice %arg3[%dma_wait3A_572, %dma_wait3A_573] : memref<100000x1xf32, #tpu.memory_space<hbm>> -> memref<100000x1xf32, #tpu.memory_space<hbm>>
    tpu.wait_indirect_dma semaphore(%arg11 : memref<!tpu.dma_semaphore, #tpu.memory_space<semaphore_mem>>) src(%dma_wait3A_574 : memref<100000x1xf32, #tpu.memory_space<hbm>>) dst(%dma_wait3A_568 : memref<256x1xf32, #tpu.memory_space<vmem>>)
    %run_scoped3A_575 = arith.constant 1 : i32
    "tpu.region"() ({
      %run_scoped3A_715 = tpu.sem_alloc : memref<!tpu.dma_semaphore, #tpu.memory_space<semaphore_mem>>
      %dma_start3A_716 = arith.constant 0 : i32
      %dma_start3A_717 = arith.constant 0 : i32
      %dma_start3A_718 = tpu.memref_slice %arg8[%run_scoped3A_575, %dma_start3A_716, %dma_start3A_717] : memref<2x256x128xf32, #tpu.memory_space<vmem>> -> memref<1x256x128xf32, #tpu.memory_space<vmem>>
      %dma_start3A_719 = tpu.memref_squeeze %dma_start3A_718 : memref<1x256x128xf32, #tpu.memory_space<vmem>> -> memref<256x128xf32, #tpu.memory_space<vmem>>
      %dma_start3A_720 = arith.constant 0 : i32
      %dma_start3A_721 = tpu.memref_slice %arg5[%add3A_550, %dma_start3A_720] : memref<106496x128xf32, #tpu.memory_space<hbm>> -> memref<256x128xf32, #tpu.memory_space<hbm>>
      %dma_start3A_722 = arith.constant 0 : i32
      %dma_start3A_723 = tpu.memref_slice %arg5[%add3A_550, %dma_start3A_722] : memref<106496x128xf32, #tpu.memory_space<hbm>> -> memref<256x128xf32, #tpu.memory_space<hbm>>
      %dma_start3A_724 = arith.constant 0 : i32
      %dma_start3A_725 = arith.constant 0 : i32
      %dma_start3A_726 = tpu.memref_slice %arg8[%run_scoped3A_575, %dma_start3A_724, %dma_start3A_725] : memref<2x256x128xf32, #tpu.memory_space<vmem>> -> memref<1x256x128xf32, #tpu.memory_space<vmem>>
      %dma_start3A_727 = tpu.memref_squeeze %dma_start3A_726 : memref<1x256x128xf32, #tpu.memory_space<vmem>> -> memref<256x128xf32, #tpu.memory_space<vmem>>
      tpu.enqueue_dma source(%dma_start3A_727 : memref<256x128xf32, #tpu.memory_space<vmem>>) target(%dma_start3A_723 : memref<256x128xf32, #tpu.memory_space<hbm>>) target_semaphore(%run_scoped3A_715 : memref<!tpu.dma_semaphore, #tpu.memory_space<semaphore_mem>>)
      %dma_wait3A_728 = arith.constant 0 : i32
      %dma_wait3A_729 = arith.constant 0 : i32
      %dma_wait3A_730 = tpu.memref_slice %arg8[%run_scoped3A_575, %dma_wait3A_728, %dma_wait3A_729] : memref<2x256x128xf32, #tpu.memory_space<vmem>> -> memref<1x256x128xf32, #tpu.memory_space<vmem>>
      %dma_wait3A_731 = tpu.memref_squeeze %dma_wait3A_730 : memref<1x256x128xf32, #tpu.memory_space<vmem>> -> memref<256x128xf32, #tpu.memory_space<vmem>>
      %dma_wait3A_732 = arith.constant 0 : i32
      %dma_wait3A_733 = tpu.memref_slice %arg5[%add3A_550, %dma_wait3A_732] : memref<106496x128xf32, #tpu.memory_space<hbm>> -> memref<256x128xf32, #tpu.memory_space<hbm>>
      %dma_wait3A_734 = arith.constant 0 : i32
      %dma_wait3A_735 = tpu.memref_slice %arg5[%add3A_550, %dma_wait3A_734] : memref<106496x128xf32, #tpu.memory_space<hbm>> -> memref<256x128xf32, #tpu.memory_space<hbm>>
      %dma_wait3A_736 = arith.constant 0 : i32
      %dma_wait3A_737 = arith.constant 0 : i32
      %dma_wait3A_738 = tpu.memref_slice %arg8[%run_scoped3A_575, %dma_wait3A_736, %dma_wait3A_737] : memref<2x256x128xf32, #tpu.memory_space<vmem>> -> memref<1x256x128xf32, #tpu.memory_space<vmem>>
      %dma_wait3A_739 = tpu.memref_squeeze %dma_wait3A_738 : memref<1x256x128xf32, #tpu.memory_space<vmem>> -> memref<256x128xf32, #tpu.memory_space<vmem>>
      tpu.wait_dma2 semaphore(%run_scoped3A_715 : memref<!tpu.dma_semaphore, #tpu.memory_space<semaphore_mem>>) src(%dma_wait3A_739 : memref<256x128xf32, #tpu.memory_space<vmem>>) dst(%dma_wait3A_735 : memref<256x128xf32, #tpu.memory_space<hbm>>)
      tpu.yield
    }) : () -> ()
    %run_scoped3A_576 = arith.constant 1 : i32
    "tpu.region"() ({
      %run_scoped3A_715 = tpu.sem_alloc : memref<!tpu.dma_semaphore, #tpu.memory_space<semaphore_mem>>
      %dma_start3A_716 = arith.constant 0 : i32
      %dma_start3A_717 = arith.constant 0 : i32
      %dma_start3A_718 = tpu.memref_slice %arg9[%run_scoped3A_576, %dma_start3A_716, %dma_start3A_717] : memref<2x256x1xf32, #tpu.memory_space<vmem>> -> memref<1x256x1xf32, #tpu.memory_space<vmem>>
      %dma_start3A_719 = tpu.memref_squeeze %dma_start3A_718 : memref<1x256x1xf32, #tpu.memory_space<vmem>> -> memref<256x1xf32, #tpu.memory_space<vmem>>
      %dma_start3A_720 = arith.constant 0 : i32
      %dma_start3A_721 = tpu.memref_slice %arg6[%add3A_550, %dma_start3A_720] : memref<106496x1xf32, #tpu.memory_space<hbm>> -> memref<256x1xf32, #tpu.memory_space<hbm>>
      %dma_start3A_722 = arith.constant 0 : i32
      %dma_start3A_723 = tpu.memref_slice %arg6[%add3A_550, %dma_start3A_722] : memref<106496x1xf32, #tpu.memory_space<hbm>> -> memref<256x1xf32, #tpu.memory_space<hbm>>
      %dma_start3A_724 = arith.constant 0 : i32
      %dma_start3A_725 = arith.constant 0 : i32
      %dma_start3A_726 = tpu.memref_slice %arg9[%run_scoped3A_576, %dma_start3A_724, %dma_start3A_725] : memref<2x256x1xf32, #tpu.memory_space<vmem>> -> memref<1x256x1xf32, #tpu.memory_space<vmem>>
      %dma_start3A_727 = tpu.memref_squeeze %dma_start3A_726 : memref<1x256x1xf32, #tpu.memory_space<vmem>> -> memref<256x1xf32, #tpu.memory_space<vmem>>
      tpu.enqueue_dma source(%dma_start3A_727 : memref<256x1xf32, #tpu.memory_space<vmem>>) target(%dma_start3A_723 : memref<256x1xf32, #tpu.memory_space<hbm>>) target_semaphore(%run_scoped3A_715 : memref<!tpu.dma_semaphore, #tpu.memory_space<semaphore_mem>>)
      %dma_wait3A_728 = arith.constant 0 : i32
      %dma_wait3A_729 = arith.constant 0 : i32
      %dma_wait3A_730 = tpu.memref_slice %arg9[%run_scoped3A_576, %dma_wait3A_728, %dma_wait3A_729] : memref<2x256x1xf32, #tpu.memory_space<vmem>> -> memref<1x256x1xf32, #tpu.memory_space<vmem>>
      %dma_wait3A_731 = tpu.memref_squeeze %dma_wait3A_730 : memref<1x256x1xf32, #tpu.memory_space<vmem>> -> memref<256x1xf32, #tpu.memory_space<vmem>>
      %dma_wait3A_732 = arith.constant 0 : i32
      %dma_wait3A_733 = tpu.memref_slice %arg6[%add3A_550, %dma_wait3A_732] : memref<106496x1xf32, #tpu.memory_space<hbm>> -> memref<256x1xf32, #tpu.memory_space<hbm>>
      %dma_wait3A_734 = arith.constant 0 : i32
      %dma_wait3A_735 = tpu.memref_slice %arg6[%add3A_550, %dma_wait3A_734] : memref<106496x1xf32, #tpu.memory_space<hbm>> -> memref<256x1xf32, #tpu.memory_space<hbm>>
      %dma_wait3A_736 = arith.constant 0 : i32
      %dma_wait3A_737 = arith.constant 0 : i32
      %dma_wait3A_738 = tpu.memref_slice %arg9[%run_scoped3A_576, %dma_wait3A_736, %dma_wait3A_737] : memref<2x256x1xf32, #tpu.memory_space<vmem>> -> memref<1x256x1xf32, #tpu.memory_space<vmem>>
      %dma_wait3A_739 = tpu.memref_squeeze %dma_wait3A_738 : memref<1x256x1xf32, #tpu.memory_space<vmem>> -> memref<256x1xf32, #tpu.memory_space<vmem>>
      tpu.wait_dma2 semaphore(%run_scoped3A_715 : memref<!tpu.dma_semaphore, #tpu.memory_space<semaphore_mem>>) src(%dma_wait3A_739 : memref<256x1xf32, #tpu.memory_space<vmem>>) dst(%dma_wait3A_735 : memref<256x1xf32, #tpu.memory_space<hbm>>)
      tpu.yield
    }) : () -> ()
    %add3A_577 = arith.constant 2816 : i32
    %add3A_578 = arith.addi %mul3A_2, %add3A_577 : i32
    %run_scoped3A_579 = arith.constant 1 : i32
    "tpu.region"() ({
      %run_scoped3A_715 = tpu.sem_alloc : memref<!tpu.dma_semaphore, #tpu.memory_space<semaphore_mem>>
      %dma_start3A_716 = arith.constant 0 : i32
      %dma_start3A_717 = tpu.memref_slice %arg7[%run_scoped3A_579, %dma_start3A_716] : memref<2x256xi32, #tpu.memory_space<vmem>> -> memref<1x256xi32, #tpu.memory_space<vmem>>
      %dma_start3A_718 = tpu.memref_squeeze %dma_start3A_717 : memref<1x256xi32, #tpu.memory_space<vmem>> -> memref<256xi32, #tpu.memory_space<vmem>>
      %dma_start3A_719 = tpu.memref_slice %arg4[%add3A_578] : memref<106496xi32, #tpu.memory_space<hbm>> -> memref<256xi32, #tpu.memory_space<hbm>>
      %dma_start3A_720 = arith.constant 0 : i32
      %dma_start3A_721 = tpu.memref_slice %arg7[%run_scoped3A_579, %dma_start3A_720] : memref<2x256xi32, #tpu.memory_space<vmem>> -> memref<1x256xi32, #tpu.memory_space<vmem>>
      %dma_start3A_722 = tpu.memref_squeeze %dma_start3A_721 : memref<1x256xi32, #tpu.memory_space<vmem>> -> memref<256xi32, #tpu.memory_space<vmem>>
      %dma_start3A_723 = tpu.memref_slice %arg4[%add3A_578] : memref<106496xi32, #tpu.memory_space<hbm>> -> memref<256xi32, #tpu.memory_space<hbm>>
      tpu.enqueue_dma source(%dma_start3A_723 : memref<256xi32, #tpu.memory_space<hbm>>) target(%dma_start3A_722 : memref<256xi32, #tpu.memory_space<vmem>>) target_semaphore(%run_scoped3A_715 : memref<!tpu.dma_semaphore, #tpu.memory_space<semaphore_mem>>)
      %dma_wait3A_724 = arith.constant 0 : i32
      %dma_wait3A_725 = tpu.memref_slice %arg7[%run_scoped3A_579, %dma_wait3A_724] : memref<2x256xi32, #tpu.memory_space<vmem>> -> memref<1x256xi32, #tpu.memory_space<vmem>>
      %dma_wait3A_726 = tpu.memref_squeeze %dma_wait3A_725 : memref<1x256xi32, #tpu.memory_space<vmem>> -> memref<256xi32, #tpu.memory_space<vmem>>
      %dma_wait3A_727 = tpu.memref_slice %arg4[%add3A_578] : memref<106496xi32, #tpu.memory_space<hbm>> -> memref<256xi32, #tpu.memory_space<hbm>>
      %dma_wait3A_728 = arith.constant 0 : i32
      %dma_wait3A_729 = tpu.memref_slice %arg7[%run_scoped3A_579, %dma_wait3A_728] : memref<2x256xi32, #tpu.memory_space<vmem>> -> memref<1x256xi32, #tpu.memory_space<vmem>>
      %dma_wait3A_730 = tpu.memref_squeeze %dma_wait3A_729 : memref<1x256xi32, #tpu.memory_space<vmem>> -> memref<256xi32, #tpu.memory_space<vmem>>
      %dma_wait3A_731 = tpu.memref_slice %arg4[%add3A_578] : memref<106496xi32, #tpu.memory_space<hbm>> -> memref<256xi32, #tpu.memory_space<hbm>>
      tpu.wait_dma2 semaphore(%run_scoped3A_715 : memref<!tpu.dma_semaphore, #tpu.memory_space<semaphore_mem>>) src(%dma_wait3A_731 : memref<256xi32, #tpu.memory_space<hbm>>) dst(%dma_wait3A_730 : memref<256xi32, #tpu.memory_space<vmem>>)
      tpu.yield
    }) : () -> ()
    %dma_start3A_580 = arith.constant 1 : i32
    %dma_start3A_581 = arith.constant 1 : i32
    %dma_start3A_582 = arith.constant 0 : i32
    %dma_start3A_583 = arith.constant 0 : i32
    %dma_start3A_584 = tpu.memref_slice %arg8[%dma_start3A_581, %dma_start3A_582, %dma_start3A_583] : memref<2x256x128xf32, #tpu.memory_space<vmem>> -> memref<1x256x128xf32, #tpu.memory_space<vmem>>
    %dma_start3A_585 = tpu.memref_squeeze %dma_start3A_584 : memref<1x256x128xf32, #tpu.memory_space<vmem>> -> memref<256x128xf32, #tpu.memory_space<vmem>>
    %dma_start3A_586 = arith.constant 0 : i32
    %dma_start3A_587 = tpu.memref_slice %arg7[%dma_start3A_580, %dma_start3A_586] : memref<2x256xi32, #tpu.memory_space<vmem>> -> memref<1x256xi32, #tpu.memory_space<vmem>>
    %dma_start3A_588 = tpu.memref_squeeze %dma_start3A_587 : memref<1x256xi32, #tpu.memory_space<vmem>> -> memref<256xi32, #tpu.memory_space<vmem>>
    %dma_start3A_589 = arith.constant 0 : i32
    %dma_start3A_590 = arith.constant 0 : i32
    %dma_start3A_591 = tpu.memref_slice %arg2[%dma_start3A_589, %dma_start3A_590] : memref<100000x128xf32, #tpu.memory_space<hbm>> -> memref<100000x128xf32, #tpu.memory_space<hbm>>
    tpu.enqueue_indirect_dma source(%dma_start3A_591 : memref<100000x128xf32, #tpu.memory_space<hbm>>) target(%dma_start3A_585 : memref<256x128xf32, #tpu.memory_space<vmem>>) offsets(%dma_start3A_588 : memref<256xi32, #tpu.memory_space<vmem>>) semaphore(%arg10 : memref<!tpu.dma_semaphore, #tpu.memory_space<semaphore_mem>>)
    %dma_start3A_592 = arith.constant 1 : i32
    %dma_start3A_593 = arith.constant 1 : i32
    %dma_start3A_594 = arith.constant 0 : i32
    %dma_start3A_595 = arith.constant 0 : i32
    %dma_start3A_596 = tpu.memref_slice %arg9[%dma_start3A_593, %dma_start3A_594, %dma_start3A_595] : memref<2x256x1xf32, #tpu.memory_space<vmem>> -> memref<1x256x1xf32, #tpu.memory_space<vmem>>
    %dma_start3A_597 = tpu.memref_squeeze %dma_start3A_596 : memref<1x256x1xf32, #tpu.memory_space<vmem>> -> memref<256x1xf32, #tpu.memory_space<vmem>>
    %dma_start3A_598 = arith.constant 0 : i32
    %dma_start3A_599 = tpu.memref_slice %arg7[%dma_start3A_592, %dma_start3A_598] : memref<2x256xi32, #tpu.memory_space<vmem>> -> memref<1x256xi32, #tpu.memory_space<vmem>>
    %dma_start3A_600 = tpu.memref_squeeze %dma_start3A_599 : memref<1x256xi32, #tpu.memory_space<vmem>> -> memref<256xi32, #tpu.memory_space<vmem>>
    %dma_start3A_601 = arith.constant 0 : i32
    %dma_start3A_602 = arith.constant 0 : i32
    %dma_start3A_603 = tpu.memref_slice %arg3[%dma_start3A_601, %dma_start3A_602] : memref<100000x1xf32, #tpu.memory_space<hbm>> -> memref<100000x1xf32, #tpu.memory_space<hbm>>
    tpu.enqueue_indirect_dma source(%dma_start3A_603 : memref<100000x1xf32, #tpu.memory_space<hbm>>) target(%dma_start3A_597 : memref<256x1xf32, #tpu.memory_space<vmem>>) offsets(%dma_start3A_600 : memref<256xi32, #tpu.memory_space<vmem>>) semaphore(%arg11 : memref<!tpu.dma_semaphore, #tpu.memory_space<semaphore_mem>>)
    %add3A_604 = arith.constant 2560 : i32
    %add3A_605 = arith.addi %mul3A_2, %add3A_604 : i32
    %dma_wait3A_606 = arith.constant 0 : i32
    %dma_wait3A_607 = arith.constant 0 : i32
    %dma_wait3A_608 = arith.constant 0 : i32
    %dma_wait3A_609 = arith.constant 0 : i32
    %dma_wait3A_610 = tpu.memref_slice %arg8[%dma_wait3A_607, %dma_wait3A_608, %dma_wait3A_609] : memref<2x256x128xf32, #tpu.memory_space<vmem>> -> memref<1x256x128xf32, #tpu.memory_space<vmem>>
    %dma_wait3A_611 = tpu.memref_squeeze %dma_wait3A_610 : memref<1x256x128xf32, #tpu.memory_space<vmem>> -> memref<256x128xf32, #tpu.memory_space<vmem>>
    %dma_wait3A_612 = arith.constant 0 : i32
    %dma_wait3A_613 = tpu.memref_slice %arg7[%dma_wait3A_606, %dma_wait3A_612] : memref<2x256xi32, #tpu.memory_space<vmem>> -> memref<1x256xi32, #tpu.memory_space<vmem>>
    %dma_wait3A_614 = tpu.memref_squeeze %dma_wait3A_613 : memref<1x256xi32, #tpu.memory_space<vmem>> -> memref<256xi32, #tpu.memory_space<vmem>>
    %dma_wait3A_615 = arith.constant 0 : i32
    %dma_wait3A_616 = arith.constant 0 : i32
    %dma_wait3A_617 = tpu.memref_slice %arg2[%dma_wait3A_615, %dma_wait3A_616] : memref<100000x128xf32, #tpu.memory_space<hbm>> -> memref<100000x128xf32, #tpu.memory_space<hbm>>
    tpu.wait_indirect_dma semaphore(%arg10 : memref<!tpu.dma_semaphore, #tpu.memory_space<semaphore_mem>>) src(%dma_wait3A_617 : memref<100000x128xf32, #tpu.memory_space<hbm>>) dst(%dma_wait3A_611 : memref<256x128xf32, #tpu.memory_space<vmem>>)
    %dma_wait3A_618 = arith.constant 0 : i32
    %dma_wait3A_619 = arith.constant 0 : i32
    %dma_wait3A_620 = arith.constant 0 : i32
    %dma_wait3A_621 = arith.constant 0 : i32
    %dma_wait3A_622 = tpu.memref_slice %arg9[%dma_wait3A_619, %dma_wait3A_620, %dma_wait3A_621] : memref<2x256x1xf32, #tpu.memory_space<vmem>> -> memref<1x256x1xf32, #tpu.memory_space<vmem>>
    %dma_wait3A_623 = tpu.memref_squeeze %dma_wait3A_622 : memref<1x256x1xf32, #tpu.memory_space<vmem>> -> memref<256x1xf32, #tpu.memory_space<vmem>>
    %dma_wait3A_624 = arith.constant 0 : i32
    %dma_wait3A_625 = tpu.memref_slice %arg7[%dma_wait3A_618, %dma_wait3A_624] : memref<2x256xi32, #tpu.memory_space<vmem>> -> memref<1x256xi32, #tpu.memory_space<vmem>>
    %dma_wait3A_626 = tpu.memref_squeeze %dma_wait3A_625 : memref<1x256xi32, #tpu.memory_space<vmem>> -> memref<256xi32, #tpu.memory_space<vmem>>
    %dma_wait3A_627 = arith.constant 0 : i32
    %dma_wait3A_628 = arith.constant 0 : i32
    %dma_wait3A_629 = tpu.memref_slice %arg3[%dma_wait3A_627, %dma_wait3A_628] : memref<100000x1xf32, #tpu.memory_space<hbm>> -> memref<100000x1xf32, #tpu.memory_space<hbm>>
    tpu.wait_indirect_dma semaphore(%arg11 : memref<!tpu.dma_semaphore, #tpu.memory_space<semaphore_mem>>) src(%dma_wait3A_629 : memref<100000x1xf32, #tpu.memory_space<hbm>>) dst(%dma_wait3A_623 : memref<256x1xf32, #tpu.memory_space<vmem>>)
    %run_scoped3A_630 = arith.constant 0 : i32
    "tpu.region"() ({
      %run_scoped3A_715 = tpu.sem_alloc : memref<!tpu.dma_semaphore, #tpu.memory_space<semaphore_mem>>
      %dma_start3A_716 = arith.constant 0 : i32
      %dma_start3A_717 = arith.constant 0 : i32
      %dma_start3A_718 = tpu.memref_slice %arg8[%run_scoped3A_630, %dma_start3A_716, %dma_start3A_717] : memref<2x256x128xf32, #tpu.memory_space<vmem>> -> memref<1x256x128xf32, #tpu.memory_space<vmem>>
      %dma_start3A_719 = tpu.memref_squeeze %dma_start3A_718 : memref<1x256x128xf32, #tpu.memory_space<vmem>> -> memref<256x128xf32, #tpu.memory_space<vmem>>
      %dma_start3A_720 = arith.constant 0 : i32
      %dma_start3A_721 = tpu.memref_slice %arg5[%add3A_605, %dma_start3A_720] : memref<106496x128xf32, #tpu.memory_space<hbm>> -> memref<256x128xf32, #tpu.memory_space<hbm>>
      %dma_start3A_722 = arith.constant 0 : i32
      %dma_start3A_723 = tpu.memref_slice %arg5[%add3A_605, %dma_start3A_722] : memref<106496x128xf32, #tpu.memory_space<hbm>> -> memref<256x128xf32, #tpu.memory_space<hbm>>
      %dma_start3A_724 = arith.constant 0 : i32
      %dma_start3A_725 = arith.constant 0 : i32
      %dma_start3A_726 = tpu.memref_slice %arg8[%run_scoped3A_630, %dma_start3A_724, %dma_start3A_725] : memref<2x256x128xf32, #tpu.memory_space<vmem>> -> memref<1x256x128xf32, #tpu.memory_space<vmem>>
      %dma_start3A_727 = tpu.memref_squeeze %dma_start3A_726 : memref<1x256x128xf32, #tpu.memory_space<vmem>> -> memref<256x128xf32, #tpu.memory_space<vmem>>
      tpu.enqueue_dma source(%dma_start3A_727 : memref<256x128xf32, #tpu.memory_space<vmem>>) target(%dma_start3A_723 : memref<256x128xf32, #tpu.memory_space<hbm>>) target_semaphore(%run_scoped3A_715 : memref<!tpu.dma_semaphore, #tpu.memory_space<semaphore_mem>>)
      %dma_wait3A_728 = arith.constant 0 : i32
      %dma_wait3A_729 = arith.constant 0 : i32
      %dma_wait3A_730 = tpu.memref_slice %arg8[%run_scoped3A_630, %dma_wait3A_728, %dma_wait3A_729] : memref<2x256x128xf32, #tpu.memory_space<vmem>> -> memref<1x256x128xf32, #tpu.memory_space<vmem>>
      %dma_wait3A_731 = tpu.memref_squeeze %dma_wait3A_730 : memref<1x256x128xf32, #tpu.memory_space<vmem>> -> memref<256x128xf32, #tpu.memory_space<vmem>>
      %dma_wait3A_732 = arith.constant 0 : i32
      %dma_wait3A_733 = tpu.memref_slice %arg5[%add3A_605, %dma_wait3A_732] : memref<106496x128xf32, #tpu.memory_space<hbm>> -> memref<256x128xf32, #tpu.memory_space<hbm>>
      %dma_wait3A_734 = arith.constant 0 : i32
      %dma_wait3A_735 = tpu.memref_slice %arg5[%add3A_605, %dma_wait3A_734] : memref<106496x128xf32, #tpu.memory_space<hbm>> -> memref<256x128xf32, #tpu.memory_space<hbm>>
      %dma_wait3A_736 = arith.constant 0 : i32
      %dma_wait3A_737 = arith.constant 0 : i32
      %dma_wait3A_738 = tpu.memref_slice %arg8[%run_scoped3A_630, %dma_wait3A_736, %dma_wait3A_737] : memref<2x256x128xf32, #tpu.memory_space<vmem>> -> memref<1x256x128xf32, #tpu.memory_space<vmem>>
      %dma_wait3A_739 = tpu.memref_squeeze %dma_wait3A_738 : memref<1x256x128xf32, #tpu.memory_space<vmem>> -> memref<256x128xf32, #tpu.memory_space<vmem>>
      tpu.wait_dma2 semaphore(%run_scoped3A_715 : memref<!tpu.dma_semaphore, #tpu.memory_space<semaphore_mem>>) src(%dma_wait3A_739 : memref<256x128xf32, #tpu.memory_space<vmem>>) dst(%dma_wait3A_735 : memref<256x128xf32, #tpu.memory_space<hbm>>)
      tpu.yield
    }) : () -> ()
    %run_scoped3A_631 = arith.constant 0 : i32
    "tpu.region"() ({
      %run_scoped3A_715 = tpu.sem_alloc : memref<!tpu.dma_semaphore, #tpu.memory_space<semaphore_mem>>
      %dma_start3A_716 = arith.constant 0 : i32
      %dma_start3A_717 = arith.constant 0 : i32
      %dma_start3A_718 = tpu.memref_slice %arg9[%run_scoped3A_631, %dma_start3A_716, %dma_start3A_717] : memref<2x256x1xf32, #tpu.memory_space<vmem>> -> memref<1x256x1xf32, #tpu.memory_space<vmem>>
      %dma_start3A_719 = tpu.memref_squeeze %dma_start3A_718 : memref<1x256x1xf32, #tpu.memory_space<vmem>> -> memref<256x1xf32, #tpu.memory_space<vmem>>
      %dma_start3A_720 = arith.constant 0 : i32
      %dma_start3A_721 = tpu.memref_slice %arg6[%add3A_605, %dma_start3A_720] : memref<106496x1xf32, #tpu.memory_space<hbm>> -> memref<256x1xf32, #tpu.memory_space<hbm>>
      %dma_start3A_722 = arith.constant 0 : i32
      %dma_start3A_723 = tpu.memref_slice %arg6[%add3A_605, %dma_start3A_722] : memref<106496x1xf32, #tpu.memory_space<hbm>> -> memref<256x1xf32, #tpu.memory_space<hbm>>
      %dma_start3A_724 = arith.constant 0 : i32
      %dma_start3A_725 = arith.constant 0 : i32
      %dma_start3A_726 = tpu.memref_slice %arg9[%run_scoped3A_631, %dma_start3A_724, %dma_start3A_725] : memref<2x256x1xf32, #tpu.memory_space<vmem>> -> memref<1x256x1xf32, #tpu.memory_space<vmem>>
      %dma_start3A_727 = tpu.memref_squeeze %dma_start3A_726 : memref<1x256x1xf32, #tpu.memory_space<vmem>> -> memref<256x1xf32, #tpu.memory_space<vmem>>
      tpu.enqueue_dma source(%dma_start3A_727 : memref<256x1xf32, #tpu.memory_space<vmem>>) target(%dma_start3A_723 : memref<256x1xf32, #tpu.memory_space<hbm>>) target_semaphore(%run_scoped3A_715 : memref<!tpu.dma_semaphore, #tpu.memory_space<semaphore_mem>>)
      %dma_wait3A_728 = arith.constant 0 : i32
      %dma_wait3A_729 = arith.constant 0 : i32
      %dma_wait3A_730 = tpu.memref_slice %arg9[%run_scoped3A_631, %dma_wait3A_728, %dma_wait3A_729] : memref<2x256x1xf32, #tpu.memory_space<vmem>> -> memref<1x256x1xf32, #tpu.memory_space<vmem>>
      %dma_wait3A_731 = tpu.memref_squeeze %dma_wait3A_730 : memref<1x256x1xf32, #tpu.memory_space<vmem>> -> memref<256x1xf32, #tpu.memory_space<vmem>>
      %dma_wait3A_732 = arith.constant 0 : i32
      %dma_wait3A_733 = tpu.memref_slice %arg6[%add3A_605, %dma_wait3A_732] : memref<106496x1xf32, #tpu.memory_space<hbm>> -> memref<256x1xf32, #tpu.memory_space<hbm>>
      %dma_wait3A_734 = arith.constant 0 : i32
      %dma_wait3A_735 = tpu.memref_slice %arg6[%add3A_605, %dma_wait3A_734] : memref<106496x1xf32, #tpu.memory_space<hbm>> -> memref<256x1xf32, #tpu.memory_space<hbm>>
      %dma_wait3A_736 = arith.constant 0 : i32
      %dma_wait3A_737 = arith.constant 0 : i32
      %dma_wait3A_738 = tpu.memref_slice %arg9[%run_scoped3A_631, %dma_wait3A_736, %dma_wait3A_737] : memref<2x256x1xf32, #tpu.memory_space<vmem>> -> memref<1x256x1xf32, #tpu.memory_space<vmem>>
      %dma_wait3A_739 = tpu.memref_squeeze %dma_wait3A_738 : memref<1x256x1xf32, #tpu.memory_space<vmem>> -> memref<256x1xf32, #tpu.memory_space<vmem>>
      tpu.wait_dma2 semaphore(%run_scoped3A_715 : memref<!tpu.dma_semaphore, #tpu.memory_space<semaphore_mem>>) src(%dma_wait3A_739 : memref<256x1xf32, #tpu.memory_space<vmem>>) dst(%dma_wait3A_735 : memref<256x1xf32, #tpu.memory_space<hbm>>)
      tpu.yield
    }) : () -> ()
    %add3A_632 = arith.constant 3072 : i32
    %add3A_633 = arith.addi %mul3A_2, %add3A_632 : i32
    %run_scoped3A_634 = arith.constant 0 : i32
    "tpu.region"() ({
      %run_scoped3A_715 = tpu.sem_alloc : memref<!tpu.dma_semaphore, #tpu.memory_space<semaphore_mem>>
      %dma_start3A_716 = arith.constant 0 : i32
      %dma_start3A_717 = tpu.memref_slice %arg7[%run_scoped3A_634, %dma_start3A_716] : memref<2x256xi32, #tpu.memory_space<vmem>> -> memref<1x256xi32, #tpu.memory_space<vmem>>
      %dma_start3A_718 = tpu.memref_squeeze %dma_start3A_717 : memref<1x256xi32, #tpu.memory_space<vmem>> -> memref<256xi32, #tpu.memory_space<vmem>>
      %dma_start3A_719 = tpu.memref_slice %arg4[%add3A_633] : memref<106496xi32, #tpu.memory_space<hbm>> -> memref<256xi32, #tpu.memory_space<hbm>>
      %dma_start3A_720 = arith.constant 0 : i32
      %dma_start3A_721 = tpu.memref_slice %arg7[%run_scoped3A_634, %dma_start3A_720] : memref<2x256xi32, #tpu.memory_space<vmem>> -> memref<1x256xi32, #tpu.memory_space<vmem>>
      %dma_start3A_722 = tpu.memref_squeeze %dma_start3A_721 : memref<1x256xi32, #tpu.memory_space<vmem>> -> memref<256xi32, #tpu.memory_space<vmem>>
      %dma_start3A_723 = tpu.memref_slice %arg4[%add3A_633] : memref<106496xi32, #tpu.memory_space<hbm>> -> memref<256xi32, #tpu.memory_space<hbm>>
      tpu.enqueue_dma source(%dma_start3A_723 : memref<256xi32, #tpu.memory_space<hbm>>) target(%dma_start3A_722 : memref<256xi32, #tpu.memory_space<vmem>>) target_semaphore(%run_scoped3A_715 : memref<!tpu.dma_semaphore, #tpu.memory_space<semaphore_mem>>)
      %dma_wait3A_724 = arith.constant 0 : i32
      %dma_wait3A_725 = tpu.memref_slice %arg7[%run_scoped3A_634, %dma_wait3A_724] : memref<2x256xi32, #tpu.memory_space<vmem>> -> memref<1x256xi32, #tpu.memory_space<vmem>>
      %dma_wait3A_726 = tpu.memref_squeeze %dma_wait3A_725 : memref<1x256xi32, #tpu.memory_space<vmem>> -> memref<256xi32, #tpu.memory_space<vmem>>
      %dma_wait3A_727 = tpu.memref_slice %arg4[%add3A_633] : memref<106496xi32, #tpu.memory_space<hbm>> -> memref<256xi32, #tpu.memory_space<hbm>>
      %dma_wait3A_728 = arith.constant 0 : i32
      %dma_wait3A_729 = tpu.memref_slice %arg7[%run_scoped3A_634, %dma_wait3A_728] : memref<2x256xi32, #tpu.memory_space<vmem>> -> memref<1x256xi32, #tpu.memory_space<vmem>>
      %dma_wait3A_730 = tpu.memref_squeeze %dma_wait3A_729 : memref<1x256xi32, #tpu.memory_space<vmem>> -> memref<256xi32, #tpu.memory_space<vmem>>
      %dma_wait3A_731 = tpu.memref_slice %arg4[%add3A_633] : memref<106496xi32, #tpu.memory_space<hbm>> -> memref<256xi32, #tpu.memory_space<hbm>>
      tpu.wait_dma2 semaphore(%run_scoped3A_715 : memref<!tpu.dma_semaphore, #tpu.memory_space<semaphore_mem>>) src(%dma_wait3A_731 : memref<256xi32, #tpu.memory_space<hbm>>) dst(%dma_wait3A_730 : memref<256xi32, #tpu.memory_space<vmem>>)
      tpu.yield
    }) : () -> ()
    %dma_start3A_635 = arith.constant 0 : i32
    %dma_start3A_636 = arith.constant 0 : i32
    %dma_start3A_637 = arith.constant 0 : i32
    %dma_start3A_638 = arith.constant 0 : i32
    %dma_start3A_639 = tpu.memref_slice %arg8[%dma_start3A_636, %dma_start3A_637, %dma_start3A_638] : memref<2x256x128xf32, #tpu.memory_space<vmem>> -> memref<1x256x128xf32, #tpu.memory_space<vmem>>
    %dma_start3A_640 = tpu.memref_squeeze %dma_start3A_639 : memref<1x256x128xf32, #tpu.memory_space<vmem>> -> memref<256x128xf32, #tpu.memory_space<vmem>>
    %dma_start3A_641 = arith.constant 0 : i32
    %dma_start3A_642 = tpu.memref_slice %arg7[%dma_start3A_635, %dma_start3A_641] : memref<2x256xi32, #tpu.memory_space<vmem>> -> memref<1x256xi32, #tpu.memory_space<vmem>>
    %dma_start3A_643 = tpu.memref_squeeze %dma_start3A_642 : memref<1x256xi32, #tpu.memory_space<vmem>> -> memref<256xi32, #tpu.memory_space<vmem>>
    %dma_start3A_644 = arith.constant 0 : i32
    %dma_start3A_645 = arith.constant 0 : i32
    %dma_start3A_646 = tpu.memref_slice %arg2[%dma_start3A_644, %dma_start3A_645] : memref<100000x128xf32, #tpu.memory_space<hbm>> -> memref<100000x128xf32, #tpu.memory_space<hbm>>
    tpu.enqueue_indirect_dma source(%dma_start3A_646 : memref<100000x128xf32, #tpu.memory_space<hbm>>) target(%dma_start3A_640 : memref<256x128xf32, #tpu.memory_space<vmem>>) offsets(%dma_start3A_643 : memref<256xi32, #tpu.memory_space<vmem>>) semaphore(%arg10 : memref<!tpu.dma_semaphore, #tpu.memory_space<semaphore_mem>>)
    %dma_start3A_647 = arith.constant 0 : i32
    %dma_start3A_648 = arith.constant 0 : i32
    %dma_start3A_649 = arith.constant 0 : i32
    %dma_start3A_650 = arith.constant 0 : i32
    %dma_start3A_651 = tpu.memref_slice %arg9[%dma_start3A_648, %dma_start3A_649, %dma_start3A_650] : memref<2x256x1xf32, #tpu.memory_space<vmem>> -> memref<1x256x1xf32, #tpu.memory_space<vmem>>
    %dma_start3A_652 = tpu.memref_squeeze %dma_start3A_651 : memref<1x256x1xf32, #tpu.memory_space<vmem>> -> memref<256x1xf32, #tpu.memory_space<vmem>>
    %dma_start3A_653 = arith.constant 0 : i32
    %dma_start3A_654 = tpu.memref_slice %arg7[%dma_start3A_647, %dma_start3A_653] : memref<2x256xi32, #tpu.memory_space<vmem>> -> memref<1x256xi32, #tpu.memory_space<vmem>>
    %dma_start3A_655 = tpu.memref_squeeze %dma_start3A_654 : memref<1x256xi32, #tpu.memory_space<vmem>> -> memref<256xi32, #tpu.memory_space<vmem>>
    %dma_start3A_656 = arith.constant 0 : i32
    %dma_start3A_657 = arith.constant 0 : i32
    %dma_start3A_658 = tpu.memref_slice %arg3[%dma_start3A_656, %dma_start3A_657] : memref<100000x1xf32, #tpu.memory_space<hbm>> -> memref<100000x1xf32, #tpu.memory_space<hbm>>
    tpu.enqueue_indirect_dma source(%dma_start3A_658 : memref<100000x1xf32, #tpu.memory_space<hbm>>) target(%dma_start3A_652 : memref<256x1xf32, #tpu.memory_space<vmem>>) offsets(%dma_start3A_655 : memref<256xi32, #tpu.memory_space<vmem>>) semaphore(%arg11 : memref<!tpu.dma_semaphore, #tpu.memory_space<semaphore_mem>>)
    %add3A_659 = arith.constant 2816 : i32
    %add3A_660 = arith.addi %mul3A_2, %add3A_659 : i32
    %dma_wait3A_661 = arith.constant 1 : i32
    %dma_wait3A_662 = arith.constant 1 : i32
    %dma_wait3A_663 = arith.constant 0 : i32
    %dma_wait3A_664 = arith.constant 0 : i32
    %dma_wait3A_665 = tpu.memref_slice %arg8[%dma_wait3A_662, %dma_wait3A_663, %dma_wait3A_664] : memref<2x256x128xf32, #tpu.memory_space<vmem>> -> memref<1x256x128xf32, #tpu.memory_space<vmem>>
    %dma_wait3A_666 = tpu.memref_squeeze %dma_wait3A_665 : memref<1x256x128xf32, #tpu.memory_space<vmem>> -> memref<256x128xf32, #tpu.memory_space<vmem>>
    %dma_wait3A_667 = arith.constant 0 : i32
    %dma_wait3A_668 = tpu.memref_slice %arg7[%dma_wait3A_661, %dma_wait3A_667] : memref<2x256xi32, #tpu.memory_space<vmem>> -> memref<1x256xi32, #tpu.memory_space<vmem>>
    %dma_wait3A_669 = tpu.memref_squeeze %dma_wait3A_668 : memref<1x256xi32, #tpu.memory_space<vmem>> -> memref<256xi32, #tpu.memory_space<vmem>>
    %dma_wait3A_670 = arith.constant 0 : i32
    %dma_wait3A_671 = arith.constant 0 : i32
    %dma_wait3A_672 = tpu.memref_slice %arg2[%dma_wait3A_670, %dma_wait3A_671] : memref<100000x128xf32, #tpu.memory_space<hbm>> -> memref<100000x128xf32, #tpu.memory_space<hbm>>
    tpu.wait_indirect_dma semaphore(%arg10 : memref<!tpu.dma_semaphore, #tpu.memory_space<semaphore_mem>>) src(%dma_wait3A_672 : memref<100000x128xf32, #tpu.memory_space<hbm>>) dst(%dma_wait3A_666 : memref<256x128xf32, #tpu.memory_space<vmem>>)
    %dma_wait3A_673 = arith.constant 1 : i32
    %dma_wait3A_674 = arith.constant 1 : i32
    %dma_wait3A_675 = arith.constant 0 : i32
    %dma_wait3A_676 = arith.constant 0 : i32
    %dma_wait3A_677 = tpu.memref_slice %arg9[%dma_wait3A_674, %dma_wait3A_675, %dma_wait3A_676] : memref<2x256x1xf32, #tpu.memory_space<vmem>> -> memref<1x256x1xf32, #tpu.memory_space<vmem>>
    %dma_wait3A_678 = tpu.memref_squeeze %dma_wait3A_677 : memref<1x256x1xf32, #tpu.memory_space<vmem>> -> memref<256x1xf32, #tpu.memory_space<vmem>>
    %dma_wait3A_679 = arith.constant 0 : i32
    %dma_wait3A_680 = tpu.memref_slice %arg7[%dma_wait3A_673, %dma_wait3A_679] : memref<2x256xi32, #tpu.memory_space<vmem>> -> memref<1x256xi32, #tpu.memory_space<vmem>>
    %dma_wait3A_681 = tpu.memref_squeeze %dma_wait3A_680 : memref<1x256xi32, #tpu.memory_space<vmem>> -> memref<256xi32, #tpu.memory_space<vmem>>
    %dma_wait3A_682 = arith.constant 0 : i32
    %dma_wait3A_683 = arith.constant 0 : i32
    %dma_wait3A_684 = tpu.memref_slice %arg3[%dma_wait3A_682, %dma_wait3A_683] : memref<100000x1xf32, #tpu.memory_space<hbm>> -> memref<100000x1xf32, #tpu.memory_space<hbm>>
    tpu.wait_indirect_dma semaphore(%arg11 : memref<!tpu.dma_semaphore, #tpu.memory_space<semaphore_mem>>) src(%dma_wait3A_684 : memref<100000x1xf32, #tpu.memory_space<hbm>>) dst(%dma_wait3A_678 : memref<256x1xf32, #tpu.memory_space<vmem>>)
    %run_scoped3A_685 = arith.constant 1 : i32
    "tpu.region"() ({
      %run_scoped3A_715 = tpu.sem_alloc : memref<!tpu.dma_semaphore, #tpu.memory_space<semaphore_mem>>
      %dma_start3A_716 = arith.constant 0 : i32
      %dma_start3A_717 = arith.constant 0 : i32
      %dma_start3A_718 = tpu.memref_slice %arg8[%run_scoped3A_685, %dma_start3A_716, %dma_start3A_717] : memref<2x256x128xf32, #tpu.memory_space<vmem>> -> memref<1x256x128xf32, #tpu.memory_space<vmem>>
      %dma_start3A_719 = tpu.memref_squeeze %dma_start3A_718 : memref<1x256x128xf32, #tpu.memory_space<vmem>> -> memref<256x128xf32, #tpu.memory_space<vmem>>
      %dma_start3A_720 = arith.constant 0 : i32
      %dma_start3A_721 = tpu.memref_slice %arg5[%add3A_660, %dma_start3A_720] : memref<106496x128xf32, #tpu.memory_space<hbm>> -> memref<256x128xf32, #tpu.memory_space<hbm>>
      %dma_start3A_722 = arith.constant 0 : i32
      %dma_start3A_723 = tpu.memref_slice %arg5[%add3A_660, %dma_start3A_722] : memref<106496x128xf32, #tpu.memory_space<hbm>> -> memref<256x128xf32, #tpu.memory_space<hbm>>
      %dma_start3A_724 = arith.constant 0 : i32
      %dma_start3A_725 = arith.constant 0 : i32
      %dma_start3A_726 = tpu.memref_slice %arg8[%run_scoped3A_685, %dma_start3A_724, %dma_start3A_725] : memref<2x256x128xf32, #tpu.memory_space<vmem>> -> memref<1x256x128xf32, #tpu.memory_space<vmem>>
      %dma_start3A_727 = tpu.memref_squeeze %dma_start3A_726 : memref<1x256x128xf32, #tpu.memory_space<vmem>> -> memref<256x128xf32, #tpu.memory_space<vmem>>
      tpu.enqueue_dma source(%dma_start3A_727 : memref<256x128xf32, #tpu.memory_space<vmem>>) target(%dma_start3A_723 : memref<256x128xf32, #tpu.memory_space<hbm>>) target_semaphore(%run_scoped3A_715 : memref<!tpu.dma_semaphore, #tpu.memory_space<semaphore_mem>>)
      %dma_wait3A_728 = arith.constant 0 : i32
      %dma_wait3A_729 = arith.constant 0 : i32
      %dma_wait3A_730 = tpu.memref_slice %arg8[%run_scoped3A_685, %dma_wait3A_728, %dma_wait3A_729] : memref<2x256x128xf32, #tpu.memory_space<vmem>> -> memref<1x256x128xf32, #tpu.memory_space<vmem>>
      %dma_wait3A_731 = tpu.memref_squeeze %dma_wait3A_730 : memref<1x256x128xf32, #tpu.memory_space<vmem>> -> memref<256x128xf32, #tpu.memory_space<vmem>>
      %dma_wait3A_732 = arith.constant 0 : i32
      %dma_wait3A_733 = tpu.memref_slice %arg5[%add3A_660, %dma_wait3A_732] : memref<106496x128xf32, #tpu.memory_space<hbm>> -> memref<256x128xf32, #tpu.memory_space<hbm>>
      %dma_wait3A_734 = arith.constant 0 : i32
      %dma_wait3A_735 = tpu.memref_slice %arg5[%add3A_660, %dma_wait3A_734] : memref<106496x128xf32, #tpu.memory_space<hbm>> -> memref<256x128xf32, #tpu.memory_space<hbm>>
      %dma_wait3A_736 = arith.constant 0 : i32
      %dma_wait3A_737 = arith.constant 0 : i32
      %dma_wait3A_738 = tpu.memref_slice %arg8[%run_scoped3A_685, %dma_wait3A_736, %dma_wait3A_737] : memref<2x256x128xf32, #tpu.memory_space<vmem>> -> memref<1x256x128xf32, #tpu.memory_space<vmem>>
      %dma_wait3A_739 = tpu.memref_squeeze %dma_wait3A_738 : memref<1x256x128xf32, #tpu.memory_space<vmem>> -> memref<256x128xf32, #tpu.memory_space<vmem>>
      tpu.wait_dma2 semaphore(%run_scoped3A_715 : memref<!tpu.dma_semaphore, #tpu.memory_space<semaphore_mem>>) src(%dma_wait3A_739 : memref<256x128xf32, #tpu.memory_space<vmem>>) dst(%dma_wait3A_735 : memref<256x128xf32, #tpu.memory_space<hbm>>)
      tpu.yield
    }) : () -> ()
    %run_scoped3A_686 = arith.constant 1 : i32
    "tpu.region"() ({
      %run_scoped3A_715 = tpu.sem_alloc : memref<!tpu.dma_semaphore, #tpu.memory_space<semaphore_mem>>
      %dma_start3A_716 = arith.constant 0 : i32
      %dma_start3A_717 = arith.constant 0 : i32
      %dma_start3A_718 = tpu.memref_slice %arg9[%run_scoped3A_686, %dma_start3A_716, %dma_start3A_717] : memref<2x256x1xf32, #tpu.memory_space<vmem>> -> memref<1x256x1xf32, #tpu.memory_space<vmem>>
      %dma_start3A_719 = tpu.memref_squeeze %dma_start3A_718 : memref<1x256x1xf32, #tpu.memory_space<vmem>> -> memref<256x1xf32, #tpu.memory_space<vmem>>
      %dma_start3A_720 = arith.constant 0 : i32
      %dma_start3A_721 = tpu.memref_slice %arg6[%add3A_660, %dma_start3A_720] : memref<106496x1xf32, #tpu.memory_space<hbm>> -> memref<256x1xf32, #tpu.memory_space<hbm>>
      %dma_start3A_722 = arith.constant 0 : i32
      %dma_start3A_723 = tpu.memref_slice %arg6[%add3A_660, %dma_start3A_722] : memref<106496x1xf32, #tpu.memory_space<hbm>> -> memref<256x1xf32, #tpu.memory_space<hbm>>
      %dma_start3A_724 = arith.constant 0 : i32
      %dma_start3A_725 = arith.constant 0 : i32
      %dma_start3A_726 = tpu.memref_slice %arg9[%run_scoped3A_686, %dma_start3A_724, %dma_start3A_725] : memref<2x256x1xf32, #tpu.memory_space<vmem>> -> memref<1x256x1xf32, #tpu.memory_space<vmem>>
      %dma_start3A_727 = tpu.memref_squeeze %dma_start3A_726 : memref<1x256x1xf32, #tpu.memory_space<vmem>> -> memref<256x1xf32, #tpu.memory_space<vmem>>
      tpu.enqueue_dma source(%dma_start3A_727 : memref<256x1xf32, #tpu.memory_space<vmem>>) target(%dma_start3A_723 : memref<256x1xf32, #tpu.memory_space<hbm>>) target_semaphore(%run_scoped3A_715 : memref<!tpu.dma_semaphore, #tpu.memory_space<semaphore_mem>>)
      %dma_wait3A_728 = arith.constant 0 : i32
      %dma_wait3A_729 = arith.constant 0 : i32
      %dma_wait3A_730 = tpu.memref_slice %arg9[%run_scoped3A_686, %dma_wait3A_728, %dma_wait3A_729] : memref<2x256x1xf32, #tpu.memory_space<vmem>> -> memref<1x256x1xf32, #tpu.memory_space<vmem>>
      %dma_wait3A_731 = tpu.memref_squeeze %dma_wait3A_730 : memref<1x256x1xf32, #tpu.memory_space<vmem>> -> memref<256x1xf32, #tpu.memory_space<vmem>>
      %dma_wait3A_732 = arith.constant 0 : i32
      %dma_wait3A_733 = tpu.memref_slice %arg6[%add3A_660, %dma_wait3A_732] : memref<106496x1xf32, #tpu.memory_space<hbm>> -> memref<256x1xf32, #tpu.memory_space<hbm>>
      %dma_wait3A_734 = arith.constant 0 : i32
      %dma_wait3A_735 = tpu.memref_slice %arg6[%add3A_660, %dma_wait3A_734] : memref<106496x1xf32, #tpu.memory_space<hbm>> -> memref<256x1xf32, #tpu.memory_space<hbm>>
      %dma_wait3A_736 = arith.constant 0 : i32
      %dma_wait3A_737 = arith.constant 0 : i32
      %dma_wait3A_738 = tpu.memref_slice %arg9[%run_scoped3A_686, %dma_wait3A_736, %dma_wait3A_737] : memref<2x256x1xf32, #tpu.memory_space<vmem>> -> memref<1x256x1xf32, #tpu.memory_space<vmem>>
      %dma_wait3A_739 = tpu.memref_squeeze %dma_wait3A_738 : memref<1x256x1xf32, #tpu.memory_space<vmem>> -> memref<256x1xf32, #tpu.memory_space<vmem>>
      tpu.wait_dma2 semaphore(%run_scoped3A_715 : memref<!tpu.dma_semaphore, #tpu.memory_space<semaphore_mem>>) src(%dma_wait3A_739 : memref<256x1xf32, #tpu.memory_space<vmem>>) dst(%dma_wait3A_735 : memref<256x1xf32, #tpu.memory_space<hbm>>)
      tpu.yield
    }) : () -> ()
    %add3A_687 = arith.constant 3072 : i32
    %add3A_688 = arith.addi %mul3A_2, %add3A_687 : i32
    %dma_wait3A_689 = arith.constant 0 : i32
    %dma_wait3A_690 = arith.constant 0 : i32
    %dma_wait3A_691 = arith.constant 0 : i32
    %dma_wait3A_692 = arith.constant 0 : i32
    %dma_wait3A_693 = tpu.memref_slice %arg8[%dma_wait3A_690, %dma_wait3A_691, %dma_wait3A_692] : memref<2x256x128xf32, #tpu.memory_space<vmem>> -> memref<1x256x128xf32, #tpu.memory_space<vmem>>
    %dma_wait3A_694 = tpu.memref_squeeze %dma_wait3A_693 : memref<1x256x128xf32, #tpu.memory_space<vmem>> -> memref<256x128xf32, #tpu.memory_space<vmem>>
    %dma_wait3A_695 = arith.constant 0 : i32
    %dma_wait3A_696 = tpu.memref_slice %arg7[%dma_wait3A_689, %dma_wait3A_695] : memref<2x256xi32, #tpu.memory_space<vmem>> -> memref<1x256xi32, #tpu.memory_space<vmem>>
    %dma_wait3A_697 = tpu.memref_squeeze %dma_wait3A_696 : memref<1x256xi32, #tpu.memory_space<vmem>> -> memref<256xi32, #tpu.memory_space<vmem>>
    %dma_wait3A_698 = arith.constant 0 : i32
    %dma_wait3A_699 = arith.constant 0 : i32
    %dma_wait3A_700 = tpu.memref_slice %arg2[%dma_wait3A_698, %dma_wait3A_699] : memref<100000x128xf32, #tpu.memory_space<hbm>> -> memref<100000x128xf32, #tpu.memory_space<hbm>>
    tpu.wait_indirect_dma semaphore(%arg10 : memref<!tpu.dma_semaphore, #tpu.memory_space<semaphore_mem>>) src(%dma_wait3A_700 : memref<100000x128xf32, #tpu.memory_space<hbm>>) dst(%dma_wait3A_694 : memref<256x128xf32, #tpu.memory_space<vmem>>)
    %dma_wait3A_701 = arith.constant 0 : i32
    %dma_wait3A_702 = arith.constant 0 : i32
    %dma_wait3A_703 = arith.constant 0 : i32
    %dma_wait3A_704 = arith.constant 0 : i32
    %dma_wait3A_705 = tpu.memref_slice %arg9[%dma_wait3A_702, %dma_wait3A_703, %dma_wait3A_704] : memref<2x256x1xf32, #tpu.memory_space<vmem>> -> memref<1x256x1xf32, #tpu.memory_space<vmem>>
    %dma_wait3A_706 = tpu.memref_squeeze %dma_wait3A_705 : memref<1x256x1xf32, #tpu.memory_space<vmem>> -> memref<256x1xf32, #tpu.memory_space<vmem>>
    %dma_wait3A_707 = arith.constant 0 : i32
    %dma_wait3A_708 = tpu.memref_slice %arg7[%dma_wait3A_701, %dma_wait3A_707] : memref<2x256xi32, #tpu.memory_space<vmem>> -> memref<1x256xi32, #tpu.memory_space<vmem>>
    %dma_wait3A_709 = tpu.memref_squeeze %dma_wait3A_708 : memref<1x256xi32, #tpu.memory_space<vmem>> -> memref<256xi32, #tpu.memory_space<vmem>>
    %dma_wait3A_710 = arith.constant 0 : i32
    %dma_wait3A_711 = arith.constant 0 : i32
    %dma_wait3A_712 = tpu.memref_slice %arg3[%dma_wait3A_710, %dma_wait3A_711] : memref<100000x1xf32, #tpu.memory_space<hbm>> -> memref<100000x1xf32, #tpu.memory_space<hbm>>
    tpu.wait_indirect_dma semaphore(%arg11 : memref<!tpu.dma_semaphore, #tpu.memory_space<semaphore_mem>>) src(%dma_wait3A_712 : memref<100000x1xf32, #tpu.memory_space<hbm>>) dst(%dma_wait3A_706 : memref<256x1xf32, #tpu.memory_space<vmem>>)
    %run_scoped3A_713 = arith.constant 0 : i32
    "tpu.region"() ({
      %run_scoped3A_715 = tpu.sem_alloc : memref<!tpu.dma_semaphore, #tpu.memory_space<semaphore_mem>>
      %dma_start3A_716 = arith.constant 0 : i32
      %dma_start3A_717 = arith.constant 0 : i32
      %dma_start3A_718 = tpu.memref_slice %arg8[%run_scoped3A_713, %dma_start3A_716, %dma_start3A_717] : memref<2x256x128xf32, #tpu.memory_space<vmem>> -> memref<1x256x128xf32, #tpu.memory_space<vmem>>
      %dma_start3A_719 = tpu.memref_squeeze %dma_start3A_718 : memref<1x256x128xf32, #tpu.memory_space<vmem>> -> memref<256x128xf32, #tpu.memory_space<vmem>>
      %dma_start3A_720 = arith.constant 0 : i32
      %dma_start3A_721 = tpu.memref_slice %arg5[%add3A_688, %dma_start3A_720] : memref<106496x128xf32, #tpu.memory_space<hbm>> -> memref<256x128xf32, #tpu.memory_space<hbm>>
      %dma_start3A_722 = arith.constant 0 : i32
      %dma_start3A_723 = tpu.memref_slice %arg5[%add3A_688, %dma_start3A_722] : memref<106496x128xf32, #tpu.memory_space<hbm>> -> memref<256x128xf32, #tpu.memory_space<hbm>>
      %dma_start3A_724 = arith.constant 0 : i32
      %dma_start3A_725 = arith.constant 0 : i32
      %dma_start3A_726 = tpu.memref_slice %arg8[%run_scoped3A_713, %dma_start3A_724, %dma_start3A_725] : memref<2x256x128xf32, #tpu.memory_space<vmem>> -> memref<1x256x128xf32, #tpu.memory_space<vmem>>
      %dma_start3A_727 = tpu.memref_squeeze %dma_start3A_726 : memref<1x256x128xf32, #tpu.memory_space<vmem>> -> memref<256x128xf32, #tpu.memory_space<vmem>>
      tpu.enqueue_dma source(%dma_start3A_727 : memref<256x128xf32, #tpu.memory_space<vmem>>) target(%dma_start3A_723 : memref<256x128xf32, #tpu.memory_space<hbm>>) target_semaphore(%run_scoped3A_715 : memref<!tpu.dma_semaphore, #tpu.memory_space<semaphore_mem>>)
      %dma_wait3A_728 = arith.constant 0 : i32
      %dma_wait3A_729 = arith.constant 0 : i32
      %dma_wait3A_730 = tpu.memref_slice %arg8[%run_scoped3A_713, %dma_wait3A_728, %dma_wait3A_729] : memref<2x256x128xf32, #tpu.memory_space<vmem>> -> memref<1x256x128xf32, #tpu.memory_space<vmem>>
      %dma_wait3A_731 = tpu.memref_squeeze %dma_wait3A_730 : memref<1x256x128xf32, #tpu.memory_space<vmem>> -> memref<256x128xf32, #tpu.memory_space<vmem>>
      %dma_wait3A_732 = arith.constant 0 : i32
      %dma_wait3A_733 = tpu.memref_slice %arg5[%add3A_688, %dma_wait3A_732] : memref<106496x128xf32, #tpu.memory_space<hbm>> -> memref<256x128xf32, #tpu.memory_space<hbm>>
      %dma_wait3A_734 = arith.constant 0 : i32
      %dma_wait3A_735 = tpu.memref_slice %arg5[%add3A_688, %dma_wait3A_734] : memref<106496x128xf32, #tpu.memory_space<hbm>> -> memref<256x128xf32, #tpu.memory_space<hbm>>
      %dma_wait3A_736 = arith.constant 0 : i32
      %dma_wait3A_737 = arith.constant 0 : i32
      %dma_wait3A_738 = tpu.memref_slice %arg8[%run_scoped3A_713, %dma_wait3A_736, %dma_wait3A_737] : memref<2x256x128xf32, #tpu.memory_space<vmem>> -> memref<1x256x128xf32, #tpu.memory_space<vmem>>
      %dma_wait3A_739 = tpu.memref_squeeze %dma_wait3A_738 : memref<1x256x128xf32, #tpu.memory_space<vmem>> -> memref<256x128xf32, #tpu.memory_space<vmem>>
      tpu.wait_dma2 semaphore(%run_scoped3A_715 : memref<!tpu.dma_semaphore, #tpu.memory_space<semaphore_mem>>) src(%dma_wait3A_739 : memref<256x128xf32, #tpu.memory_space<vmem>>) dst(%dma_wait3A_735 : memref<256x128xf32, #tpu.memory_space<hbm>>)
      tpu.yield
    }) : () -> ()
    %run_scoped3A_714 = arith.constant 0 : i32
    "tpu.region"() ({
      %run_scoped3A_715 = tpu.sem_alloc : memref<!tpu.dma_semaphore, #tpu.memory_space<semaphore_mem>>
      %dma_start3A_716 = arith.constant 0 : i32
      %dma_start3A_717 = arith.constant 0 : i32
      %dma_start3A_718 = tpu.memref_slice %arg9[%run_scoped3A_714, %dma_start3A_716, %dma_start3A_717] : memref<2x256x1xf32, #tpu.memory_space<vmem>> -> memref<1x256x1xf32, #tpu.memory_space<vmem>>
      %dma_start3A_719 = tpu.memref_squeeze %dma_start3A_718 : memref<1x256x1xf32, #tpu.memory_space<vmem>> -> memref<256x1xf32, #tpu.memory_space<vmem>>
      %dma_start3A_720 = arith.constant 0 : i32
      %dma_start3A_721 = tpu.memref_slice %arg6[%add3A_688, %dma_start3A_720] : memref<106496x1xf32, #tpu.memory_space<hbm>> -> memref<256x1xf32, #tpu.memory_space<hbm>>
      %dma_start3A_722 = arith.constant 0 : i32
      %dma_start3A_723 = tpu.memref_slice %arg6[%add3A_688, %dma_start3A_722] : memref<106496x1xf32, #tpu.memory_space<hbm>> -> memref<256x1xf32, #tpu.memory_space<hbm>>
      %dma_start3A_724 = arith.constant 0 : i32
      %dma_start3A_725 = arith.constant 0 : i32
      %dma_start3A_726 = tpu.memref_slice %arg9[%run_scoped3A_714, %dma_start3A_724, %dma_start3A_725] : memref<2x256x1xf32, #tpu.memory_space<vmem>> -> memref<1x256x1xf32, #tpu.memory_space<vmem>>
      %dma_start3A_727 = tpu.memref_squeeze %dma_start3A_726 : memref<1x256x1xf32, #tpu.memory_space<vmem>> -> memref<256x1xf32, #tpu.memory_space<vmem>>
      tpu.enqueue_dma source(%dma_start3A_727 : memref<256x1xf32, #tpu.memory_space<vmem>>) target(%dma_start3A_723 : memref<256x1xf32, #tpu.memory_space<hbm>>) target_semaphore(%run_scoped3A_715 : memref<!tpu.dma_semaphore, #tpu.memory_space<semaphore_mem>>)
      %dma_wait3A_728 = arith.constant 0 : i32
      %dma_wait3A_729 = arith.constant 0 : i32
      %dma_wait3A_730 = tpu.memref_slice %arg9[%run_scoped3A_714, %dma_wait3A_728, %dma_wait3A_729] : memref<2x256x1xf32, #tpu.memory_space<vmem>> -> memref<1x256x1xf32, #tpu.memory_space<vmem>>
      %dma_wait3A_731 = tpu.memref_squeeze %dma_wait3A_730 : memref<1x256x1xf32, #tpu.memory_space<vmem>> -> memref<256x1xf32, #tpu.memory_space<vmem>>
      %dma_wait3A_732 = arith.constant 0 : i32
      %dma_wait3A_733 = tpu.memref_slice %arg6[%add3A_688, %dma_wait3A_732] : memref<106496x1xf32, #tpu.memory_space<hbm>> -> memref<256x1xf32, #tpu.memory_space<hbm>>
      %dma_wait3A_734 = arith.constant 0 : i32
      %dma_wait3A_735 = tpu.memref_slice %arg6[%add3A_688, %dma_wait3A_734] : memref<106496x1xf32, #tpu.memory_space<hbm>> -> memref<256x1xf32, #tpu.memory_space<hbm>>
      %dma_wait3A_736 = arith.constant 0 : i32
      %dma_wait3A_737 = arith.constant 0 : i32
      %dma_wait3A_738 = tpu.memref_slice %arg9[%run_scoped3A_714, %dma_wait3A_736, %dma_wait3A_737] : memref<2x256x1xf32, #tpu.memory_space<vmem>> -> memref<1x256x1xf32, #tpu.memory_space<vmem>>
      %dma_wait3A_739 = tpu.memref_squeeze %dma_wait3A_738 : memref<1x256x1xf32, #tpu.memory_space<vmem>> -> memref<256x1xf32, #tpu.memory_space<vmem>>
      tpu.wait_dma2 semaphore(%run_scoped3A_715 : memref<!tpu.dma_semaphore, #tpu.memory_space<semaphore_mem>>) src(%dma_wait3A_739 : memref<256x1xf32, #tpu.memory_space<vmem>>) dst(%dma_wait3A_735 : memref<256x1xf32, #tpu.memory_space<hbm>>)
      tpu.yield
    }) : () -> ()
    return
  }
}

</mosaic_0001>

<sc_bundles>
// kernel: kernel.3.cloned.1.call-start
scs
__scs_entry_jumppad:
0x0: {  	(pc) =	sbr.rel $0x88, $3  }
0x1: {  	(tag) =	ssettag $0x0;
	lr =	simm.s32 $0x1  }
0x2: {  	[smem:$0x3F9E] =	sst lr;
	_ =	strace $0xD0000000  }
0x3: {  	_ = 	snop  }
0x4: {  	_ = 	snop  }
0x5: {  	_ = 	snop  }
0x6: {  	_ = 	snop  }
0x7: {  	_ = 	snop  }
__scs_overlays_trampoline_lowered:
0x8: {  	[smem:$0x3FAD] =	sst s0  }
0x9: {  	[smem:$0x3FAE] =	sst s1  }
0xa: {  	[smem:$0x3FAF] =	sst s2  }
0xb: {  	[smem:$0x3FB0] =	sst s3  }
0xc: {  	[smem:$0x3FB1] =	sst s4  }
0xd: {  	[smem:$0x3FB2] =	sst s5  }
0xe: {  	[smem:$0x3FB3] =	sst s6  }
0xf: {  	[smem:$0x3FB4] =	sst s7  }
0x10: {  	[smem:$0x3FB5] =	sst s8  }
0x11: {  	[smem:$0x3FB6] =	sst s9;
	s0 =	simm.s32 @!p0 $0x0  }
0x12: {  	s1 =	sld [smem:$0x3F9C];
	s0 =	simm.s32 @p0 $0x1  }
0x13: {  	[smem:$0x3FB7] =	sst s0;
	s0 =	simm.s32 @!p1 $0x0  }
0x14: {  	s2 =	sld [smem:$0x3F9B];
	s0 =	simm.s32 @p1 $0x1  }
0x15: {  	[smem:$0x3FB8] =	sst s0;
	s0 =	simm.s32 @!p2 $0x0  }
0x16: {  	s3 =	sld [smem:$0x3FDB];
	s0 =	simm.s32 @p2 $0x1  }
0x17: {  	s4 =	simm.s32 $0x1BF5;
	[smem:$0x3FBA] =	sst s0  }
0x18: {  	s0 =	sld [smem:$0x3F9D];
	_ =	swait.ge [sflag:s4], $0x0  }
0x19: {  	s7 =	sld [smem:$0x3F9E]  }
0x1a: {  	s8 =	sadd.s32 $0xFFFFE003, lr  }
0x1b: {  	s9 =	sadd.s32 $0xFFFFFEF7, lr;
	s5 =	simm.s32 $0xFFFFFFFF;
	p2 =	slt.u32 s8, $0xFFFFF086  }
0x1c: {  	p1 =	slt.u32 s9, $0xF7A;
	s5 =	simm.s32 @!p2 $0x0  }
0x1d: {  	s5 =	simm.s32 @p1 $0x1;
	p0 =	seq.s32 s7, s2  }
0x1e: {  	s7 =	smul.u32 @!p0 $0xF7A, s2;
	p2 =	seq.s32 @!p0 s5, $0x0  }
0x1f: {  	s9 =	smul.u32 $0xF7A, s1;
	s8 =	simm.s32 @!p0 $0x1BF5;
	p2 =	por !p2, p0  }
0x20: {  	[sflag:s8] =	ssyncset.s32 @!p0 $0xFFFFF086;
	s6 =	sadd.s32 @!p0 s3, s7;
	s7 =	simm.s32 @!p0 $0x108  }
0x21: {  	s3 =	sadd.s32 s3, s9;
	s6 =	sadd.s32 @!p0 $0x88, s6;
	s7 =	simm.s32 @p2 $0x1082  }
0x22: {  	[simem:s7], [sflag:s8] =	dma.local @!p0 [hbm:s6], $0xF7A  }
0x23: {  	s9 =	sor.u32 $0xD0000000, s2;
	s6 =	simm.s32 $0x108;
	_ =	swait.ge @!p0 [sflag:s8], $0x0  }
0x24: {  	s3 =	sadd.s32 $0x88, s3;
	s6 =	simm.s32 @!p1 $0x1082;
	[sflag:s4] =	ssyncset.s32 $0xFFFFF086  }
0x25: {  	[simem:s6], [sflag:s4] =	dma.local [hbm:s3], $0xF7A  }
0x26: {  	[smem:$0x3F9E] =	sst s1;
	(tag) =	ssettag s2;
	_ =	strace s9  }
0x27: {  	s1 =	sld [smem:$0x3FAE]  }
0x28: {  	s2 =	sld [smem:$0x3FAF]  }
0x29: {  	s4 =	sld [smem:$0x3FB1]  }
0x2a: {  	p0 =	seq.s32 s5, $0x0;
	s5 =	sld [smem:$0x3FB2]  }
0x2b: {  	s6 =	sld [smem:$0x3FB3]  }
0x2c: {  	s7 =	sld [smem:$0x3FB4]  }
0x2d: {  	s3 =	simm.s32 $0x108;
	s8 =	sld [smem:$0x3FB5]  }
0x2e: {  	s3 =	simm.s32 @!p0 $0x1082;
	s9 =	sld [smem:$0x3FB6]  }
0x2f: {  	lr =	sadd.s32 s0, s3;
	s0 =	sld [smem:$0x3FAD]  }
0x30: {  	s3 =	sld [smem:$0x3FB0]  }
0x31: {  	[smem:$0x3FB9] =	sst s10  }
0x32: {  	s10 =	sld [smem:$0x3FB7];
	_ =	sdelay $0x3  }
0x33: {  	p0 =	seq.s32 s10, $0x1;
	s10 =	sld [smem:$0x3FB9];
	_ =	sdelay $0x3  }
0x34: {  	[smem:$0x3FB9] =	sst s10  }
0x35: {  	s10 =	sld [smem:$0x3FB8];
	_ =	sdelay $0x3  }
0x36: {  	p1 =	seq.s32 s10, $0x1;
	s10 =	sld [smem:$0x3FB9];
	_ =	sdelay $0x3  }
0x37: {  	[smem:$0x3FB9] =	sst s10  }
0x38: {  	s10 =	sld [smem:$0x3FBA]  }
0x39: {  	_ = 	snop;
	(pc) =	sbr.ind lr, $3  }
0x3a: {  	_ = 	snop  }
0x3b: {  	_ = 	snop  }
0x3c: {  	p2 =	seq.s32 s10, $0x1;
	s10 =	sld [smem:$0x3FB9]  }
0x3d: {  	_ =	shalt  }
0x3e: {  	_ =	shalt  }
0x3f: {  	_ =	shalt  }
0x40: {  	_ =	shalt  }
0x41: {  	_ =	shalt  }
0x42: {  	_ =	shalt  }
0x43: {  	_ =	shalt  }
0x44: {  	_ =	shalt  }
0x45: {  	_ =	shalt  }
0x46: {  	_ =	shalt  }
0x47: {  	_ =	shalt  }
0x48: {  	_ =	shalt  }
0x49: {  	_ =	shalt  }
0x4a: {  	_ =	shalt  }
0x4b: {  	_ =	shalt  }
0x4c: {  	_ =	shalt  }
0x4d: {  	_ =	shalt  }
0x4e: {  	_ =	shalt  }
0x4f: {  	_ =	shalt  }
0x50: {  	_ =	shalt  }
0x51: {  	_ =	shalt  }
0x52: {  	_ =	shalt  }
0x53: {  	_ =	shalt  }
0x54: {  	_ =	shalt  }
0x55: {  	_ =	shalt  }
0x56: {  	_ =	shalt  }
0x57: {  	_ =	shalt  }
0x58: {  	_ =	shalt  }
0x59: {  	_ =	shalt  }
0x5a: {  	_ =	shalt  }
0x5b: {  	_ =	shalt  }
0x5c: {  	_ =	shalt  }
0x5d: {  	_ =	shalt  }
0x5e: {  	_ =	shalt  }
0x5f: {  	_ =	shalt  }
0x60: {  	_ =	shalt  }
0x61: {  	_ =	shalt  }
0x62: {  	_ =	shalt  }
0x63: {  	_ =	shalt  }
0x64: {  	_ =	shalt  }
0x65: {  	_ =	shalt  }
0x66: {  	_ =	shalt  }
0x67: {  	_ =	shalt  }
0x68: {  	_ =	shalt  }
0x69: {  	_ =	shalt  }
0x6a: {  	_ =	shalt  }
0x6b: {  	_ =	shalt  }
0x6c: {  	_ =	shalt  }
0x6d: {  	_ =	shalt  }
0x6e: {  	_ =	shalt  }
0x6f: {  	_ =	shalt  }
0x70: {  	_ =	shalt  }
0x71: {  	_ =	shalt  }
0x72: {  	_ =	shalt  }
0x73: {  	_ =	shalt  }
0x74: {  	_ =	shalt  }
0x75: {  	_ =	shalt  }
0x76: {  	_ =	shalt  }
0x77: {  	_ =	shalt  }
0x78: {  	_ =	shalt  }
0x79: {  	_ =	shalt  }
0x7a: {  	_ =	shalt  }
0x7b: {  	_ =	shalt  }
0x7c: {  	_ =	shalt  }
0x7d: {  	_ =	shalt  }
0x7e: {  	_ =	shalt  }
0x7f: {  	_ =	shalt  }
0x80: {  	_ =	shalt  }
0x81: {  	_ =	shalt  }
0x82: {  	_ =	shalt  }
0x83: {  	_ =	shalt  }
0x84: {  	_ =	shalt  }
0x85: {  	_ =	shalt  }
0x86: {  	_ =	shalt  }
0x87: {  	_ =	shalt  }
.Lfunc_end0:
.L_simem_size_0:
called_computation_lowered:
.L_overlay_start_0:
0x88: {  	s2 =	sld [smem:$0x3FD9]  }
0x89: {  	s3 =	sld [smem:$0x3FFE];
	_ =	sdelay $0x1  }
0x8a: {  	s1 =	srdreg.scid  }
0x8b: {  	s0 =	sand.u32 $0x1, s1  }
0x8c: {  	s17 =	sshll.u32 s0, $0xA;
	s2 =	sadd.s32 s3, s2  }
0x8d: {  	s2 =	sadd.s32 s2, s17  }
0x8e: {  	[smem:$0x3FC5] =	sst s2  }
0x8f: {  	_ = 	snop  }
0x90: {  	s2 =	sld [smem:$0x3FC7]  }
0x91: {  	s18 =	sld [smem:$0x3FD0];
	(tm) =	ssettm $0x1  }
0x92: {  	s4 =	sld [smem:$0x3FFB];
	_ =	sdelay $0x3  }
0x93: {  	_ =	strace s4  }
0x94: {  	s4 =	sld [smem:$0x3FFC];
	_ =	sdelay $0x3  }
0x95: {  	_ =	strace s4  }
0x96: {  	s4 =	sld [smem:$0x3FFD];
	_ =	sdelay $0x3  }
0x97: {  	_ =	strace s4  }
0x98: {  	_ =	strace $0x8FFFFFFF  }
0x99: {  	s19 =	sld [smem:$0x3FDB];
	_ =	sdelay $0x1  }
0x9a: {  	s5 =	simm.s32 $_scs_section_size  }
0x9b: {  	s6 =	simm.s32 $_size__tile_overlayer_lowered;
	s7 =	simm.s32 $_tile_overlayer_lowered  }
0x9c: {  	s22 =	simm.s32 $0x1BFF;
	s21 =	sshll.u32 s7, $0x1;
	s4 =	sadd.s32 s5, s19  }
0x9d: {  	s8 =	simm.s32 $0x0;
	s20 =	sshll.u32 s6, $0x1;
	s6 =	sadd.s32 s21, s4  }
0x9e: {  	[timem:s8], [sflag:s22] =	dma.local [hbm:s6], s20  }
0x9f: {  	_ =	swait.ge [sflag:s22], s20  }
0xa0: {  	s5 =	ssub.s32 $0x0, s20;
	[sflag:s22] =	ssyncset.done $0x0  }
0xa1: {  	[sflag:s22] =	ssyncadd.s32 s5;
	_ =	sdelay $0x1  }
0xa2: {  	s23 =	simm.s32 $0x1B8B  }
0xa3: {  	_ =	swait.ge [sflag:s23], $0x1  }
0xa4: {  	[sflag:s23] =	ssyncset.done $0x0  }
0xa5: {  	s25 =	simm.s32 $0x1B8E;
	s24 =	sld [smem:$0x3FFE];
	[sflag:s23] =	ssyncadd.s32 $0xFFFFFFFF  }
0xa6: {  	s26 =	simm.s32 $execute0_lowered;
	[smem:$0x3FD2] =	sst s25  }
0xa7: {  	s6 =	sshll.u32 s26, $0x1;
	_ =	strace $0x80000046;
	[dreg:$0x1] =	wrdreg $0xFFFFFFFF  }
0xa8: {  	s28 =	simm.s32 $_size_execute0_lowered;
	s4 =	sadd.s32 s4, s6;
	[dreg:$0x0] =	wrdreg $0x0  }
0xa9: {  	s6 =	sshll.u32 s28, $0x1;
	[dreg:$0x2] =	wrdreg s4  }
0xaa: {  	[dreg:$0x3] =	wrdreg s6  }
0xab: {  	[dreg:$0x4] =	wrdreg $0xC0  }
0xac: {  	_ =	task [dreg:s8], $0x5FFFF  }
0xad: {  	[dreg:$0x1] =	wrdreg $0xFFFFFFFF  }
0xae: {  	[dreg:$0x0] =	wrdreg $0x60  }
0xaf: {  	[dreg:$0x2] =	wrdreg s2  }
0xb0: {  	[dreg:$0x3] =	wrdreg s24  }
0xb1: {  	[dreg:$0x4] =	wrdreg s18  }
0xb2: {  	[dreg:$0x5] =	wrdreg $0x9  }
0xb3: {  	_ =	task.clear_ibuf [dreg:s8], $0x6FFFF;
	_ =	strace $0x90000046  }
0xb4: {  	s29 =	simm.s32 $0x9;
	_ =	strace $0x80000048  }
0xb5: {  	_ =	swait.ge [sflag:s29], $0x1  }
0xb6: {  	[sflag:s29] =	ssyncadd.s32 $0xFFFFFFFF  }
0xb7: {  	_ =	strace $0x90000048  }
0xb8: {  	_ =	sfence  }
0xb9: {  	s30 =	sld [smem:$0x0];
	_ =	sdelay $0x2  }
0xba: {  	s31 =	sshll.u32 s1, $0xD;
	s1 =	sshrl.u32 s1, $0x2  }
0xbb: {  	s3 =	sand.u32 $0x4000, s31;
	s1 =	sadd.s32 s1, s30  }
0xbc: {  	s0 =	sor.u32 s3, s0;
	s1 =	sshll.u32 s1, $0x11  }
0xbd: {  	s0 =	sor.u32 s1, s0  }
0xbe: {  	s0 =	sadd.s32 $0x8F2B, s0  }
0xbf: {  	[sflag:s0] =	ssyncadd.remote.s32 $0x1  }
0xc0: {  	_ =	sfence.sel $0xFFFF  }
0xc1: {  	[dreg:$0x0] =	wrdreg $0xFFFFFFFF;
	(pc) =	sbr.abs _section_cstart, $3  }
0xc2: {  	[dreg:$0x1] =	wrdreg $0xFFFFFFFF  }
0xc3: {  	_ =	task.clear_ibuf [dreg:s8], $0x2FFFF;
	_ =	strace $0x9FFFFFFF  }
0xc4: {  	(tm) =	ssettm $0x7FFFFFFF  }
0xc5: {  	_ =	shalt  }
tec
execute0_lowered:
.L_overlay_start_1:
0x0: {  	(tag) =	ssettag $0x1  }
0x1: {  	s3 =	rddreg [dreg:$0x0]  }
0x2: {  	s1 =	rddreg [dreg:$0x1]  }
0x3: {  	s4 =	srdreg.scid;
	s5 =	stileid.u32  }
0x4: {  	s0 =	rddreg [dreg:$0x2];
	s8 =	sand.u32 $0x1, s4;
	s12 =	sshll.u32 s5, $0x1  }
0x5: {  	s2 =	simm.s32 $0x0;
	p0 =	por $0x0, $0x0;
	s9 =	sor.u32 s8, s12  }
0x6: {  	[smem:$0x7FF] =	sst s2;
	s4 =	sadd.s32 $0x400, s1;
	s7 =	smul.u32 $0xD00, s9  }
0x7: {  	s5 =	sadd.s32 $0x32C00, s1;
	s8 =	ssub.s32 $0x2, s8;
	s9 =	smul.u32 $0xD000, s9  }
0x8: {  	s6 =	sadd.s32 $0x18C00, s1;
	_ =	strace $0x80000047;
	s12 =	sshrl.u32 s8, $0x1  }
0x9: {  	s13 =	sshrl.u32 s7, $0x3;
	s10 =	sadd.s32 $0x100, s7;
	s15 =	sadd.s32 s5, s9  }
0xa: {  	s16 =	sadd.s32 $0x200, s7;
	s17 =	sadd.s32 s6, s7;
	[dreg:$0x6] =	wrdreg s15  }
0xb: {  	s22 =	sadd.s32 $0x300, s7;
	s1 =	sadd.s32 s0, s13;
	[dreg:$0x7] =	wrdreg s17  }
0xc: {  	s11 =	sshrl.u32 s10, $0x3;
	s23 =	sadd.s32 s6, s10;
	[dreg:$0x4] =	wrdreg s1  }
0xd: {  	s18 =	sshrl.u32 s16, $0x3;
	s14 =	sadd.s32 s0, s11;
	[dreg:$0xa] =	wrdreg s23  }
0xe: {  	s20 =	sshll.u32 s10, $0x4;
	s19 =	sadd.s32 s0, s18;
	[dreg:$0x5] =	wrdreg s14  }
0xf: {  	s24 =	sshrl.u32 s22, $0x3;
	s21 =	sadd.s32 s5, s20;
	[dreg:$0x8] =	wrdreg s19  }
0x10: {  	s26 =	sshll.u32 s16, $0x4;
	s25 =	sadd.s32 s0, s24;
	[dreg:$0x9] =	wrdreg s21  }
0x11: {  	s17 =	sshll.u32 s22, $0x4;
	s10 =	sadd.s32 s5, s26;
	[dreg:$0xb] =	wrdreg s25  }
0x12: {  	s13 =	sadd.s32 $0x400, s7;
	s18 =	sadd.s32 s5, s17;
	[dreg:$0xc] =	wrdreg s10  }
0x13: {  	s15 =	sshrl.u32 s13, $0x3;
	s20 =	sadd.s32 s6, s22;
	[dreg:$0xf] =	wrdreg s18  }
0x14: {  	s23 =	sshll.u32 s13, $0x4;
	s13 =	sadd.s32 s6, s13;
	[dreg:$0x10] =	wrdreg s20  }
0x15: {  	s8 =	ssub.s32 s8, s12;
	s12 =	sadd.s32 $0x900, s7;
	[dreg:$0x13] =	wrdreg s13  }
0x16: {  	s14 =	sadd.s32 s6, s16;
	s16 =	sadd.s32 s0, s15;
	s1 =	rddreg [dreg:$0x4]  }
0x17: {  	s19 =	sadd.s32 $0x500, s7;
	s24 =	sadd.s32 s5, s23;
	[dreg:$0xd] =	wrdreg s14  }
0x18: {  	s25 =	sadd.s32 $0x600, s7;
	s18 =	sadd.s32 $0x700, s7;
	[dreg:$0xe] =	wrdreg s16  }
0x19: {  	s13 =	sshrl.u32 s12, $0x3;
	s21 =	sshrl.u32 s19, $0x3;
	[dreg:$0x12] =	wrdreg s24  }
0x1a: {  	s14 =	sshrl.u32 s25, $0x3;
	s16 =	sshll.u32 s19, $0x4;
	s19 =	sadd.s32 s6, s19  }
0x1b: {  	s20 =	sshrl.u32 s18, $0x3;
	s24 =	sadd.s32 $0x800, s7;
	s31 =	sadd.s32 s6, s25  }
0x1c: {  	s11 =	sshll.u32 s18, $0x4;
	s28 =	sadd.s32 s0, s13;
	s13 =	sadd.s32 $0xC00, s7  }
0x1d: {  	s22 =	sadd.s32 s0, s21;
	s15 =	sadd.s32 s0, s14;
	[dreg:$0x16] =	wrdreg s19  }
0x1e: {  	s17 =	sadd.s32 s5, s16;
	s21 =	sadd.s32 s0, s20;
	[dreg:$0x11] =	wrdreg s22  }
0x1f: {  	s26 =	sshrl.u32 s24, $0x3;
	s29 =	sadd.s32 s5, s11;
	[dreg:$0x14] =	wrdreg s15  }
0x20: {  	s14 =	sshll.u32 s24, $0x4;
	s24 =	sadd.s32 s6, s24;
	[dreg:$0x15] =	wrdreg s17  }
0x21: {  	s20 =	sadd.s32 s6, s12;
	s22 =	sshll.u32 s25, $0x4;
	[dreg:$0x17] =	wrdreg s21  }
0x22: {  	s30 =	sadd.s32 s0, s26;
	s26 =	sadd.s32 s6, s18;
	s15 =	sadd.s32 $0xA00, s7  }
0x23: {  	s25 =	sadd.s32 s5, s14;
	s17 =	sshll.u32 s12, $0x4;
	s18 =	sadd.s32 $0xB00, s7  }
0x24: {  	s7 =	sshrl.u32 s13, $0x3;
	s23 =	sadd.s32 s5, s22;
	s16 =	sshrl.u32 s15, $0x3  }
0x25: {  	s22 =	sadd.s32 s5, s17;
	s10 =	sshrl.u32 s18, $0x3;
	s11 =	sshll.u32 s15, $0x4  }
0x26: {  	s14 =	sadd.s32 s0, s7;
	s12 =	sshll.u32 s18, $0x4;
	s9 =	sadd.s32 s6, s18  }
0x27: {  	s17 =	smax.u32 s8, $0x1;
	s18 =	simm.s32 $0x100;
	s8 =	simm.s32 $0x10200  }
0x28: {  	[dreg:$0x18] =	wrdreg s23;
	s23 =	sadd.s32 s0, s16;
	p1 =	sne.s32 s17, $0x1  }
.Ltmp0:
0x29: {  	s21 =	sadd.s32 s0, s10;
	s19 =	sadd.s32 s5, s11;
	(pc) =	sbr.rel @!p1 .LBB2_3-.Ltmp0, $4  }
0x2a: {  	s16 =	sadd.s32 s6, s15;
	s11 =	sadd.s32 s5, s12;
	s15 =	sshll.u32 s13, $0x4  }
0x2b: {  	s6 =	sadd.s32 s6, s13;
	s0 =	sadd.s32 $0xFFFFFFFF, s17;
	s10 =	simm.s32 $0x200  }
0x2c: {  	s17 =	simm.s32 $0x8200;
	s13 =	simm.s32 $0x1;
	s12 =	simm.s32 $0x2  }
0x2d: {  	s7 =	sadd.s32 s5, s15;
	s5 =	simm.s32 $0x3;
	s15 =	simm.s32 $0x10A00  }
0x2e: {  	[tilespmem:s2], [sflag:$0x3] =	stream.linear.gather [hbm4b:s1+s2], $0x100, $0x38;
	[tilespmem:$0x11200] =	vst v63  }
0x2f: {  	_ =	swait.ge [sflag:s5], $0x100  }
0x30: {  	[sflag:s5] =	ssyncset.done $0x0  }
0x31: {  	[sflag:s5] =	ssyncadd.s32 $0xFFFFFF00  }
0x32: {  	[tilespmem:s10], [sflag:$0x1] =	stream.indirect.gather [hbm4b:s3+s18], $0x80, s2, s18, $0xb8;
	[tilespmem:$0x11200] =	vst v63  }
0x33: {  	_ = 	snop  }
0x34: {  	[tilespmem:s8], [sflag:$0x2] =	stream.indirect.gather [hbm4b:s4+s18], $0x1, s2, s18, $0xb8;
	[tilespmem:$0x11200] =	vst v63  }
0x35: {  	s1 =	rddreg [dreg:$0x5]  }
0x36: {  	[tilespmem:s18], [sflag:$0x3] =	stream.linear.gather [hbm4b:s1+s2], $0x100, $0x38;
	[tilespmem:$0x11200] =	vst v63  }
0x37: {  	_ =	swait.ge [sflag:s5], $0x100  }
0x38: {  	[sflag:s5] =	ssyncset.done $0x0  }
0x39: {  	[sflag:s5] =	ssyncadd.s32 $0xFFFFFF00  }
0x3a: {  	[tilespmem:s17], [sflag:$0x1] =	stream.indirect.gather [hbm4b:s3+s18], $0x80, s18, s18, $0xb8;
	[tilespmem:$0x11200] =	vst v63  }
0x3b: {  	_ = 	snop  }
0x3c: {  	[tilespmem:s15], [sflag:$0x2] =	stream.indirect.gather [hbm4b:s4+s18], $0x1, s18, s18, $0xb8;
	[tilespmem:$0x11200] =	vst v63  }
0x3d: {  	_ =	swait.ge [sflag:s13], $0x8000  }
0x3e: {  	[sflag:s13] =	ssyncset.done $0x0  }
0x3f: {  	[sflag:s13] =	ssyncadd.s32 $0xFFFF8000  }
0x40: {  	_ =	swait.ge [sflag:s12], $0x100  }
0x41: {  	[sflag:s12] =	ssyncset.done $0x0  }
0x42: {  	s1 =	rddreg [dreg:$0x6];
	[sflag:s12] =	ssyncadd.s32 $0xFFFFFF00  }
0x43: {  	[hbm4b:s1+s2] =	stream.linear.scatter [tilespmem:s10], [sflag:$0x3], $0x8000, $0x38;
	[tilespmem:$0x11200] =	vst v63  }
0x44: {  	_ =	swait.ge [sflag:s5], $0x8000  }
0x45: {  	[sflag:s5] =	ssyncset.done $0x0  }
0x46: {  	s1 =	rddreg [dreg:$0x7];
	[sflag:s5] =	ssyncadd.s32 $0xFFFF8000  }
0x47: {  	[hbm4b:s1+s2] =	stream.linear.scatter [tilespmem:s8], [sflag:$0x3], $0x800, $0x38;
	[tilespmem:$0x11200] =	vst v63  }
0x48: {  	_ =	swait.ge [sflag:s5], $0x800  }
0x49: {  	[sflag:s5] =	ssyncset.done $0x0  }
0x4a: {  	s1 =	rddreg [dreg:$0x8];
	[sflag:s5] =	ssyncadd.s32 $0xFFFFF800  }
0x4b: {  	[tilespmem:s2], [sflag:$0x3] =	stream.linear.gather [hbm4b:s1+s2], $0x100, $0x38;
	[tilespmem:$0x11200] =	vst v63  }
0x4c: {  	_ =	swait.ge [sflag:s5], $0x100  }
0x4d: {  	[sflag:s5] =	ssyncset.done $0x0  }
0x4e: {  	[sflag:s5] =	ssyncadd.s32 $0xFFFFFF00  }
0x4f: {  	[tilespmem:s10], [sflag:$0x1] =	stream.indirect.gather [hbm4b:s3+s18], $0x80, s2, s18, $0xb8;
	[tilespmem:$0x11200] =	vst v63  }
0x50: {  	_ = 	snop  }
0x51: {  	[tilespmem:s8], [sflag:$0x2] =	stream.indirect.gather [hbm4b:s4+s18], $0x1, s2, s18, $0xb8;
	[tilespmem:$0x11200] =	vst v63  }
0x52: {  	_ =	swait.ge [sflag:s13], $0x8000  }
0x53: {  	[sflag:s13] =	ssyncset.done $0x0  }
0x54: {  	[sflag:s13] =	ssyncadd.s32 $0xFFFF8000  }
0x55: {  	_ =	swait.ge [sflag:s12], $0x100  }
0x56: {  	[sflag:s12] =	ssyncset.done $0x0  }
0x57: {  	s1 =	rddreg [dreg:$0x9];
	[sflag:s12] =	ssyncadd.s32 $0xFFFFFF00  }
0x58: {  	[hbm4b:s1+s2] =	stream.linear.scatter [tilespmem:s17], [sflag:$0x3], $0x8000, $0x38;
	[tilespmem:$0x11200] =	vst v63  }
0x59: {  	_ =	swait.ge [sflag:s5], $0x8000  }
0x5a: {  	[sflag:s5] =	ssyncset.done $0x0  }
0x5b: {  	s1 =	rddreg [dreg:$0xa];
	[sflag:s5] =	ssyncadd.s32 $0xFFFF8000  }
0x5c: {  	[hbm4b:s1+s2] =	stream.linear.scatter [tilespmem:s15], [sflag:$0x3], $0x800, $0x38;
	[tilespmem:$0x11200] =	vst v63  }
0x5d: {  	_ =	swait.ge [sflag:s5], $0x800  }
0x5e: {  	[sflag:s5] =	ssyncset.done $0x0  }
0x5f: {  	s1 =	rddreg [dreg:$0xb];
	[sflag:s5] =	ssyncadd.s32 $0xFFFFF800  }
0x60: {  	[tilespmem:s18], [sflag:$0x3] =	stream.linear.gather [hbm4b:s1+s2], $0x100, $0x38;
	[tilespmem:$0x11200] =	vst v63  }
0x61: {  	_ =	swait.ge [sflag:s5], $0x100  }
0x62: {  	[sflag:s5] =	ssyncset.done $0x0  }
0x63: {  	[sflag:s5] =	ssyncadd.s32 $0xFFFFFF00  }
0x64: {  	[tilespmem:s17], [sflag:$0x1] =	stream.indirect.gather [hbm4b:s3+s18], $0x80, s18, s18, $0xb8;
	[tilespmem:$0x11200] =	vst v63  }
0x65: {  	_ = 	snop  }
0x66: {  	[tilespmem:s15], [sflag:$0x2] =	stream.indirect.gather [hbm4b:s4+s18], $0x1, s18, s18, $0xb8;
	[tilespmem:$0x11200] =	vst v63  }
0x67: {  	_ =	swait.ge [sflag:s13], $0x8000  }
0x68: {  	[sflag:s13] =	ssyncset.done $0x0  }
0x69: {  	[sflag:s13] =	ssyncadd.s32 $0xFFFF8000  }
0x6a: {  	_ =	swait.ge [sflag:s12], $0x100  }
0x6b: {  	[sflag:s12] =	ssyncset.done $0x0  }
0x6c: {  	s1 =	rddreg [dreg:$0xc];
	[sflag:s12] =	ssyncadd.s32 $0xFFFFFF00  }
0x6d: {  	[hbm4b:s1+s2] =	stream.linear.scatter [tilespmem:s10], [sflag:$0x3], $0x8000, $0x38;
	[tilespmem:$0x11200] =	vst v63  }
0x6e: {  	_ =	swait.ge [sflag:s5], $0x8000  }
0x6f: {  	[sflag:s5] =	ssyncset.done $0x0  }
0x70: {  	s1 =	rddreg [dreg:$0xd];
	[sflag:s5] =	ssyncadd.s32 $0xFFFF8000  }
0x71: {  	[hbm4b:s1+s2] =	stream.linear.scatter [tilespmem:s8], [sflag:$0x3], $0x800, $0x38;
	[tilespmem:$0x11200] =	vst v63  }
0x72: {  	_ =	swait.ge [sflag:s5], $0x800  }
0x73: {  	[sflag:s5] =	ssyncset.done $0x0  }
0x74: {  	s1 =	rddreg [dreg:$0xe];
	[sflag:s5] =	ssyncadd.s32 $0xFFFFF800  }
0x75: {  	[tilespmem:s2], [sflag:$0x3] =	stream.linear.gather [hbm4b:s1+s2], $0x100, $0x38;
	[tilespmem:$0x11200] =	vst v63  }
0x76: {  	_ =	swait.ge [sflag:s5], $0x100  }
0x77: {  	[sflag:s5] =	ssyncset.done $0x0  }
0x78: {  	[sflag:s5] =	ssyncadd.s32 $0xFFFFFF00  }
0x79: {  	[tilespmem:s10], [sflag:$0x1] =	stream.indirect.gather [hbm4b:s3+s18], $0x80, s2, s18, $0xb8;
	[tilespmem:$0x11200] =	vst v63  }
0x7a: {  	_ = 	snop  }
0x7b: {  	[tilespmem:s8], [sflag:$0x2] =	stream.indirect.gather [hbm4b:s4+s18], $0x1, s2, s18, $0xb8;
	[tilespmem:$0x11200] =	vst v63  }
0x7c: {  	_ =	swait.ge [sflag:s13], $0x8000  }
0x7d: {  	[sflag:s13] =	ssyncset.done $0x0  }
0x7e: {  	[sflag:s13] =	ssyncadd.s32 $0xFFFF8000  }
0x7f: {  	_ =	swait.ge [sflag:s12], $0x100  }
0x80: {  	[sflag:s12] =	ssyncset.done $0x0  }
0x81: {  	s1 =	rddreg [dreg:$0xf];
	[sflag:s12] =	ssyncadd.s32 $0xFFFFFF00  }
0x82: {  	[hbm4b:s1+s2] =	stream.linear.scatter [tilespmem:s17], [sflag:$0x3], $0x8000, $0x38;
	[tilespmem:$0x11200] =	vst v63  }
0x83: {  	_ =	swait.ge [sflag:s5], $0x8000  }
0x84: {  	[sflag:s5] =	ssyncset.done $0x0  }
0x85: {  	s1 =	rddreg [dreg:$0x10];
	[sflag:s5] =	ssyncadd.s32 $0xFFFF8000  }
0x86: {  	[hbm4b:s1+s2] =	stream.linear.scatter [tilespmem:s15], [sflag:$0x3], $0x800, $0x38;
	[tilespmem:$0x11200] =	vst v63  }
0x87: {  	_ =	swait.ge [sflag:s5], $0x800  }
0x88: {  	[sflag:s5] =	ssyncset.done $0x0  }
0x89: {  	s1 =	rddreg [dreg:$0x11];
	[sflag:s5] =	ssyncadd.s32 $0xFFFFF800  }
0x8a: {  	[tilespmem:s18], [sflag:$0x3] =	stream.linear.gather [hbm4b:s1+s2], $0x100, $0x38;
	[tilespmem:$0x11200] =	vst v63  }
0x8b: {  	_ =	swait.ge [sflag:s5], $0x100  }
0x8c: {  	[sflag:s5] =	ssyncset.done $0x0  }
0x8d: {  	[sflag:s5] =	ssyncadd.s32 $0xFFFFFF00  }
0x8e: {  	[tilespmem:s17], [sflag:$0x1] =	stream.indirect.gather [hbm4b:s3+s18], $0x80, s18, s18, $0xb8;
	[tilespmem:$0x11200] =	vst v63  }
0x8f: {  	_ = 	snop  }
0x90: {  	[tilespmem:s15], [sflag:$0x2] =	stream.indirect.gather [hbm4b:s4+s18], $0x1, s18, s18, $0xb8;
	[tilespmem:$0x11200] =	vst v63  }
0x91: {  	_ =	swait.ge [sflag:s13], $0x8000  }
0x92: {  	[sflag:s13] =	ssyncset.done $0x0  }
0x93: {  	[sflag:s13] =	ssyncadd.s32 $0xFFFF8000  }
0x94: {  	_ =	swait.ge [sflag:s12], $0x100  }
0x95: {  	[sflag:s12] =	ssyncset.done $0x0  }
0x96: {  	s1 =	rddreg [dreg:$0x12];
	[sflag:s12] =	ssyncadd.s32 $0xFFFFFF00  }
0x97: {  	[hbm4b:s1+s2] =	stream.linear.scatter [tilespmem:s10], [sflag:$0x3], $0x8000, $0x38;
	[tilespmem:$0x11200] =	vst v63  }
0x98: {  	_ =	swait.ge [sflag:s5], $0x8000  }
0x99: {  	[sflag:s5] =	ssyncset.done $0x0  }
0x9a: {  	s1 =	rddreg [dreg:$0x13];
	[sflag:s5] =	ssyncadd.s32 $0xFFFF8000  }
0x9b: {  	[hbm4b:s1+s2] =	stream.linear.scatter [tilespmem:s8], [sflag:$0x3], $0x800, $0x38;
	[tilespmem:$0x11200] =	vst v63  }
0x9c: {  	_ =	swait.ge [sflag:s5], $0x800  }
0x9d: {  	[sflag:s5] =	ssyncset.done $0x0  }
0x9e: {  	s1 =	rddreg [dreg:$0x14];
	[sflag:s5] =	ssyncadd.s32 $0xFFFFF800  }
0x9f: {  	[tilespmem:s2], [sflag:$0x3] =	stream.linear.gather [hbm4b:s1+s2], $0x100, $0x38;
	[tilespmem:$0x11200] =	vst v63  }
0xa0: {  	_ =	swait.ge [sflag:s5], $0x100  }
0xa1: {  	[sflag:s5] =	ssyncset.done $0x0  }
0xa2: {  	[sflag:s5] =	ssyncadd.s32 $0xFFFFFF00  }
0xa3: {  	[tilespmem:s10], [sflag:$0x1] =	stream.indirect.gather [hbm4b:s3+s18], $0x80, s2, s18, $0xb8;
	[tilespmem:$0x11200] =	vst v63  }
0xa4: {  	_ = 	snop  }
0xa5: {  	[tilespmem:s8], [sflag:$0x2] =	stream.indirect.gather [hbm4b:s4+s18], $0x1, s2, s18, $0xb8;
	[tilespmem:$0x11200] =	vst v63  }
0xa6: {  	_ =	swait.ge [sflag:s13], $0x8000  }
0xa7: {  	[sflag:s13] =	ssyncset.done $0x0  }
0xa8: {  	[sflag:s13] =	ssyncadd.s32 $0xFFFF8000  }
0xa9: {  	_ =	swait.ge [sflag:s12], $0x100  }
0xaa: {  	[sflag:s12] =	ssyncset.done $0x0  }
0xab: {  	s1 =	rddreg [dreg:$0x15];
	[sflag:s12] =	ssyncadd.s32 $0xFFFFFF00  }
0xac: {  	[hbm4b:s1+s2] =	stream.linear.scatter [tilespmem:s17], [sflag:$0x3], $0x8000, $0x38;
	[tilespmem:$0x11200] =	vst v63  }
0xad: {  	_ =	swait.ge [sflag:s5], $0x8000  }
0xae: {  	[sflag:s5] =	ssyncset.done $0x0  }
0xaf: {  	s1 =	rddreg [dreg:$0x16];
	[sflag:s5] =	ssyncadd.s32 $0xFFFF8000  }
0xb0: {  	[hbm4b:s1+s2] =	stream.linear.scatter [tilespmem:s15], [sflag:$0x3], $0x800, $0x38;
	[tilespmem:$0x11200] =	vst v63  }
0xb1: {  	_ =	swait.ge [sflag:s5], $0x800  }
0xb2: {  	[sflag:s5] =	ssyncset.done $0x0  }
0xb3: {  	s1 =	rddreg [dreg:$0x17];
	[sflag:s5] =	ssyncadd.s32 $0xFFFFF800  }
0xb4: {  	[tilespmem:s18], [sflag:$0x3] =	stream.linear.gather [hbm4b:s1+s2], $0x100, $0x38;
	[tilespmem:$0x11200] =	vst v63  }
0xb5: {  	_ =	swait.ge [sflag:s5], $0x100  }
0xb6: {  	[sflag:s5] =	ssyncset.done $0x0  }
0xb7: {  	[sflag:s5] =	ssyncadd.s32 $0xFFFFFF00  }
0xb8: {  	[tilespmem:s17], [sflag:$0x1] =	stream.indirect.gather [hbm4b:s3+s18], $0x80, s18, s18, $0xb8;
	[tilespmem:$0x11200] =	vst v63  }
0xb9: {  	_ = 	snop  }
0xba: {  	[tilespmem:s15], [sflag:$0x2] =	stream.indirect.gather [hbm4b:s4+s18], $0x1, s18, s18, $0xb8;
	[tilespmem:$0x11200] =	vst v63  }
0xbb: {  	_ =	swait.ge [sflag:s13], $0x8000  }
0xbc: {  	[sflag:s13] =	ssyncset.done $0x0  }
0xbd: {  	[sflag:s13] =	ssyncadd.s32 $0xFFFF8000  }
0xbe: {  	_ =	swait.ge [sflag:s12], $0x100  }
0xbf: {  	[sflag:s12] =	ssyncset.done $0x0  }
0xc0: {  	s1 =	rddreg [dreg:$0x18];
	[sflag:s12] =	ssyncadd.s32 $0xFFFFFF00  }
0xc1: {  	[hbm4b:s1+s2] =	stream.linear.scatter [tilespmem:s10], [sflag:$0x3], $0x8000, $0x38;
	[tilespmem:$0x11200] =	vst v63  }
0xc2: {  	_ =	swait.ge [sflag:s5], $0x8000  }
0xc3: {  	[sflag:s5] =	ssyncset.done $0x0  }
0xc4: {  	[sflag:s5] =	ssyncadd.s32 $0xFFFF8000  }
0xc5: {  	[hbm4b:s31+s2] =	stream.linear.scatter [tilespmem:s8], [sflag:$0x3], $0x800, $0x38;
	[tilespmem:$0x11200] =	vst v63  }
0xc6: {  	_ =	swait.ge [sflag:s5], $0x800  }
0xc7: {  	[sflag:s5] =	ssyncset.done $0x0  }
0xc8: {  	[sflag:s5] =	ssyncadd.s32 $0xFFFFF800  }
0xc9: {  	[tilespmem:s2], [sflag:$0x3] =	stream.linear.gather [hbm4b:s30+s2], $0x100, $0x38;
	[tilespmem:$0x11200] =	vst v63  }
0xca: {  	_ =	swait.ge [sflag:s5], $0x100  }
0xcb: {  	[sflag:s5] =	ssyncset.done $0x0  }
0xcc: {  	[sflag:s5] =	ssyncadd.s32 $0xFFFFFF00  }
0xcd: {  	[tilespmem:s10], [sflag:$0x1] =	stream.indirect.gather [hbm4b:s3+s18], $0x80, s2, s18, $0xb8;
	[tilespmem:$0x11200] =	vst v63  }
0xce: {  	_ = 	snop  }
0xcf: {  	[tilespmem:s8], [sflag:$0x2] =	stream.indirect.gather [hbm4b:s4+s18], $0x1, s2, s18, $0xb8;
	[tilespmem:$0x11200] =	vst v63  }
0xd0: {  	_ =	swait.ge [sflag:s13], $0x8000  }
0xd1: {  	[sflag:s13] =	ssyncset.done $0x0  }
0xd2: {  	[sflag:s13] =	ssyncadd.s32 $0xFFFF8000  }
0xd3: {  	_ =	swait.ge [sflag:s12], $0x100  }
0xd4: {  	[sflag:s12] =	ssyncset.done $0x0  }
0xd5: {  	[sflag:s12] =	ssyncadd.s32 $0xFFFFFF00  }
0xd6: {  	[hbm4b:s29+s2] =	stream.linear.scatter [tilespmem:s17], [sflag:$0x3], $0x8000, $0x38;
	[tilespmem:$0x11200] =	vst v63  }
0xd7: {  	_ =	swait.ge [sflag:s5], $0x8000  }
0xd8: {  	[sflag:s5] =	ssyncset.done $0x0  }
0xd9: {  	[sflag:s5] =	ssyncadd.s32 $0xFFFF8000  }
0xda: {  	[hbm4b:s26+s2] =	stream.linear.scatter [tilespmem:s15], [sflag:$0x3], $0x800, $0x38;
	[tilespmem:$0x11200] =	vst v63  }
0xdb: {  	_ =	swait.ge [sflag:s5], $0x800  }
0xdc: {  	[sflag:s5] =	ssyncset.done $0x0  }
0xdd: {  	[sflag:s5] =	ssyncadd.s32 $0xFFFFF800  }
0xde: {  	[tilespmem:s18], [sflag:$0x3] =	stream.linear.gather [hbm4b:s28+s2], $0x100, $0x38;
	[tilespmem:$0x11200] =	vst v63  }
0xdf: {  	_ =	swait.ge [sflag:s5], $0x100  }
0xe0: {  	[sflag:s5] =	ssyncset.done $0x0  }
0xe1: {  	[sflag:s5] =	ssyncadd.s32 $0xFFFFFF00  }
0xe2: {  	[tilespmem:s17], [sflag:$0x1] =	stream.indirect.gather [hbm4b:s3+s18], $0x80, s18, s18, $0xb8;
	[tilespmem:$0x11200] =	vst v63  }
0xe3: {  	_ = 	snop  }
0xe4: {  	[tilespmem:s15], [sflag:$0x2] =	stream.indirect.gather [hbm4b:s4+s18], $0x1, s18, s18, $0xb8;
	[tilespmem:$0x11200] =	vst v63  }
0xe5: {  	_ =	swait.ge [sflag:s13], $0x8000  }
0xe6: {  	[sflag:s13] =	ssyncset.done $0x0  }
0xe7: {  	[sflag:s13] =	ssyncadd.s32 $0xFFFF8000  }
0xe8: {  	_ =	swait.ge [sflag:s12], $0x100  }
0xe9: {  	[sflag:s12] =	ssyncset.done $0x0  }
0xea: {  	[sflag:s12] =	ssyncadd.s32 $0xFFFFFF00  }
0xeb: {  	[hbm4b:s25+s2] =	stream.linear.scatter [tilespmem:s10], [sflag:$0x3], $0x8000, $0x38;
	[tilespmem:$0x11200] =	vst v63  }
0xec: {  	_ =	swait.ge [sflag:s5], $0x8000  }
0xed: {  	[sflag:s5] =	ssyncset.done $0x0  }
0xee: {  	[sflag:s5] =	ssyncadd.s32 $0xFFFF8000  }
0xef: {  	[hbm4b:s24+s2] =	stream.linear.scatter [tilespmem:s8], [sflag:$0x3], $0x800, $0x38;
	[tilespmem:$0x11200] =	vst v63  }
0xf0: {  	_ =	swait.ge [sflag:s5], $0x800  }
0xf1: {  	[sflag:s5] =	ssyncset.done $0x0  }
0xf2: {  	[sflag:s5] =	ssyncadd.s32 $0xFFFFF800  }
0xf3: {  	[tilespmem:s2], [sflag:$0x3] =	stream.linear.gather [hbm4b:s23+s2], $0x100, $0x38;
	[tilespmem:$0x11200] =	vst v63  }
0xf4: {  	_ =	swait.ge [sflag:s5], $0x100  }
0xf5: {  	[sflag:s5] =	ssyncset.done $0x0  }
0xf6: {  	[sflag:s5] =	ssyncadd.s32 $0xFFFFFF00  }
0xf7: {  	[tilespmem:s10], [sflag:$0x1] =	stream.indirect.gather [hbm4b:s3+s18], $0x80, s2, s18, $0xb8;
	[tilespmem:$0x11200] =	vst v63  }
0xf8: {  	_ = 	snop  }
0xf9: {  	[tilespmem:s8], [sflag:$0x2] =	stream.indirect.gather [hbm4b:s4+s18], $0x1, s2, s18, $0xb8;
	[tilespmem:$0x11200] =	vst v63  }
0xfa: {  	_ =	swait.ge [sflag:s13], $0x8000  }
0xfb: {  	[sflag:s13] =	ssyncset.done $0x0  }
0xfc: {  	[sflag:s13] =	ssyncadd.s32 $0xFFFF8000  }
0xfd: {  	_ =	swait.ge [sflag:s12], $0x100  }
0xfe: {  	[sflag:s12] =	ssyncset.done $0x0  }
0xff: {  	[sflag:s12] =	ssyncadd.s32 $0xFFFFFF00  }
0x100: {  	[hbm4b:s22+s2] =	stream.linear.scatter [tilespmem:s17], [sflag:$0x3], $0x8000, $0x38;
	[tilespmem:$0x11200] =	vst v63  }
0x101: {  	_ =	swait.ge [sflag:s5], $0x8000  }
0x102: {  	[sflag:s5] =	ssyncset.done $0x0  }
0x103: {  	[sflag:s5] =	ssyncadd.s32 $0xFFFF8000  }
0x104: {  	[hbm4b:s20+s2] =	stream.linear.scatter [tilespmem:s15], [sflag:$0x3], $0x800, $0x38;
	[tilespmem:$0x11200] =	vst v63  }
0x105: {  	_ =	swait.ge [sflag:s5], $0x800  }
0x106: {  	[sflag:s5] =	ssyncset.done $0x0  }
0x107: {  	[sflag:s5] =	ssyncadd.s32 $0xFFFFF800  }
0x108: {  	[tilespmem:s18], [sflag:$0x3] =	stream.linear.gather [hbm4b:s21+s2], $0x100, $0x38;
	[tilespmem:$0x11200] =	vst v63  }
0x109: {  	_ =	swait.ge [sflag:s5], $0x100  }
0x10a: {  	[sflag:s5] =	ssyncset.done $0x0  }
0x10b: {  	[sflag:s5] =	ssyncadd.s32 $0xFFFFFF00  }
0x10c: {  	[tilespmem:s17], [sflag:$0x1] =	stream.indirect.gather [hbm4b:s3+s18], $0x80, s18, s18, $0xb8;
	[tilespmem:$0x11200] =	vst v63  }
0x10d: {  	_ = 	snop  }
0x10e: {  	[tilespmem:s15], [sflag:$0x2] =	stream.indirect.gather [hbm4b:s4+s18], $0x1, s18, s18, $0xb8;
	[tilespmem:$0x11200] =	vst v63  }
0x10f: {  	_ =	swait.ge [sflag:s13], $0x8000  }
0x110: {  	[sflag:s13] =	ssyncset.done $0x0  }
0x111: {  	[sflag:s13] =	ssyncadd.s32 $0xFFFF8000  }
0x112: {  	_ =	swait.ge [sflag:s12], $0x100  }
0x113: {  	[sflag:s12] =	ssyncset.done $0x0  }
0x114: {  	[sflag:s12] =	ssyncadd.s32 $0xFFFFFF00  }
0x115: {  	[hbm4b:s19+s2] =	stream.linear.scatter [tilespmem:s10], [sflag:$0x3], $0x8000, $0x38;
	[tilespmem:$0x11200] =	vst v63  }
0x116: {  	_ =	swait.ge [sflag:s5], $0x8000  }
0x117: {  	[sflag:s5] =	ssyncset.done $0x0  }
0x118: {  	[sflag:s5] =	ssyncadd.s32 $0xFFFF8000  }
0x119: {  	[hbm4b:s16+s2] =	stream.linear.scatter [tilespmem:s8], [sflag:$0x3], $0x800, $0x38;
	[tilespmem:$0x11200] =	vst v63  }
0x11a: {  	_ =	swait.ge [sflag:s5], $0x800  }
0x11b: {  	[sflag:s5] =	ssyncset.done $0x0  }
0x11c: {  	[sflag:s5] =	ssyncadd.s32 $0xFFFFF800  }
0x11d: {  	[tilespmem:s2], [sflag:$0x3] =	stream.linear.gather [hbm4b:s14+s2], $0x100, $0x38;
	[tilespmem:$0x11200] =	vst v63  }
0x11e: {  	_ =	swait.ge [sflag:s5], $0x100  }
0x11f: {  	[sflag:s5] =	ssyncset.done $0x0  }
0x120: {  	[sflag:s5] =	ssyncadd.s32 $0xFFFFFF00  }
0x121: {  	[tilespmem:s10], [sflag:$0x1] =	stream.indirect.gather [hbm4b:s3+s18], $0x80, s2, s18, $0xb8;
	[tilespmem:$0x11200] =	vst v63  }
0x122: {  	_ = 	snop  }
0x123: {  	[tilespmem:s8], [sflag:$0x2] =	stream.indirect.gather [hbm4b:s4+s18], $0x1, s2, s18, $0xb8;
	[tilespmem:$0x11200] =	vst v63  }
0x124: {  	_ =	swait.ge [sflag:s13], $0x8000  }
0x125: {  	[sflag:s13] =	ssyncset.done $0x0  }
0x126: {  	[sflag:s13] =	ssyncadd.s32 $0xFFFF8000  }
0x127: {  	_ =	swait.ge [sflag:s12], $0x100  }
0x128: {  	[sflag:s12] =	ssyncset.done $0x0  }
0x129: {  	[sflag:s12] =	ssyncadd.s32 $0xFFFFFF00  }
0x12a: {  	[hbm4b:s11+s2] =	stream.linear.scatter [tilespmem:s17], [sflag:$0x3], $0x8000, $0x38;
	[tilespmem:$0x11200] =	vst v63  }
0x12b: {  	_ =	swait.ge [sflag:s5], $0x8000  }
0x12c: {  	[sflag:s5] =	ssyncset.done $0x0  }
0x12d: {  	[sflag:s5] =	ssyncadd.s32 $0xFFFF8000  }
0x12e: {  	[hbm4b:s9+s2] =	stream.linear.scatter [tilespmem:s15], [sflag:$0x3], $0x800, $0x38;
	[tilespmem:$0x11200] =	vst v63  }
0x12f: {  	_ =	swait.ge [sflag:s5], $0x800  }
0x130: {  	[sflag:s5] =	ssyncset.done $0x0  }
0x131: {  	[sflag:s5] =	ssyncadd.s32 $0xFFFFF800  }
0x132: {  	_ =	swait.ge [sflag:s13], $0x8000  }
0x133: {  	[sflag:s13] =	ssyncset.done $0x0  }
0x134: {  	[sflag:s13] =	ssyncadd.s32 $0xFFFF8000  }
0x135: {  	_ =	swait.ge [sflag:s12], $0x100  }
0x136: {  	[sflag:s12] =	ssyncset.done $0x0  }
0x137: {  	[sflag:s12] =	ssyncadd.s32 $0xFFFFFF00  }
0x138: {  	[hbm4b:s7+s2] =	stream.linear.scatter [tilespmem:s10], [sflag:$0x3], $0x8000, $0x38;
	[tilespmem:$0x11200] =	vst v63  }
0x139: {  	p1 =	sne.s32 s0, $0x1;
	_ =	swait.ge [sflag:s5], $0x8000  }
.Ltmp1:
0x13a: {  	[sflag:s5] =	ssyncset.done $0x0;
	(pc) =	sbr.rel @!p1 .LBB2_3-.Ltmp1, $4  }
0x13b: {  	[sflag:s5] =	ssyncadd.s32 $0xFFFF8000  }
0x13c: {  	[hbm4b:s6+s2] =	stream.linear.scatter [tilespmem:s8], [sflag:$0x3], $0x800, $0x38;
	[tilespmem:$0x11200] =	vst v63  }
0x13d: {  	s0 =	sadd.s32 $0xFFFFFFFF, s0;
	_ =	swait.ge [sflag:s5], $0x800  }
0x13e: {  	p0 =	por $0x1, $0x1;
	s1 =	rddreg [dreg:$0x4];
	[sflag:s5] =	ssyncset.done $0x0  }
.LBB2_2:
0x13f: {  	[sflag:s5] =	ssyncadd.s32 $0xFFFFF800  }
0x140: {  	[tilespmem:s2], [sflag:$0x3] =	stream.linear.gather [hbm4b:s1+s2], $0x100, $0x38;
	[tilespmem:$0x11200] =	vst v63  }
0x141: {  	_ =	swait.ge [sflag:s5], $0x100  }
0x142: {  	[sflag:s5] =	ssyncset.done $0x0  }
0x143: {  	[sflag:s5] =	ssyncadd.s32 $0xFFFFFF00  }
0x144: {  	[tilespmem:s10], [sflag:$0x1] =	stream.indirect.gather [hbm4b:s3+s18], $0x80, s2, s18, $0xb8;
	[tilespmem:$0x11200] =	vst v63  }
0x145: {  	_ = 	snop  }
0x146: {  	[tilespmem:s8], [sflag:$0x2] =	stream.indirect.gather [hbm4b:s4+s18], $0x1, s2, s18, $0xb8;
	[tilespmem:$0x11200] =	vst v63  }
0x147: {  	s1 =	rddreg [dreg:$0x5]  }
0x148: {  	[tilespmem:s18], [sflag:$0x3] =	stream.linear.gather [hbm4b:s1+s2], $0x100, $0x38;
	[tilespmem:$0x11200] =	vst v63  }
0x149: {  	_ =	swait.ge [sflag:s5], $0x100  }
0x14a: {  	[sflag:s5] =	ssyncset.done $0x0  }
0x14b: {  	[sflag:s5] =	ssyncadd.s32 $0xFFFFFF00  }
0x14c: {  	[tilespmem:s17], [sflag:$0x1] =	stream.indirect.gather [hbm4b:s3+s18], $0x80, s18, s18, $0xb8;
	[tilespmem:$0x11200] =	vst v63  }
0x14d: {  	_ = 	snop  }
0x14e: {  	[tilespmem:s15], [sflag:$0x2] =	stream.indirect.gather [hbm4b:s4+s18], $0x1, s18, s18, $0xb8;
	[tilespmem:$0x11200] =	vst v63  }
0x14f: {  	_ =	swait.ge [sflag:s13], $0x8000  }
0x150: {  	[sflag:s13] =	ssyncset.done $0x0  }
0x151: {  	[sflag:s13] =	ssyncadd.s32 $0xFFFF8000  }
0x152: {  	_ =	swait.ge [sflag:s12], $0x100  }
0x153: {  	[sflag:s12] =	ssyncset.done $0x0  }
0x154: {  	s1 =	rddreg [dreg:$0x6];
	[sflag:s12] =	ssyncadd.s32 $0xFFFFFF00  }
0x155: {  	[hbm4b:s1+s2] =	stream.linear.scatter [tilespmem:s10], [sflag:$0x3], $0x8000, $0x38;
	[tilespmem:$0x11200] =	vst v63  }
0x156: {  	_ =	swait.ge [sflag:s5], $0x8000  }
0x157: {  	[sflag:s5] =	ssyncset.done $0x0  }
0x158: {  	s1 =	rddreg [dreg:$0x7];
	[sflag:s5] =	ssyncadd.s32 $0xFFFF8000  }
0x159: {  	[hbm4b:s1+s2] =	stream.linear.scatter [tilespmem:s8], [sflag:$0x3], $0x800, $0x38;
	[tilespmem:$0x11200] =	vst v63  }
0x15a: {  	_ =	swait.ge [sflag:s5], $0x800  }
0x15b: {  	[sflag:s5] =	ssyncset.done $0x0  }
0x15c: {  	s1 =	rddreg [dreg:$0x8];
	[sflag:s5] =	ssyncadd.s32 $0xFFFFF800  }
0x15d: {  	[tilespmem:s2], [sflag:$0x3] =	stream.linear.gather [hbm4b:s1+s2], $0x100, $0x38;
	[tilespmem:$0x11200] =	vst v63  }
0x15e: {  	_ =	swait.ge [sflag:s5], $0x100  }
0x15f: {  	[sflag:s5] =	ssyncset.done $0x0  }
0x160: {  	[sflag:s5] =	ssyncadd.s32 $0xFFFFFF00  }
0x161: {  	[tilespmem:s10], [sflag:$0x1] =	stream.indirect.gather [hbm4b:s3+s18], $0x80, s2, s18, $0xb8;
	[tilespmem:$0x11200] =	vst v63  }
0x162: {  	_ = 	snop  }
0x163: {  	[tilespmem:s8], [sflag:$0x2] =	stream.indirect.gather [hbm4b:s4+s18], $0x1, s2, s18, $0xb8;
	[tilespmem:$0x11200] =	vst v63  }
0x164: {  	_ =	swait.ge [sflag:s13], $0x8000  }
0x165: {  	[sflag:s13] =	ssyncset.done $0x0  }
0x166: {  	[sflag:s13] =	ssyncadd.s32 $0xFFFF8000  }
0x167: {  	_ =	swait.ge [sflag:s12], $0x100  }
0x168: {  	[sflag:s12] =	ssyncset.done $0x0  }
0x169: {  	s1 =	rddreg [dreg:$0x9];
	[sflag:s12] =	ssyncadd.s32 $0xFFFFFF00  }
0x16a: {  	[hbm4b:s1+s2] =	stream.linear.scatter [tilespmem:s17], [sflag:$0x3], $0x8000, $0x38;
	[tilespmem:$0x11200] =	vst v63  }
0x16b: {  	_ =	swait.ge [sflag:s5], $0x8000  }
0x16c: {  	[sflag:s5] =	ssyncset.done $0x0  }
0x16d: {  	s1 =	rddreg [dreg:$0xa];
	[sflag:s5] =	ssyncadd.s32 $0xFFFF8000  }
0x16e: {  	[hbm4b:s1+s2] =	stream.linear.scatter [tilespmem:s15], [sflag:$0x3], $0x800, $0x38;
	[tilespmem:$0x11200] =	vst v63  }
0x16f: {  	_ =	swait.ge [sflag:s5], $0x800  }
0x170: {  	[sflag:s5] =	ssyncset.done $0x0  }
0x171: {  	s1 =	rddreg [dreg:$0xb];
	[sflag:s5] =	ssyncadd.s32 $0xFFFFF800  }
0x172: {  	[tilespmem:s18], [sflag:$0x3] =	stream.linear.gather [hbm4b:s1+s2], $0x100, $0x38;
	[tilespmem:$0x11200] =	vst v63  }
0x173: {  	_ =	swait.ge [sflag:s5], $0x100  }
0x174: {  	[sflag:s5] =	ssyncset.done $0x0  }
0x175: {  	[sflag:s5] =	ssyncadd.s32 $0xFFFFFF00  }
0x176: {  	[tilespmem:s17], [sflag:$0x1] =	stream.indirect.gather [hbm4b:s3+s18], $0x80, s18, s18, $0xb8;
	[tilespmem:$0x11200] =	vst v63  }
0x177: {  	_ = 	snop  }
0x178: {  	[tilespmem:s15], [sflag:$0x2] =	stream.indirect.gather [hbm4b:s4+s18], $0x1, s18, s18, $0xb8;
	[tilespmem:$0x11200] =	vst v63  }
0x179: {  	_ =	swait.ge [sflag:s13], $0x8000  }
0x17a: {  	[sflag:s13] =	ssyncset.done $0x0  }
0x17b: {  	[sflag:s13] =	ssyncadd.s32 $0xFFFF8000  }
0x17c: {  	_ =	swait.ge [sflag:s12], $0x100  }
0x17d: {  	[sflag:s12] =	ssyncset.done $0x0  }
0x17e: {  	s1 =	rddreg [dreg:$0xc];
	[sflag:s12] =	ssyncadd.s32 $0xFFFFFF00  }
0x17f: {  	[hbm4b:s1+s2] =	stream.linear.scatter [tilespmem:s10], [sflag:$0x3], $0x8000, $0x38;
	[tilespmem:$0x11200] =	vst v63  }
0x180: {  	_ =	swait.ge [sflag:s5], $0x8000  }
0x181: {  	[sflag:s5] =	ssyncset.done $0x0  }
0x182: {  	s1 =	rddreg [dreg:$0xd];
	[sflag:s5] =	ssyncadd.s32 $0xFFFF8000  }
0x183: {  	[hbm4b:s1+s2] =	stream.linear.scatter [tilespmem:s8], [sflag:$0x3], $0x800, $0x38;
	[tilespmem:$0x11200] =	vst v63  }
0x184: {  	_ =	swait.ge [sflag:s5], $0x800  }
0x185: {  	[sflag:s5] =	ssyncset.done $0x0  }
0x186: {  	s1 =	rddreg [dreg:$0xe];
	[sflag:s5] =	ssyncadd.s32 $0xFFFFF800  }
0x187: {  	[tilespmem:s2], [sflag:$0x3] =	stream.linear.gather [hbm4b:s1+s2], $0x100, $0x38;
	[tilespmem:$0x11200] =	vst v63  }
0x188: {  	_ =	swait.ge [sflag:s5], $0x100  }
0x189: {  	[sflag:s5] =	ssyncset.done $0x0  }
0x18a: {  	[sflag:s5] =	ssyncadd.s32 $0xFFFFFF00  }
0x18b: {  	[tilespmem:s10], [sflag:$0x1] =	stream.indirect.gather [hbm4b:s3+s18], $0x80, s2, s18, $0xb8;
	[tilespmem:$0x11200] =	vst v63  }
0x18c: {  	_ = 	snop  }
0x18d: {  	[tilespmem:s8], [sflag:$0x2] =	stream.indirect.gather [hbm4b:s4+s18], $0x1, s2, s18, $0xb8;
	[tilespmem:$0x11200] =	vst v63  }
0x18e: {  	_ =	swait.ge [sflag:s13], $0x8000  }
0x18f: {  	[sflag:s13] =	ssyncset.done $0x0  }
0x190: {  	[sflag:s13] =	ssyncadd.s32 $0xFFFF8000  }
0x191: {  	_ =	swait.ge [sflag:s12], $0x100  }
0x192: {  	[sflag:s12] =	ssyncset.done $0x0  }
0x193: {  	s1 =	rddreg [dreg:$0xf];
	[sflag:s12] =	ssyncadd.s32 $0xFFFFFF00  }
0x194: {  	[hbm4b:s1+s2] =	stream.linear.scatter [tilespmem:s17], [sflag:$0x3], $0x8000, $0x38;
	[tilespmem:$0x11200] =	vst v63  }
0x195: {  	_ =	swait.ge [sflag:s5], $0x8000  }
0x196: {  	[sflag:s5] =	ssyncset.done $0x0  }
0x197: {  	s1 =	rddreg [dreg:$0x10];
	[sflag:s5] =	ssyncadd.s32 $0xFFFF8000  }
0x198: {  	[hbm4b:s1+s2] =	stream.linear.scatter [tilespmem:s15], [sflag:$0x3], $0x800, $0x38;
	[tilespmem:$0x11200] =	vst v63  }
0x199: {  	_ =	swait.ge [sflag:s5], $0x800  }
0x19a: {  	[sflag:s5] =	ssyncset.done $0x0  }
0x19b: {  	s1 =	rddreg [dreg:$0x11];
	[sflag:s5] =	ssyncadd.s32 $0xFFFFF800  }
0x19c: {  	[tilespmem:s18], [sflag:$0x3] =	stream.linear.gather [hbm4b:s1+s2], $0x100, $0x38;
	[tilespmem:$0x11200] =	vst v63  }
0x19d: {  	_ =	swait.ge [sflag:s5], $0x100  }
0x19e: {  	[sflag:s5] =	ssyncset.done $0x0  }
0x19f: {  	[sflag:s5] =	ssyncadd.s32 $0xFFFFFF00  }
0x1a0: {  	[tilespmem:s17], [sflag:$0x1] =	stream.indirect.gather [hbm4b:s3+s18], $0x80, s18, s18, $0xb8;
	[tilespmem:$0x11200] =	vst v63  }
0x1a1: {  	_ = 	snop  }
0x1a2: {  	[tilespmem:s15], [sflag:$0x2] =	stream.indirect.gather [hbm4b:s4+s18], $0x1, s18, s18, $0xb8;
	[tilespmem:$0x11200] =	vst v63  }
0x1a3: {  	_ =	swait.ge [sflag:s13], $0x8000  }
0x1a4: {  	[sflag:s13] =	ssyncset.done $0x0  }
0x1a5: {  	[sflag:s13] =	ssyncadd.s32 $0xFFFF8000  }
0x1a6: {  	_ =	swait.ge [sflag:s12], $0x100  }
0x1a7: {  	[sflag:s12] =	ssyncset.done $0x0  }
0x1a8: {  	s1 =	rddreg [dreg:$0x12];
	[sflag:s12] =	ssyncadd.s32 $0xFFFFFF00  }
0x1a9: {  	[hbm4b:s1+s2] =	stream.linear.scatter [tilespmem:s10], [sflag:$0x3], $0x8000, $0x38;
	[tilespmem:$0x11200] =	vst v63  }
0x1aa: {  	_ =	swait.ge [sflag:s5], $0x8000  }
0x1ab: {  	[sflag:s5] =	ssyncset.done $0x0  }
0x1ac: {  	s1 =	rddreg [dreg:$0x13];
	[sflag:s5] =	ssyncadd.s32 $0xFFFF8000  }
0x1ad: {  	[hbm4b:s1+s2] =	stream.linear.scatter [tilespmem:s8], [sflag:$0x3], $0x800, $0x38;
	[tilespmem:$0x11200] =	vst v63  }
0x1ae: {  	_ =	swait.ge [sflag:s5], $0x800  }
0x1af: {  	[sflag:s5] =	ssyncset.done $0x0  }
0x1b0: {  	s1 =	rddreg [dreg:$0x14];
	[sflag:s5] =	ssyncadd.s32 $0xFFFFF800  }
0x1b1: {  	[tilespmem:s2], [sflag:$0x3] =	stream.linear.gather [hbm4b:s1+s2], $0x100, $0x38;
	[tilespmem:$0x11200] =	vst v63  }
0x1b2: {  	_ =	swait.ge [sflag:s5], $0x100  }
0x1b3: {  	[sflag:s5] =	ssyncset.done $0x0  }
0x1b4: {  	[sflag:s5] =	ssyncadd.s32 $0xFFFFFF00  }
0x1b5: {  	[tilespmem:s10], [sflag:$0x1] =	stream.indirect.gather [hbm4b:s3+s18], $0x80, s2, s18, $0xb8;
	[tilespmem:$0x11200] =	vst v63  }
0x1b6: {  	_ = 	snop  }
0x1b7: {  	[tilespmem:s8], [sflag:$0x2] =	stream.indirect.gather [hbm4b:s4+s18], $0x1, s2, s18, $0xb8;
	[tilespmem:$0x11200] =	vst v63  }
0x1b8: {  	_ =	swait.ge [sflag:s13], $0x8000  }
0x1b9: {  	[sflag:s13] =	ssyncset.done $0x0  }
0x1ba: {  	[sflag:s13] =	ssyncadd.s32 $0xFFFF8000  }
0x1bb: {  	_ =	swait.ge [sflag:s12], $0x100  }
0x1bc: {  	[sflag:s12] =	ssyncset.done $0x0  }
0x1bd: {  	s1 =	rddreg [dreg:$0x15];
	[sflag:s12] =	ssyncadd.s32 $0xFFFFFF00  }
0x1be: {  	[hbm4b:s1+s2] =	stream.linear.scatter [tilespmem:s17], [sflag:$0x3], $0x8000, $0x38;
	[tilespmem:$0x11200] =	vst v63  }
0x1bf: {  	_ =	swait.ge [sflag:s5], $0x8000  }
0x1c0: {  	[sflag:s5] =	ssyncset.done $0x0  }
0x1c1: {  	s1 =	rddreg [dreg:$0x16];
	[sflag:s5] =	ssyncadd.s32 $0xFFFF8000  }
0x1c2: {  	[hbm4b:s1+s2] =	stream.linear.scatter [tilespmem:s15], [sflag:$0x3], $0x800, $0x38;
	[tilespmem:$0x11200] =	vst v63  }
0x1c3: {  	_ =	swait.ge [sflag:s5], $0x800  }
0x1c4: {  	[sflag:s5] =	ssyncset.done $0x0  }
0x1c5: {  	s1 =	rddreg [dreg:$0x17];
	[sflag:s5] =	ssyncadd.s32 $0xFFFFF800  }
0x1c6: {  	[tilespmem:s18], [sflag:$0x3] =	stream.linear.gather [hbm4b:s1+s2], $0x100, $0x38;
	[tilespmem:$0x11200] =	vst v63  }
0x1c7: {  	_ =	swait.ge [sflag:s5], $0x100  }
0x1c8: {  	[sflag:s5] =	ssyncset.done $0x0  }
0x1c9: {  	[sflag:s5] =	ssyncadd.s32 $0xFFFFFF00  }
0x1ca: {  	[tilespmem:s17], [sflag:$0x1] =	stream.indirect.gather [hbm4b:s3+s18], $0x80, s18, s18, $0xb8;
	[tilespmem:$0x11200] =	vst v63  }
0x1cb: {  	_ = 	snop  }
0x1cc: {  	[tilespmem:s15], [sflag:$0x2] =	stream.indirect.gather [hbm4b:s4+s18], $0x1, s18, s18, $0xb8;
	[tilespmem:$0x11200] =	vst v63  }
0x1cd: {  	_ =	swait.ge [sflag:s13], $0x8000  }
0x1ce: {  	[sflag:s13] =	ssyncset.done $0x0  }
0x1cf: {  	[sflag:s13] =	ssyncadd.s32 $0xFFFF8000  }
0x1d0: {  	_ =	swait.ge [sflag:s12], $0x100  }
0x1d1: {  	[sflag:s12] =	ssyncset.done $0x0  }
0x1d2: {  	s1 =	rddreg [dreg:$0x18];
	[sflag:s12] =	ssyncadd.s32 $0xFFFFFF00  }
0x1d3: {  	[hbm4b:s1+s2] =	stream.linear.scatter [tilespmem:s10], [sflag:$0x3], $0x8000, $0x38;
	[tilespmem:$0x11200] =	vst v63  }
0x1d4: {  	_ =	swait.ge [sflag:s5], $0x8000  }
0x1d5: {  	[sflag:s5] =	ssyncset.done $0x0  }
0x1d6: {  	[sflag:s5] =	ssyncadd.s32 $0xFFFF8000  }
0x1d7: {  	[hbm4b:s31+s2] =	stream.linear.scatter [tilespmem:s8], [sflag:$0x3], $0x800, $0x38;
	[tilespmem:$0x11200] =	vst v63  }
0x1d8: {  	_ =	swait.ge [sflag:s5], $0x800  }
0x1d9: {  	[sflag:s5] =	ssyncset.done $0x0  }
0x1da: {  	[sflag:s5] =	ssyncadd.s32 $0xFFFFF800  }
0x1db: {  	[tilespmem:s2], [sflag:$0x3] =	stream.linear.gather [hbm4b:s30+s2], $0x100, $0x38;
	[tilespmem:$0x11200] =	vst v63  }
0x1dc: {  	_ =	swait.ge [sflag:s5], $0x100  }
0x1dd: {  	[sflag:s5] =	ssyncset.done $0x0  }
0x1de: {  	[sflag:s5] =	ssyncadd.s32 $0xFFFFFF00  }
0x1df: {  	[tilespmem:s10], [sflag:$0x1] =	stream.indirect.gather [hbm4b:s3+s18], $0x80, s2, s18, $0xb8;
	[tilespmem:$0x11200] =	vst v63  }
0x1e0: {  	_ = 	snop  }
0x1e1: {  	[tilespmem:s8], [sflag:$0x2] =	stream.indirect.gather [hbm4b:s4+s18], $0x1, s2, s18, $0xb8;
	[tilespmem:$0x11200] =	vst v63  }
0x1e2: {  	_ =	swait.ge [sflag:s13], $0x8000  }
0x1e3: {  	[sflag:s13] =	ssyncset.done $0x0  }
0x1e4: {  	[sflag:s13] =	ssyncadd.s32 $0xFFFF8000  }
0x1e5: {  	_ =	swait.ge [sflag:s12], $0x100  }
0x1e6: {  	[sflag:s12] =	ssyncset.done $0x0  }
0x1e7: {  	[sflag:s12] =	ssyncadd.s32 $0xFFFFFF00  }
0x1e8: {  	[hbm4b:s29+s2] =	stream.linear.scatter [tilespmem:s17], [sflag:$0x3], $0x8000, $0x38;
	[tilespmem:$0x11200] =	vst v63  }
0x1e9: {  	_ =	swait.ge [sflag:s5], $0x8000  }
0x1ea: {  	[sflag:s5] =	ssyncset.done $0x0  }
0x1eb: {  	[sflag:s5] =	ssyncadd.s32 $0xFFFF8000  }
0x1ec: {  	[hbm4b:s26+s2] =	stream.linear.scatter [tilespmem:s15], [sflag:$0x3], $0x800, $0x38;
	[tilespmem:$0x11200] =	vst v63  }
0x1ed: {  	_ =	swait.ge [sflag:s5], $0x800  }
0x1ee: {  	[sflag:s5] =	ssyncset.done $0x0  }
0x1ef: {  	[sflag:s5] =	ssyncadd.s32 $0xFFFFF800  }
0x1f0: {  	[tilespmem:s18], [sflag:$0x3] =	stream.linear.gather [hbm4b:s28+s2], $0x100, $0x38;
	[tilespmem:$0x11200] =	vst v63  }
0x1f1: {  	_ =	swait.ge [sflag:s5], $0x100  }
0x1f2: {  	[sflag:s5] =	ssyncset.done $0x0  }
0x1f3: {  	[sflag:s5] =	ssyncadd.s32 $0xFFFFFF00  }
0x1f4: {  	[tilespmem:s17], [sflag:$0x1] =	stream.indirect.gather [hbm4b:s3+s18], $0x80, s18, s18, $0xb8;
	[tilespmem:$0x11200] =	vst v63  }
0x1f5: {  	_ = 	snop  }
0x1f6: {  	[tilespmem:s15], [sflag:$0x2] =	stream.indirect.gather [hbm4b:s4+s18], $0x1, s18, s18, $0xb8;
	[tilespmem:$0x11200] =	vst v63  }
0x1f7: {  	_ =	swait.ge [sflag:s13], $0x8000  }
0x1f8: {  	[sflag:s13] =	ssyncset.done $0x0  }
0x1f9: {  	[sflag:s13] =	ssyncadd.s32 $0xFFFF8000  }
0x1fa: {  	_ =	swait.ge [sflag:s12], $0x100  }
0x1fb: {  	[sflag:s12] =	ssyncset.done $0x0  }
0x1fc: {  	[sflag:s12] =	ssyncadd.s32 $0xFFFFFF00  }
0x1fd: {  	[hbm4b:s25+s2] =	stream.linear.scatter [tilespmem:s10], [sflag:$0x3], $0x8000, $0x38;
	[tilespmem:$0x11200] =	vst v63  }
0x1fe: {  	_ =	swait.ge [sflag:s5], $0x8000  }
0x1ff: {  	[sflag:s5] =	ssyncset.done $0x0  }
0x200: {  	[sflag:s5] =	ssyncadd.s32 $0xFFFF8000  }
0x201: {  	[hbm4b:s24+s2] =	stream.linear.scatter [tilespmem:s8], [sflag:$0x3], $0x800, $0x38;
	[tilespmem:$0x11200] =	vst v63  }
0x202: {  	_ =	swait.ge [sflag:s5], $0x800  }
0x203: {  	[sflag:s5] =	ssyncset.done $0x0  }
0x204: {  	[sflag:s5] =	ssyncadd.s32 $0xFFFFF800  }
0x205: {  	[tilespmem:s2], [sflag:$0x3] =	stream.linear.gather [hbm4b:s23+s2], $0x100, $0x38;
	[tilespmem:$0x11200] =	vst v63  }
0x206: {  	_ =	swait.ge [sflag:s5], $0x100  }
0x207: {  	[sflag:s5] =	ssyncset.done $0x0  }
0x208: {  	[sflag:s5] =	ssyncadd.s32 $0xFFFFFF00  }
0x209: {  	[tilespmem:s10], [sflag:$0x1] =	stream.indirect.gather [hbm4b:s3+s18], $0x80, s2, s18, $0xb8;
	[tilespmem:$0x11200] =	vst v63  }
0x20a: {  	_ = 	snop  }
0x20b: {  	[tilespmem:s8], [sflag:$0x2] =	stream.indirect.gather [hbm4b:s4+s18], $0x1, s2, s18, $0xb8;
	[tilespmem:$0x11200] =	vst v63  }
0x20c: {  	_ =	swait.ge [sflag:s13], $0x8000  }
0x20d: {  	[sflag:s13] =	ssyncset.done $0x0  }
0x20e: {  	[sflag:s13] =	ssyncadd.s32 $0xFFFF8000  }
0x20f: {  	_ =	swait.ge [sflag:s12], $0x100  }
0x210: {  	[sflag:s12] =	ssyncset.done $0x0  }
0x211: {  	[sflag:s12] =	ssyncadd.s32 $0xFFFFFF00  }
0x212: {  	[hbm4b:s22+s2] =	stream.linear.scatter [tilespmem:s17], [sflag:$0x3], $0x8000, $0x38;
	[tilespmem:$0x11200] =	vst v63  }
0x213: {  	_ =	swait.ge [sflag:s5], $0x8000  }
0x214: {  	[sflag:s5] =	ssyncset.done $0x0  }
0x215: {  	[sflag:s5] =	ssyncadd.s32 $0xFFFF8000  }
0x216: {  	[hbm4b:s20+s2] =	stream.linear.scatter [tilespmem:s15], [sflag:$0x3], $0x800, $0x38;
	[tilespmem:$0x11200] =	vst v63  }
0x217: {  	_ =	swait.ge [sflag:s5], $0x800  }
0x218: {  	[sflag:s5] =	ssyncset.done $0x0  }
0x219: {  	[sflag:s5] =	ssyncadd.s32 $0xFFFFF800  }
0x21a: {  	[tilespmem:s18], [sflag:$0x3] =	stream.linear.gather [hbm4b:s21+s2], $0x100, $0x38;
	[tilespmem:$0x11200] =	vst v63  }
0x21b: {  	_ =	swait.ge [sflag:s5], $0x100  }
0x21c: {  	[sflag:s5] =	ssyncset.done $0x0  }
0x21d: {  	[sflag:s5] =	ssyncadd.s32 $0xFFFFFF00  }
0x21e: {  	[tilespmem:s17], [sflag:$0x1] =	stream.indirect.gather [hbm4b:s3+s18], $0x80, s18, s18, $0xb8;
	[tilespmem:$0x11200] =	vst v63  }
0x21f: {  	_ = 	snop  }
0x220: {  	[tilespmem:s15], [sflag:$0x2] =	stream.indirect.gather [hbm4b:s4+s18], $0x1, s18, s18, $0xb8;
	[tilespmem:$0x11200] =	vst v63  }
0x221: {  	_ =	swait.ge [sflag:s13], $0x8000  }
0x222: {  	[sflag:s13] =	ssyncset.done $0x0  }
0x223: {  	[sflag:s13] =	ssyncadd.s32 $0xFFFF8000  }
0x224: {  	_ =	swait.ge [sflag:s12], $0x100  }
0x225: {  	[sflag:s12] =	ssyncset.done $0x0  }
0x226: {  	[sflag:s12] =	ssyncadd.s32 $0xFFFFFF00  }
0x227: {  	[hbm4b:s19+s2] =	stream.linear.scatter [tilespmem:s10], [sflag:$0x3], $0x8000, $0x38;
	[tilespmem:$0x11200] =	vst v63  }
0x228: {  	_ =	swait.ge [sflag:s5], $0x8000  }
0x229: {  	[sflag:s5] =	ssyncset.done $0x0  }
0x22a: {  	[sflag:s5] =	ssyncadd.s32 $0xFFFF8000  }
0x22b: {  	[hbm4b:s16+s2] =	stream.linear.scatter [tilespmem:s8], [sflag:$0x3], $0x800, $0x38;
	[tilespmem:$0x11200] =	vst v63  }
0x22c: {  	_ =	swait.ge [sflag:s5], $0x800  }
0x22d: {  	[sflag:s5] =	ssyncset.done $0x0  }
0x22e: {  	[sflag:s5] =	ssyncadd.s32 $0xFFFFF800  }
0x22f: {  	[tilespmem:s2], [sflag:$0x3] =	stream.linear.gather [hbm4b:s14+s2], $0x100, $0x38;
	[tilespmem:$0x11200] =	vst v63  }
0x230: {  	_ =	swait.ge [sflag:s5], $0x100  }
0x231: {  	[sflag:s5] =	ssyncset.done $0x0  }
0x232: {  	[sflag:s5] =	ssyncadd.s32 $0xFFFFFF00  }
0x233: {  	[tilespmem:s10], [sflag:$0x1] =	stream.indirect.gather [hbm4b:s3+s18], $0x80, s2, s18, $0xb8;
	[tilespmem:$0x11200] =	vst v63  }
0x234: {  	_ = 	snop  }
0x235: {  	[tilespmem:s8], [sflag:$0x2] =	stream.indirect.gather [hbm4b:s4+s18], $0x1, s2, s18, $0xb8;
	[tilespmem:$0x11200] =	vst v63  }
0x236: {  	_ =	swait.ge [sflag:s13], $0x8000  }
0x237: {  	[sflag:s13] =	ssyncset.done $0x0  }
0x238: {  	[sflag:s13] =	ssyncadd.s32 $0xFFFF8000  }
0x239: {  	_ =	swait.ge [sflag:s12], $0x100  }
0x23a: {  	[sflag:s12] =	ssyncset.done $0x0  }
0x23b: {  	[sflag:s12] =	ssyncadd.s32 $0xFFFFFF00  }
0x23c: {  	[hbm4b:s11+s2] =	stream.linear.scatter [tilespmem:s17], [sflag:$0x3], $0x8000, $0x38;
	[tilespmem:$0x11200] =	vst v63  }
0x23d: {  	_ =	swait.ge [sflag:s5], $0x8000  }
0x23e: {  	[sflag:s5] =	ssyncset.done $0x0  }
0x23f: {  	[sflag:s5] =	ssyncadd.s32 $0xFFFF8000  }
0x240: {  	[hbm4b:s9+s2] =	stream.linear.scatter [tilespmem:s15], [sflag:$0x3], $0x800, $0x38;
	[tilespmem:$0x11200] =	vst v63  }
0x241: {  	_ =	swait.ge [sflag:s5], $0x800  }
0x242: {  	[sflag:s5] =	ssyncset.done $0x0  }
0x243: {  	[sflag:s5] =	ssyncadd.s32 $0xFFFFF800  }
0x244: {  	_ =	swait.ge [sflag:s13], $0x8000  }
0x245: {  	[sflag:s13] =	ssyncset.done $0x0  }
0x246: {  	[sflag:s13] =	ssyncadd.s32 $0xFFFF8000  }
0x247: {  	_ =	swait.ge [sflag:s12], $0x100  }
0x248: {  	[sflag:s12] =	ssyncset.done $0x0  }
0x249: {  	[sflag:s12] =	ssyncadd.s32 $0xFFFFFF00  }
0x24a: {  	[hbm4b:s7+s2] =	stream.linear.scatter [tilespmem:s10], [sflag:$0x3], $0x8000, $0x38;
	[tilespmem:$0x11200] =	vst v63  }
0x24b: {  	p1 =	sne.s32 s0, $0x1;
	_ =	swait.ge [sflag:s5], $0x8000  }
.Ltmp2:
0x24c: {  	[sflag:s5] =	ssyncset.done $0x0;
	(pc) =	sbr.rel @p1 .LBB2_2-.Ltmp2, $4  }
0x24d: {  	[sflag:s5] =	ssyncadd.s32 $0xFFFF8000  }
0x24e: {  	[hbm4b:s6+s2] =	stream.linear.scatter [tilespmem:s8], [sflag:$0x3], $0x800, $0x38;
	[tilespmem:$0x11200] =	vst v63  }
0x24f: {  	_ =	swait.ge [sflag:s5], $0x800  }
0x250: {  	s0 =	sadd.s32 $0xFFFFFFFF, s0;
	s1 =	rddreg [dreg:$0x4];
	[sflag:s5] =	ssyncset.done $0x0  }
.LBB2_3:
0x251: {  	[sflag:s5] =	ssyncadd.s32 @p0 $0xFFFFF800  }
0x252: {  	[tilespmem:s2], [sflag:$0x3] =	stream.linear.gather [hbm4b:s1+s2], $0x100, $0x38;
	[tilespmem:$0x11200] =	vst v63  }
0x253: {  	_ =	swait.ge [sflag:s5], $0x100  }
0x254: {  	[sflag:s5] =	ssyncset.done $0x0  }
0x255: {  	[sflag:s5] =	ssyncadd.s32 $0xFFFFFF00  }
0x256: {  	[tilespmem:s10], [sflag:$0x1] =	stream.indirect.gather [hbm4b:s3+s18], $0x80, s2, s18, $0xb8;
	[tilespmem:$0x11200] =	vst v63  }
0x257: {  	_ = 	snop  }
0x258: {  	[tilespmem:s8], [sflag:$0x2] =	stream.indirect.gather [hbm4b:s4+s18], $0x1, s2, s18, $0xb8;
	[tilespmem:$0x11200] =	vst v63  }
0x259: {  	s0 =	rddreg [dreg:$0x5]  }
0x25a: {  	[tilespmem:s18], [sflag:$0x3] =	stream.linear.gather [hbm4b:s0+s2], $0x100, $0x38;
	[tilespmem:$0x11200] =	vst v63  }
0x25b: {  	_ =	swait.ge [sflag:s5], $0x100  }
0x25c: {  	[sflag:s5] =	ssyncset.done $0x0  }
0x25d: {  	[sflag:s5] =	ssyncadd.s32 $0xFFFFFF00  }
0x25e: {  	[tilespmem:s17], [sflag:$0x1] =	stream.indirect.gather [hbm4b:s3+s18], $0x80, s18, s18, $0xb8;
	[tilespmem:$0x11200] =	vst v63  }
0x25f: {  	_ = 	snop  }
0x260: {  	[tilespmem:s15], [sflag:$0x2] =	stream.indirect.gather [hbm4b:s4+s18], $0x1, s18, s18, $0xb8;
	[tilespmem:$0x11200] =	vst v63  }
0x261: {  	_ =	swait.ge [sflag:s13], $0x8000  }
0x262: {  	[sflag:s13] =	ssyncset.done $0x0  }
0x263: {  	[sflag:s13] =	ssyncadd.s32 $0xFFFF8000  }
0x264: {  	_ =	swait.ge [sflag:s12], $0x100  }
0x265: {  	[sflag:s12] =	ssyncset.done $0x0  }
0x266: {  	s1 =	rddreg [dreg:$0x6];
	[sflag:s12] =	ssyncadd.s32 $0xFFFFFF00  }
0x267: {  	[hbm4b:s1+s2] =	stream.linear.scatter [tilespmem:s10], [sflag:$0x3], $0x8000, $0x38;
	[tilespmem:$0x11200] =	vst v63  }
0x268: {  	_ =	swait.ge [sflag:s5], $0x8000  }
0x269: {  	[sflag:s5] =	ssyncset.done $0x0  }
0x26a: {  	s1 =	rddreg [dreg:$0x7];
	[sflag:s5] =	ssyncadd.s32 $0xFFFF8000  }
0x26b: {  	[hbm4b:s1+s2] =	stream.linear.scatter [tilespmem:s8], [sflag:$0x3], $0x800, $0x38;
	[tilespmem:$0x11200] =	vst v63  }
0x26c: {  	_ =	swait.ge [sflag:s5], $0x800  }
0x26d: {  	[sflag:s5] =	ssyncset.done $0x0  }
0x26e: {  	s1 =	rddreg [dreg:$0x8];
	[sflag:s5] =	ssyncadd.s32 $0xFFFFF800  }
0x26f: {  	[tilespmem:s2], [sflag:$0x3] =	stream.linear.gather [hbm4b:s1+s2], $0x100, $0x38;
	[tilespmem:$0x11200] =	vst v63  }
0x270: {  	_ =	swait.ge [sflag:s5], $0x100  }
0x271: {  	[sflag:s5] =	ssyncset.done $0x0  }
0x272: {  	[sflag:s5] =	ssyncadd.s32 $0xFFFFFF00  }
0x273: {  	[tilespmem:s10], [sflag:$0x1] =	stream.indirect.gather [hbm4b:s3+s18], $0x80, s2, s18, $0xb8;
	[tilespmem:$0x11200] =	vst v63  }
0x274: {  	_ = 	snop  }
0x275: {  	[tilespmem:s8], [sflag:$0x2] =	stream.indirect.gather [hbm4b:s4+s18], $0x1, s2, s18, $0xb8;
	[tilespmem:$0x11200] =	vst v63  }
0x276: {  	_ =	swait.ge [sflag:s13], $0x8000  }
0x277: {  	[sflag:s13] =	ssyncset.done $0x0  }
0x278: {  	[sflag:s13] =	ssyncadd.s32 $0xFFFF8000  }
0x279: {  	_ =	swait.ge [sflag:s12], $0x100  }
0x27a: {  	[sflag:s12] =	ssyncset.done $0x0  }
0x27b: {  	s1 =	rddreg [dreg:$0x9];
	[sflag:s12] =	ssyncadd.s32 $0xFFFFFF00  }
0x27c: {  	[hbm4b:s1+s2] =	stream.linear.scatter [tilespmem:s17], [sflag:$0x3], $0x8000, $0x38;
	[tilespmem:$0x11200] =	vst v63  }
0x27d: {  	_ =	swait.ge [sflag:s5], $0x8000  }
0x27e: {  	[sflag:s5] =	ssyncset.done $0x0  }
0x27f: {  	s1 =	rddreg [dreg:$0xa];
	[sflag:s5] =	ssyncadd.s32 $0xFFFF8000  }
0x280: {  	[hbm4b:s1+s2] =	stream.linear.scatter [tilespmem:s15], [sflag:$0x3], $0x800, $0x38;
	[tilespmem:$0x11200] =	vst v63  }
0x281: {  	_ =	swait.ge [sflag:s5], $0x800  }
0x282: {  	[sflag:s5] =	ssyncset.done $0x0  }
0x283: {  	s1 =	rddreg [dreg:$0xb];
	[sflag:s5] =	ssyncadd.s32 $0xFFFFF800  }
0x284: {  	[tilespmem:s18], [sflag:$0x3] =	stream.linear.gather [hbm4b:s1+s2], $0x100, $0x38;
	[tilespmem:$0x11200] =	vst v63  }
0x285: {  	_ =	swait.ge [sflag:s5], $0x100  }
0x286: {  	[sflag:s5] =	ssyncset.done $0x0  }
0x287: {  	[sflag:s5] =	ssyncadd.s32 $0xFFFFFF00  }
0x288: {  	[tilespmem:s17], [sflag:$0x1] =	stream.indirect.gather [hbm4b:s3+s18], $0x80, s18, s18, $0xb8;
	[tilespmem:$0x11200] =	vst v63  }
0x289: {  	_ = 	snop  }
0x28a: {  	[tilespmem:s15], [sflag:$0x2] =	stream.indirect.gather [hbm4b:s4+s18], $0x1, s18, s18, $0xb8;
	[tilespmem:$0x11200] =	vst v63  }
0x28b: {  	_ =	swait.ge [sflag:s13], $0x8000  }
0x28c: {  	[sflag:s13] =	ssyncset.done $0x0  }
0x28d: {  	[sflag:s13] =	ssyncadd.s32 $0xFFFF8000  }
0x28e: {  	_ =	swait.ge [sflag:s12], $0x100  }
0x28f: {  	[sflag:s12] =	ssyncset.done $0x0  }
0x290: {  	s1 =	rddreg [dreg:$0xc];
	[sflag:s12] =	ssyncadd.s32 $0xFFFFFF00  }
0x291: {  	[hbm4b:s1+s2] =	stream.linear.scatter [tilespmem:s10], [sflag:$0x3], $0x8000, $0x38;
	[tilespmem:$0x11200] =	vst v63  }
0x292: {  	_ =	swait.ge [sflag:s5], $0x8000  }
0x293: {  	[sflag:s5] =	ssyncset.done $0x0  }
0x294: {  	s1 =	rddreg [dreg:$0xd];
	[sflag:s5] =	ssyncadd.s32 $0xFFFF8000  }
0x295: {  	[hbm4b:s1+s2] =	stream.linear.scatter [tilespmem:s8], [sflag:$0x3], $0x800, $0x38;
	[tilespmem:$0x11200] =	vst v63  }
0x296: {  	_ =	swait.ge [sflag:s5], $0x800  }
0x297: {  	[sflag:s5] =	ssyncset.done $0x0  }
0x298: {  	s1 =	rddreg [dreg:$0xe];
	[sflag:s5] =	ssyncadd.s32 $0xFFFFF800  }
0x299: {  	[tilespmem:s2], [sflag:$0x3] =	stream.linear.gather [hbm4b:s1+s2], $0x100, $0x38;
	[tilespmem:$0x11200] =	vst v63  }
0x29a: {  	_ =	swait.ge [sflag:s5], $0x100  }
0x29b: {  	[sflag:s5] =	ssyncset.done $0x0  }
0x29c: {  	[sflag:s5] =	ssyncadd.s32 $0xFFFFFF00  }
0x29d: {  	[tilespmem:s10], [sflag:$0x1] =	stream.indirect.gather [hbm4b:s3+s18], $0x80, s2, s18, $0xb8;
	[tilespmem:$0x11200] =	vst v63  }
0x29e: {  	_ = 	snop  }
0x29f: {  	[tilespmem:s8], [sflag:$0x2] =	stream.indirect.gather [hbm4b:s4+s18], $0x1, s2, s18, $0xb8;
	[tilespmem:$0x11200] =	vst v63  }
0x2a0: {  	_ =	swait.ge [sflag:s13], $0x8000  }
0x2a1: {  	[sflag:s13] =	ssyncset.done $0x0  }
0x2a2: {  	[sflag:s13] =	ssyncadd.s32 $0xFFFF8000  }
0x2a3: {  	_ =	swait.ge [sflag:s12], $0x100  }
0x2a4: {  	[sflag:s12] =	ssyncset.done $0x0  }
0x2a5: {  	s1 =	rddreg [dreg:$0xf];
	[sflag:s12] =	ssyncadd.s32 $0xFFFFFF00  }
0x2a6: {  	[hbm4b:s1+s2] =	stream.linear.scatter [tilespmem:s17], [sflag:$0x3], $0x8000, $0x38;
	[tilespmem:$0x11200] =	vst v63  }
0x2a7: {  	_ =	swait.ge [sflag:s5], $0x8000  }
0x2a8: {  	[sflag:s5] =	ssyncset.done $0x0  }
0x2a9: {  	s1 =	rddreg [dreg:$0x10];
	[sflag:s5] =	ssyncadd.s32 $0xFFFF8000  }
0x2aa: {  	[hbm4b:s1+s2] =	stream.linear.scatter [tilespmem:s15], [sflag:$0x3], $0x800, $0x38;
	[tilespmem:$0x11200] =	vst v63  }
0x2ab: {  	_ =	swait.ge [sflag:s5], $0x800  }
0x2ac: {  	[sflag:s5] =	ssyncset.done $0x0  }
0x2ad: {  	s1 =	rddreg [dreg:$0x11];
	[sflag:s5] =	ssyncadd.s32 $0xFFFFF800  }
0x2ae: {  	[tilespmem:s18], [sflag:$0x3] =	stream.linear.gather [hbm4b:s1+s2], $0x100, $0x38;
	[tilespmem:$0x11200] =	vst v63  }
0x2af: {  	_ =	swait.ge [sflag:s5], $0x100  }
0x2b0: {  	[sflag:s5] =	ssyncset.done $0x0  }
0x2b1: {  	[sflag:s5] =	ssyncadd.s32 $0xFFFFFF00  }
0x2b2: {  	[tilespmem:s17], [sflag:$0x1] =	stream.indirect.gather [hbm4b:s3+s18], $0x80, s18, s18, $0xb8;
	[tilespmem:$0x11200] =	vst v63  }
0x2b3: {  	_ = 	snop  }
0x2b4: {  	[tilespmem:s15], [sflag:$0x2] =	stream.indirect.gather [hbm4b:s4+s18], $0x1, s18, s18, $0xb8;
	[tilespmem:$0x11200] =	vst v63  }
0x2b5: {  	_ =	swait.ge [sflag:s13], $0x8000  }
0x2b6: {  	[sflag:s13] =	ssyncset.done $0x0  }
0x2b7: {  	[sflag:s13] =	ssyncadd.s32 $0xFFFF8000  }
0x2b8: {  	_ =	swait.ge [sflag:s12], $0x100  }
0x2b9: {  	[sflag:s12] =	ssyncset.done $0x0  }
0x2ba: {  	s1 =	rddreg [dreg:$0x12];
	[sflag:s12] =	ssyncadd.s32 $0xFFFFFF00  }
0x2bb: {  	[hbm4b:s1+s2] =	stream.linear.scatter [tilespmem:s10], [sflag:$0x3], $0x8000, $0x38;
	[tilespmem:$0x11200] =	vst v63  }
0x2bc: {  	_ =	swait.ge [sflag:s5], $0x8000  }
0x2bd: {  	[sflag:s5] =	ssyncset.done $0x0  }
0x2be: {  	s1 =	rddreg [dreg:$0x13];
	[sflag:s5] =	ssyncadd.s32 $0xFFFF8000  }
0x2bf: {  	[hbm4b:s1+s2] =	stream.linear.scatter [tilespmem:s8], [sflag:$0x3], $0x800, $0x38;
	[tilespmem:$0x11200] =	vst v63  }
0x2c0: {  	_ =	swait.ge [sflag:s5], $0x800  }
0x2c1: {  	[sflag:s5] =	ssyncset.done $0x0  }
0x2c2: {  	s1 =	rddreg [dreg:$0x14];
	[sflag:s5] =	ssyncadd.s32 $0xFFFFF800  }
0x2c3: {  	[tilespmem:s2], [sflag:$0x3] =	stream.linear.gather [hbm4b:s1+s2], $0x100, $0x38;
	[tilespmem:$0x11200] =	vst v63  }
0x2c4: {  	_ =	swait.ge [sflag:s5], $0x100  }
0x2c5: {  	[sflag:s5] =	ssyncset.done $0x0  }
0x2c6: {  	[sflag:s5] =	ssyncadd.s32 $0xFFFFFF00  }
0x2c7: {  	[tilespmem:s10], [sflag:$0x1] =	stream.indirect.gather [hbm4b:s3+s18], $0x80, s2, s18, $0xb8;
	[tilespmem:$0x11200] =	vst v63  }
0x2c8: {  	_ = 	snop  }
0x2c9: {  	[tilespmem:s8], [sflag:$0x2] =	stream.indirect.gather [hbm4b:s4+s18], $0x1, s2, s18, $0xb8;
	[tilespmem:$0x11200] =	vst v63  }
0x2ca: {  	_ =	swait.ge [sflag:s13], $0x8000  }
0x2cb: {  	[sflag:s13] =	ssyncset.done $0x0  }
0x2cc: {  	[sflag:s13] =	ssyncadd.s32 $0xFFFF8000  }
0x2cd: {  	_ =	swait.ge [sflag:s12], $0x100  }
0x2ce: {  	[sflag:s12] =	ssyncset.done $0x0  }
0x2cf: {  	s1 =	rddreg [dreg:$0x15];
	[sflag:s12] =	ssyncadd.s32 $0xFFFFFF00  }
0x2d0: {  	[hbm4b:s1+s2] =	stream.linear.scatter [tilespmem:s17], [sflag:$0x3], $0x8000, $0x38;
	[tilespmem:$0x11200] =	vst v63  }
0x2d1: {  	_ =	swait.ge [sflag:s5], $0x8000  }
0x2d2: {  	[sflag:s5] =	ssyncset.done $0x0  }
0x2d3: {  	s1 =	rddreg [dreg:$0x16];
	[sflag:s5] =	ssyncadd.s32 $0xFFFF8000  }
0x2d4: {  	[hbm4b:s1+s2] =	stream.linear.scatter [tilespmem:s15], [sflag:$0x3], $0x800, $0x38;
	[tilespmem:$0x11200] =	vst v63  }
0x2d5: {  	_ =	swait.ge [sflag:s5], $0x800  }
0x2d6: {  	[sflag:s5] =	ssyncset.done $0x0  }
0x2d7: {  	s1 =	rddreg [dreg:$0x17];
	[sflag:s5] =	ssyncadd.s32 $0xFFFFF800  }
0x2d8: {  	[tilespmem:s18], [sflag:$0x3] =	stream.linear.gather [hbm4b:s1+s2], $0x100, $0x38;
	[tilespmem:$0x11200] =	vst v63  }
0x2d9: {  	_ =	swait.ge [sflag:s5], $0x100  }
0x2da: {  	[sflag:s5] =	ssyncset.done $0x0  }
0x2db: {  	[sflag:s5] =	ssyncadd.s32 $0xFFFFFF00  }
0x2dc: {  	[tilespmem:s17], [sflag:$0x1] =	stream.indirect.gather [hbm4b:s3+s18], $0x80, s18, s18, $0xb8;
	[tilespmem:$0x11200] =	vst v63  }
0x2dd: {  	_ = 	snop  }
0x2de: {  	[tilespmem:s15], [sflag:$0x2] =	stream.indirect.gather [hbm4b:s4+s18], $0x1, s18, s18, $0xb8;
	[tilespmem:$0x11200] =	vst v63  }
0x2df: {  	_ =	swait.ge [sflag:s13], $0x8000  }
0x2e0: {  	[sflag:s13] =	ssyncset.done $0x0  }
0x2e1: {  	[sflag:s13] =	ssyncadd.s32 $0xFFFF8000  }
0x2e2: {  	_ =	swait.ge [sflag:s12], $0x100  }
0x2e3: {  	[sflag:s12] =	ssyncset.done $0x0  }
0x2e4: {  	s1 =	rddreg [dreg:$0x18];
	[sflag:s12] =	ssyncadd.s32 $0xFFFFFF00  }
0x2e5: {  	[hbm4b:s1+s2] =	stream.linear.scatter [tilespmem:s10], [sflag:$0x3], $0x8000, $0x38;
	[tilespmem:$0x11200] =	vst v63  }
0x2e6: {  	_ =	swait.ge [sflag:s5], $0x8000  }
0x2e7: {  	[sflag:s5] =	ssyncset.done $0x0  }
0x2e8: {  	[sflag:s5] =	ssyncadd.s32 $0xFFFF8000  }
0x2e9: {  	[hbm4b:s31+s2] =	stream.linear.scatter [tilespmem:s8], [sflag:$0x3], $0x800, $0x38;
	[tilespmem:$0x11200] =	vst v63  }
0x2ea: {  	_ =	swait.ge [sflag:s5], $0x800  }
0x2eb: {  	[sflag:s5] =	ssyncset.done $0x0  }
0x2ec: {  	[sflag:s5] =	ssyncadd.s32 $0xFFFFF800  }
0x2ed: {  	[tilespmem:s2], [sflag:$0x3] =	stream.linear.gather [hbm4b:s30+s2], $0x100, $0x38;
	[tilespmem:$0x11200] =	vst v63  }
0x2ee: {  	_ =	swait.ge [sflag:s5], $0x100  }
0x2ef: {  	[sflag:s5] =	ssyncset.done $0x0  }
0x2f0: {  	[sflag:s5] =	ssyncadd.s32 $0xFFFFFF00  }
0x2f1: {  	[tilespmem:s10], [sflag:$0x1] =	stream.indirect.gather [hbm4b:s3+s18], $0x80, s2, s18, $0xb8;
	[tilespmem:$0x11200] =	vst v63  }
0x2f2: {  	_ = 	snop  }
0x2f3: {  	[tilespmem:s8], [sflag:$0x2] =	stream.indirect.gather [hbm4b:s4+s18], $0x1, s2, s18, $0xb8;
	[tilespmem:$0x11200] =	vst v63  }
0x2f4: {  	_ =	swait.ge [sflag:s13], $0x8000  }
0x2f5: {  	[sflag:s13] =	ssyncset.done $0x0  }
0x2f6: {  	[sflag:s13] =	ssyncadd.s32 $0xFFFF8000  }
0x2f7: {  	_ =	swait.ge [sflag:s12], $0x100  }
0x2f8: {  	[sflag:s12] =	ssyncset.done $0x0  }
0x2f9: {  	[sflag:s12] =	ssyncadd.s32 $0xFFFFFF00  }
0x2fa: {  	[hbm4b:s29+s2] =	stream.linear.scatter [tilespmem:s17], [sflag:$0x3], $0x8000, $0x38;
	[tilespmem:$0x11200] =	vst v63  }
0x2fb: {  	_ =	swait.ge [sflag:s5], $0x8000  }
0x2fc: {  	[sflag:s5] =	ssyncset.done $0x0  }
0x2fd: {  	[sflag:s5] =	ssyncadd.s32 $0xFFFF8000  }
0x2fe: {  	[hbm4b:s26+s2] =	stream.linear.scatter [tilespmem:s15], [sflag:$0x3], $0x800, $0x38;
	[tilespmem:$0x11200] =	vst v63  }
0x2ff: {  	_ =	swait.ge [sflag:s5], $0x800  }
0x300: {  	[sflag:s5] =	ssyncset.done $0x0  }
0x301: {  	[sflag:s5] =	ssyncadd.s32 $0xFFFFF800  }
0x302: {  	[tilespmem:s18], [sflag:$0x3] =	stream.linear.gather [hbm4b:s28+s2], $0x100, $0x38;
	[tilespmem:$0x11200] =	vst v63  }
0x303: {  	_ =	swait.ge [sflag:s5], $0x100  }
0x304: {  	[sflag:s5] =	ssyncset.done $0x0  }
0x305: {  	[sflag:s5] =	ssyncadd.s32 $0xFFFFFF00  }
0x306: {  	[tilespmem:s17], [sflag:$0x1] =	stream.indirect.gather [hbm4b:s3+s18], $0x80, s18, s18, $0xb8;
	[tilespmem:$0x11200] =	vst v63  }
0x307: {  	_ = 	snop  }
0x308: {  	[tilespmem:s15], [sflag:$0x2] =	stream.indirect.gather [hbm4b:s4+s18], $0x1, s18, s18, $0xb8;
	[tilespmem:$0x11200] =	vst v63  }
0x309: {  	_ =	swait.ge [sflag:s13], $0x8000  }
0x30a: {  	[sflag:s13] =	ssyncset.done $0x0  }
0x30b: {  	[sflag:s13] =	ssyncadd.s32 $0xFFFF8000  }
0x30c: {  	_ =	swait.ge [sflag:s12], $0x100  }
0x30d: {  	[sflag:s12] =	ssyncset.done $0x0  }
0x30e: {  	[sflag:s12] =	ssyncadd.s32 $0xFFFFFF00  }
0x30f: {  	[hbm4b:s25+s2] =	stream.linear.scatter [tilespmem:s10], [sflag:$0x3], $0x8000, $0x38;
	[tilespmem:$0x11200] =	vst v63  }
0x310: {  	_ =	swait.ge [sflag:s5], $0x8000  }
0x311: {  	[sflag:s5] =	ssyncset.done $0x0  }
0x312: {  	[sflag:s5] =	ssyncadd.s32 $0xFFFF8000  }
0x313: {  	[hbm4b:s24+s2] =	stream.linear.scatter [tilespmem:s8], [sflag:$0x3], $0x800, $0x38;
	[tilespmem:$0x11200] =	vst v63  }
0x314: {  	_ =	swait.ge [sflag:s5], $0x800  }
0x315: {  	[sflag:s5] =	ssyncset.done $0x0  }
0x316: {  	[sflag:s5] =	ssyncadd.s32 $0xFFFFF800  }
0x317: {  	[tilespmem:s2], [sflag:$0x3] =	stream.linear.gather [hbm4b:s23+s2], $0x100, $0x38;
	[tilespmem:$0x11200] =	vst v63  }
0x318: {  	_ =	swait.ge [sflag:s5], $0x100  }
0x319: {  	[sflag:s5] =	ssyncset.done $0x0  }
0x31a: {  	[sflag:s5] =	ssyncadd.s32 $0xFFFFFF00  }
0x31b: {  	[tilespmem:s10], [sflag:$0x1] =	stream.indirect.gather [hbm4b:s3+s18], $0x80, s2, s18, $0xb8;
	[tilespmem:$0x11200] =	vst v63  }
0x31c: {  	_ = 	snop  }
0x31d: {  	[tilespmem:s8], [sflag:$0x2] =	stream.indirect.gather [hbm4b:s4+s18], $0x1, s2, s18, $0xb8;
	[tilespmem:$0x11200] =	vst v63  }
0x31e: {  	_ =	swait.ge [sflag:s13], $0x8000  }
0x31f: {  	[sflag:s13] =	ssyncset.done $0x0  }
0x320: {  	[sflag:s13] =	ssyncadd.s32 $0xFFFF8000  }
0x321: {  	_ =	swait.ge [sflag:s12], $0x100  }
0x322: {  	[sflag:s12] =	ssyncset.done $0x0  }
0x323: {  	[sflag:s12] =	ssyncadd.s32 $0xFFFFFF00  }
0x324: {  	[hbm4b:s22+s2] =	stream.linear.scatter [tilespmem:s17], [sflag:$0x3], $0x8000, $0x38;
	[tilespmem:$0x11200] =	vst v63  }
0x325: {  	_ =	swait.ge [sflag:s5], $0x8000  }
0x326: {  	[sflag:s5] =	ssyncset.done $0x0  }
0x327: {  	[sflag:s5] =	ssyncadd.s32 $0xFFFF8000  }
0x328: {  	[hbm4b:s20+s2] =	stream.linear.scatter [tilespmem:s15], [sflag:$0x3], $0x800, $0x38;
	[tilespmem:$0x11200] =	vst v63  }
0x329: {  	_ =	swait.ge [sflag:s5], $0x800  }
0x32a: {  	[sflag:s5] =	ssyncset.done $0x0  }
0x32b: {  	[sflag:s5] =	ssyncadd.s32 $0xFFFFF800  }
0x32c: {  	[tilespmem:s18], [sflag:$0x3] =	stream.linear.gather [hbm4b:s21+s2], $0x100, $0x38;
	[tilespmem:$0x11200] =	vst v63  }
0x32d: {  	_ =	swait.ge [sflag:s5], $0x100  }
0x32e: {  	[sflag:s5] =	ssyncset.done $0x0  }
0x32f: {  	[sflag:s5] =	ssyncadd.s32 $0xFFFFFF00  }
0x330: {  	[tilespmem:s17], [sflag:$0x1] =	stream.indirect.gather [hbm4b:s3+s18], $0x80, s18, s18, $0xb8;
	[tilespmem:$0x11200] =	vst v63  }
0x331: {  	_ = 	snop  }
0x332: {  	[tilespmem:s15], [sflag:$0x2] =	stream.indirect.gather [hbm4b:s4+s18], $0x1, s18, s18, $0xb8;
	[tilespmem:$0x11200] =	vst v63  }
0x333: {  	_ =	swait.ge [sflag:s13], $0x8000  }
0x334: {  	[sflag:s13] =	ssyncset.done $0x0  }
0x335: {  	[sflag:s13] =	ssyncadd.s32 $0xFFFF8000  }
0x336: {  	_ =	swait.ge [sflag:s12], $0x100  }
0x337: {  	[sflag:s12] =	ssyncset.done $0x0  }
0x338: {  	[sflag:s12] =	ssyncadd.s32 $0xFFFFFF00  }
0x339: {  	[hbm4b:s19+s2] =	stream.linear.scatter [tilespmem:s10], [sflag:$0x3], $0x8000, $0x38;
	[tilespmem:$0x11200] =	vst v63  }
0x33a: {  	_ =	swait.ge [sflag:s5], $0x8000  }
0x33b: {  	[sflag:s5] =	ssyncset.done $0x0  }
0x33c: {  	[sflag:s5] =	ssyncadd.s32 $0xFFFF8000  }
0x33d: {  	[hbm4b:s16+s2] =	stream.linear.scatter [tilespmem:s8], [sflag:$0x3], $0x800, $0x38;
	[tilespmem:$0x11200] =	vst v63  }
0x33e: {  	_ =	swait.ge [sflag:s5], $0x800  }
0x33f: {  	[sflag:s5] =	ssyncset.done $0x0  }
0x340: {  	[sflag:s5] =	ssyncadd.s32 $0xFFFFF800  }
0x341: {  	[tilespmem:s2], [sflag:$0x3] =	stream.linear.gather [hbm4b:s14+s2], $0x100, $0x38;
	[tilespmem:$0x11200] =	vst v63  }
0x342: {  	_ =	swait.ge [sflag:s5], $0x100  }
0x343: {  	[sflag:s5] =	ssyncset.done $0x0  }
0x344: {  	[sflag:s5] =	ssyncadd.s32 $0xFFFFFF00  }
0x345: {  	[tilespmem:s10], [sflag:$0x1] =	stream.indirect.gather [hbm4b:s3+s18], $0x80, s2, s18, $0xb8;
	[tilespmem:$0x11200] =	vst v63  }
0x346: {  	_ = 	snop  }
0x347: {  	[tilespmem:s8], [sflag:$0x2] =	stream.indirect.gather [hbm4b:s4+s18], $0x1, s2, s18, $0xb8;
	[tilespmem:$0x11200] =	vst v63  }
0x348: {  	_ =	swait.ge [sflag:s13], $0x8000  }
0x349: {  	[sflag:s13] =	ssyncset.done $0x0  }
0x34a: {  	[sflag:s13] =	ssyncadd.s32 $0xFFFF8000  }
0x34b: {  	_ =	swait.ge [sflag:s12], $0x100  }
0x34c: {  	[sflag:s12] =	ssyncset.done $0x0  }
0x34d: {  	[sflag:s12] =	ssyncadd.s32 $0xFFFFFF00  }
0x34e: {  	[hbm4b:s11+s2] =	stream.linear.scatter [tilespmem:s17], [sflag:$0x3], $0x8000, $0x38;
	[tilespmem:$0x11200] =	vst v63  }
0x34f: {  	_ =	swait.ge [sflag:s5], $0x8000  }
0x350: {  	[sflag:s5] =	ssyncset.done $0x0  }
0x351: {  	[sflag:s5] =	ssyncadd.s32 $0xFFFF8000  }
0x352: {  	[hbm4b:s9+s2] =	stream.linear.scatter [tilespmem:s15], [sflag:$0x3], $0x800, $0x38;
	[tilespmem:$0x11200] =	vst v63  }
0x353: {  	_ =	swait.ge [sflag:s5], $0x800  }
0x354: {  	[sflag:s5] =	ssyncset.done $0x0  }
0x355: {  	[sflag:s5] =	ssyncadd.s32 $0xFFFFF800  }
0x356: {  	_ =	swait.ge [sflag:s13], $0x8000  }
0x357: {  	[sflag:s13] =	ssyncset.done $0x0  }
0x358: {  	[sflag:s13] =	ssyncadd.s32 $0xFFFF8000  }
0x359: {  	_ =	swait.ge [sflag:s12], $0x100  }
0x35a: {  	[sflag:s12] =	ssyncset.done $0x0  }
0x35b: {  	[sflag:s12] =	ssyncadd.s32 $0xFFFFFF00  }
0x35c: {  	[hbm4b:s7+s2] =	stream.linear.scatter [tilespmem:s10], [sflag:$0x3], $0x8000, $0x38;
	[tilespmem:$0x11200] =	vst v63  }
0x35d: {  	_ =	swait.ge [sflag:s5], $0x8000  }
0x35e: {  	[sflag:s5] =	ssyncset.done $0x0  }
0x35f: {  	[sflag:s5] =	ssyncadd.s32 $0xFFFF8000  }
0x360: {  	[hbm4b:s6+s2] =	stream.linear.scatter [tilespmem:s8], [sflag:$0x3], $0x800, $0x38;
	[tilespmem:$0x11200] =	vst v63  }
0x361: {  	_ =	swait.ge [sflag:s5], $0x800  }
0x362: {  	[sflag:s5] =	ssyncset.done $0x0  }
0x363: {  	[sflag:s5] =	ssyncadd.s32 $0xFFFFF800  }
0x364: {  	_ =	sfence.sel $0x180000  }
0x365: {  	[bflag:$0x0] =	sbarrier.arrive $0xFFFF  }
0x366: {  	_ =	strace $0x90000047  }
0x367: {  	s31 =	stileid.u32;
	[bflag:$0x2] =	sbarrier.arrive $0xFFFF  }
0x368: {  	p0 =	sne.s32 s31, $0x0;
	s0 =	rddreg [dreg:$0x3]  }
0x369: {  	s0 =	sadd.s32 @!p0 $0x100000, s0  }
0x36a: {  	[sflag:s0] =	ssyncadd.tile.s32 @!p0 $0x1;
	_ =	shalt  }
.Lfunc_end2:
_tile_overlayer_lowered:
.L_overlay_start_2:
0x36b: {  	(tag) =	ssettag $0x2  }
0x36c: {  	s0 =	rddreg [dreg:$0x0];
	s2 =	stileid.u32  }
0x36d: {  	s1 =	rddreg [dreg:$0x1];
	p0 =	sne.s32 s2, $0x0  }
0x36e: {  	s3 =	rddreg [dreg:$0x2];
	[bflag:$0x3] =	sbarrier.arrive $0xFFFF;
	s2 =	simm.s32 @!p0 $0x1C03  }
0x36f: {  	[timem:s3], [sflag:s2] =	dma.local @!p0 [hbm:s0], s1  }
0x370: {  	s0 =	simm.s32 @!p0 $0x3  }
0x371: {  	_ =	swait.ge @!p0 [sflag:s0], s1  }
0x372: {  	s1 =	ssub.s32 @!p0 $0x0, s1;
	[sflag:s0] =	ssyncset.done @!p0 $0x0  }
0x373: {  	[sflag:s0] =	ssyncadd.s32 @!p0 s1  }
0x374: {  	[bflag:$0x3] =	sbarrier.arrive $0xFFFF  }
0x375: {  	_ =	shalt  }

</sc_bundles>
